<compile_context>
chip_gen: v7x
topology: tpu7x:2x2x1
jax: 0.10.2.dev20260603
libtpu: 0.0.44.dev20260713+nightly
codegen_flags: <defaults>
</compile_context>

<pallas_src>
import functools

import jax
import jax.numpy as jnp
from jax import lax
from jax.experimental import pallas as pl
from jax.experimental.pallas import tpu as pltpu
from jax.experimental.pallas import tpu_sc as plsc

H = 64
HP = 128
N = 2048
E = 8192
B = 64
NG = 3
NT = NG * N
ET = NG * E
NC = 2
NS = 16
NW = NC * NS
EPW = ET // NW
CH = 128
NCH = EPW // CH
HN = NT // 2
EPT = ET // NS
NCH2 = EPT // CH
HSLAB = HN // NS



def _sc_gather_body(h_hbm, src_hbm, out_hbm, idx_v, rows_v, sem, sem2):
    wid = lax.axis_index("s") * NC + lax.axis_index("c")
    base = pl.multiple_of(wid * EPW, EPW)
    pltpu.sync_copy(src_hbm.at[pl.ds(base, EPW)], idx_v)
    gathers = []
    for j in range(NCH):
        gathers.append(pltpu.async_copy(
            h_hbm.at[idx_v.at[pl.ds(j * CH, CH)]],
            rows_v.at[pl.ds(j * CH, CH)], sem))
    outs = []
    for j in range(NCH):
        gathers[j].wait()
        outs.append(pltpu.async_copy(
            rows_v.at[pl.ds(j * CH, CH)],
            out_hbm.at[pl.ds(base + j * CH, CH)], sem2))
    for cp in outs:
        cp.wait()


def _sc_scatter_body(msg_hbm, dstc_hbm, zeros_hbm, out_hbm,
                     idx_v, msg_v, acc_sh, sem1, sem2):
    c = lax.axis_index("c")
    s = lax.axis_index("s")
    slab = pl.multiple_of(s * HSLAB, 8)
    pltpu.sync_copy(
        dstc_hbm.at[pl.ds(pl.multiple_of(c * (NS * 16) + s * 16, 16), 16)],
        idx_v)
    pltpu.sync_copy(zeros_hbm, acc_sh.at[pl.ds(slab, HSLAB)])
    plsc.subcore_barrier()
    base = pl.multiple_of(s * EPT, EPT)
    stages = {}
    scats = []
    nsw = 0
    for j in range(NCH):
        stages[j] = pltpu.async_copy(
            msg_hbm.at[pl.ds(base + j * CH, CH)],
            msg_v.at[pl.ds(j * CH, CH)], sem1)
    for j in range(NCH2):
        sl = pl.ds((j % NCH) * CH, CH)
        stages[j].wait()
        scats.append(pltpu.async_copy(
            msg_v.at[sl], acc_sh.at[idx_v.at[j]], sem2, add=True))
        jn = j + NCH
        if jn < NCH2:
            scats[nsw].wait()
            nsw += 1
            stages[jn] = pltpu.async_copy(
                msg_hbm.at[pl.ds(base + jn * CH, CH)],
                msg_v.at[pl.ds((jn % NCH) * CH, CH)], sem1)
    for j in range(nsw, NCH2):
        scats[j].wait()
    plsc.subcore_barrier()
    pltpu.sync_copy(acc_sh.at[pl.ds(slab, HSLAB)], msg_v.at[pl.ds(0, HSLAB)])
    pltpu.sync_copy(
        msg_v.at[pl.ds(0, HSLAB)],
        out_hbm.at[pl.ds(pl.multiple_of(c * HN + s * HSLAB, 8), HSLAB)])


@functools.lru_cache(maxsize=1)
def _sc_kernels():
    mesh = plsc.VectorSubcoreMesh(
        core_axis_name="c", subcore_axis_name="s",
        num_cores=NC, num_subcores=NS)
    gather = pl.kernel(
        _sc_gather_body,
        out_type=jax.ShapeDtypeStruct((ET, HP), jnp.float32),
        mesh=mesh,
        compiler_params=pltpu.CompilerParams(use_tc_tiling_on_sc=True),
        scratch_types=[
            pltpu.VMEM((EPW,), jnp.int32),
            pltpu.VMEM((EPW, HP), jnp.float32),
            pltpu.SemaphoreType.DMA,
            pltpu.SemaphoreType.DMA,
        ],
    )
    scatter = pl.kernel(
        _sc_scatter_body,
        out_type=jax.ShapeDtypeStruct((NT, HP), jnp.float32),
        mesh=mesh,
        compiler_params=pltpu.CompilerParams(use_tc_tiling_on_sc=True),
        scratch_types=[
            pltpu.VMEM((16, CH), jnp.int32),
            pltpu.VMEM((EPW, HP), jnp.float32),
            pltpu.VMEM_SHARED((HN + 8, HP), jnp.float32),
            pltpu.SemaphoreType.DMA,
            pltpu.SemaphoreType.DMA,
        ],
    )
    return gather, scatter


def _sc_gather(h, src):
    return _sc_kernels()[0](h, src)


def _sc_scatter(msg, dstg, zeros):
    return _sc_kernels()[1](msg, dstg, zeros)



def _proj_body(x2_ref, xp_ref, w_ref, b_ref, o_ref):
    w = w_ref[...]
    b = b_ref[...]
    z = jnp.zeros((N, H), jnp.float32)
    for g in range(NG):
        x = xp_ref[...] if g == 2 else x2_ref[g]
        hg = jnp.maximum(
            jnp.dot(x, w, preferred_element_type=jnp.float32) + b, 0.0)
        o_ref[g * N:(g + 1) * N, :] = jnp.concatenate([hg, z], axis=1)


_MSG_BLK = 2048


def _msg_body(hs_ref, ef_ref, rmat_ref, whi_ref, o_ref):
    hs = hs_ref[:, 0:H]
    efb = jnp.dot(ef_ref[...], rmat_ref[...],
                  preferred_element_type=jnp.float32)
    hst = jnp.concatenate([hs] * 16, axis=1)
    u = jnp.concatenate([efb * hst, hs], axis=1)
    msg = jnp.dot(u, whi_ref[...], preferred_element_type=jnp.float32)
    o_ref[...] = jnp.concatenate(
        [msg, jnp.zeros((_MSG_BLK, HP - H), jnp.float32)], axis=1)


def _msg_call(hs, ef, rmat, whi):
    grid = ET // _MSG_BLK
    return pl.pallas_call(
        _msg_body,
        grid=(grid,),
        in_specs=[
            pl.BlockSpec((_MSG_BLK, HP), lambda i: (i, 0)),
            pl.BlockSpec((_MSG_BLK, 16), lambda i: (i, 0)),
            pl.BlockSpec((16, 16 * H), lambda i: (0, 0)),
            pl.BlockSpec((17 * H, H), lambda i: (0, 0)),
        ],
        out_specs=pl.BlockSpec((_MSG_BLK, HP), lambda i: (i, 0)),
        out_shape=jax.ShapeDtypeStruct((ET, HP), jnp.float32),
    )(hs, ef, rmat, whi)


def _nt_dot(a, b):
    return lax.dot_general(a, b, (((1,), (1,)), ((), ())),
                           preferred_element_type=jnp.float32)


def _nn_dot(a, b):
    return jnp.dot(a, b, preferred_element_type=jnp.float32)


def _gru_body(aggp_ref, h_ref, wih_ref, whh_ref, bih_ref, bhh_ref,
              bconv_ref, o_ref):
    agg = aggp_ref[:, 0:H] + bconv_ref[...]
    m = jnp.maximum(agg, 0.0)
    h = h_ref[:, 0:H]
    gi = _nt_dot(m, wih_ref[...]) + bih_ref[...]
    gh = _nt_dot(h, whh_ref[...]) + bhh_ref[...]
    r = jax.nn.sigmoid(gi[:, 0:H] + gh[:, 0:H])
    z = jax.nn.sigmoid(gi[:, H:2 * H] + gh[:, H:2 * H])
    nn_ = jnp.tanh(gi[:, 2 * H:3 * H] + r * gh[:, 2 * H:3 * H])
    hn = (1.0 - z) * nn_ + z * h
    o_ref[...] = jnp.concatenate(
        [hn, jnp.zeros((NT, HP - H), jnp.float32)], axis=1)


def _prelu(x, a):
    return jnp.where(x >= 0.0, x, a * x)


def _s2s_body(h0_ref, h_ref, n2gc_ref, n2gr_ref, rinds_ref,
              wihs_ref, whhs_ref, bihs_ref, bhhs_ref,
              wsp_ref, bsp_ref, asp_ref, wem_ref, bem_ref, aem_ref,
              w1_ref, b1_ref, a1_ref, w2_ref, b2_ref, a2_ref,
              w3_ref, b3_ref, o_ref):
    M = (n2gc_ref[...] == lax.broadcasted_iota(jnp.int32, (N, B), 1)
         ).astype(jnp.float32)
    MT = (n2gr_ref[...] == lax.broadcasted_iota(jnp.int32, (B, N), 0)
          ).astype(jnp.float32)
    gs = []
    for g in range(NG):
        feat = jnp.concatenate(
            [h0_ref[g * N:(g + 1) * N, 0:H], h_ref[g * N:(g + 1) * N, 0:H]],
            axis=1)
        q_star = jnp.zeros((B, 4 * H), jnp.float32)
        hs = jnp.zeros((B, 2 * H), jnp.float32)
        cs = jnp.zeros((B, 2 * H), jnp.float32)
        for _ in range(3):
            gates = (_nt_dot(q_star, wihs_ref[...]) + bihs_ref[...]
                     + _nt_dot(hs, whhs_ref[...]) + bhhs_ref[...])
            gi_ = gates[:, 0:2 * H]
            gf_ = gates[:, 2 * H:4 * H]
            gg_ = gates[:, 4 * H:6 * H]
            go_ = gates[:, 6 * H:8 * H]
            cs = jax.nn.sigmoid(gf_) * cs + jax.nn.sigmoid(gi_) * jnp.tanh(gg_)
            hs = jax.nn.sigmoid(go_) * jnp.tanh(cs)
            q = hs
            mq = _nn_dot(M, q)
            e = jnp.sum(feat * mq, axis=1, keepdims=True)
            smat = jnp.where(M > 0.0, e, -1e30)
            emax = jnp.max(smat, axis=0, keepdims=True)
            emax_n = jnp.sum(M * emax, axis=1, keepdims=True)
            ee = jnp.exp(e - emax_n)
            denom = jnp.sum(M * ee, axis=0, keepdims=True)
            denom_n = jnp.sum(M * denom, axis=1, keepdims=True)
            alpha = ee / denom_n
            readout = _nn_dot(MT, alpha * feat)
            q_star = jnp.concatenate([q, readout], axis=1)
        gsp = _nn_dot(q_star, wsp_ref[...]) + bsp_ref[...]
        gs.append(_prelu(gsp, asp_ref[...]))
    r_graph = 0.5 * (gs[0] + gs[1])
    cat = jnp.concatenate([r_graph, gs[2]], axis=1)
    re = _prelu(_nn_dot(cat, wem_ref[...]) + bem_ref[...], aem_ref[...])
    for r_i in range(2):
        ind = jnp.broadcast_to(rinds_ref[r_i:r_i + 1, :], (B, 8))
        inp = jnp.concatenate([gs[r_i] - re, ind], axis=1)
        h1 = _prelu(_nn_dot(inp, w1_ref[...]) + b1_ref[...], a1_ref[...])
        h2 = _prelu(_nn_dot(h1, w2_ref[...]) + b2_ref[...], a2_ref[...])
        o_ref[r_i, :, :] = _nn_dot(h2, w3_ref[...]) + b3_ref[...]


def _proj_call(x2, xp, w, b):
    return pl.pallas_call(
        _proj_body,
        out_shape=jax.ShapeDtypeStruct((NT, HP), jnp.float32),
    )(x2, xp, w, b)


def _gru_call(aggp, h, wih, whh, bih, bhh, bconv):
    return pl.pallas_call(
        _gru_body,
        out_shape=jax.ShapeDtypeStruct((NT, HP), jnp.float32),
    )(aggp, h, wih, whh, bih, bhh, bconv)


def _s2s_call(h0, h, n2gc, n2gr, rinds, args):
    return pl.pallas_call(
        _s2s_body,
        out_shape=jax.ShapeDtypeStruct((2, B, 128), jnp.float32),
    )(h0, h, n2gc, n2gr, rinds, *args)


def kernel(r_node_feats, r_edge_feats, p_node_feats, p_edge_feats, rinds,
           params, r_edge_index, p_edge_index, node2graph):
    p = params
    f32 = jnp.float32

    ef = jnp.concatenate([r_edge_feats[0], r_edge_feats[1], p_edge_feats],
                         axis=0)
    src = jnp.concatenate([
        r_edge_index[0, 0], r_edge_index[1, 0] + N, p_edge_index[0] + 2 * N])
    dst = jnp.concatenate([
        r_edge_index[0, 1], r_edge_index[1, 1] + N, p_edge_index[1] + 2 * N])
    dst0 = jnp.where(dst < HN, dst, HN)
    dst1 = jnp.where(dst >= HN, dst - HN, HN)
    dstc = jnp.concatenate([
        jnp.pad(d.reshape(NS, NCH2, CH), ((0, 0), (0, 16 - NCH2), (0, 0)))
        for d in (dst0, dst1)], axis=0).reshape(NC * NS * 16, CH)
    zeros = jnp.zeros((HSLAB, HP), f32)

    bf16 = jnp.bfloat16
    rmat = jnp.kron(jnp.eye(16, dtype=f32), jnp.ones((1, H), f32))
    w2p = jnp.concatenate([
        p['W_edge'].reshape(16 * H, H),
        p['b_edge'].reshape(H, H)], axis=0)


    h0 = _proj_call(r_node_feats, p_node_feats,
                    p['W_proj'], p['b_proj'].reshape(1, H))

    def _step(_, h):
        hs = _sc_gather(h, src)
        msg = _msg_call(hs, ef, rmat, w2p)
        aggp = _sc_scatter(msg, dstc, zeros)
        return _gru_call(aggp, h, p['W_ih'], p['W_hh'],
                         p['b_ih'].reshape(1, 3 * H),
                         p['b_hh'].reshape(1, 3 * H),
                         p['b_conv'].reshape(1, H))

    h = lax.fori_loop(0, 3, _step, h0)

    s2s_args = (
        p['W_ih_s'], p['W_hh_s'],
        p['b_ih_s'].reshape(1, 8 * H), p['b_hh_s'].reshape(1, 8 * H),
        p['W_sp'], p['b_sp'].reshape(1, 1024), p['a_sp'].reshape(1, 1),
        p['W_em'], p['b_em'].reshape(1, 1024), p['a_em'].reshape(1, 1),
        p['W1'], p['b1'].reshape(1, 512), p['a1'].reshape(1, 1),
        p['W2'], p['b2'].reshape(1, 512), p['a2'].reshape(1, 1),
        jnp.pad(p['W3'], ((0, 0), (0, 126))),
        jnp.pad(p['b3'], (0, 126)).reshape(1, 128),
    )
    res = _s2s_call(h0, h, node2graph.reshape(N, 1), node2graph.reshape(1, N),
                    rinds, s2s_args)
    return jnp.transpose(res[:, :, 0:2], (1, 0, 2))

# --- scband reference (transcript-rebuilt; emitter-appended) ---
"""Pipeline reference for scband-reaction-mpnn-18442589569457 (READ-ONLY COPY).

The authoritative reference and input builder live on the scoring server;
editing this copy changes nothing except your own understanding.
"""

import jax, jax.numpy as jnp
import numpy as np

H = 64
N = 2048
E = 8192
B = 64
NODE_IN = 128
EDGE_IN = 16
N_CAT = 8
READOUT = 1024
PRED_H = 512


def _init_params(key):
    ks = jax.random.split(key, 16)
    s = lambda k, shape: jax.random.normal(k, shape, dtype=jnp.float32) * 0.05
    z = lambda shape: jnp.zeros(shape, jnp.float32)
    p = {}
    p['W_proj'] = s(ks[0], (NODE_IN, H)); p['b_proj'] = z((H,))
    p['W_edge'] = s(ks[1], (EDGE_IN, H * H)); p['b_edge'] = z((H * H,))
    p['b_conv'] = z((H,))
    p['W_ih'] = s(ks[2], (3 * H, H)); p['W_hh'] = s(ks[3], (3 * H, H))
    p['b_ih'] = z((3 * H,)); p['b_hh'] = z((3 * H,))
    p['W_ih_s'] = s(ks[4], (8 * H, 4 * H)); p['W_hh_s'] = s(ks[5], (8 * H, 2 * H))
    p['b_ih_s'] = z((8 * H,)); p['b_hh_s'] = z((8 * H,))
    p['W_sp'] = s(ks[6], (4 * H, READOUT)); p['b_sp'] = z((READOUT,)); p['a_sp'] = jnp.asarray(0.25, jnp.float32)
    p['W_em'] = s(ks[7], (2 * READOUT, READOUT)); p['b_em'] = z((READOUT,)); p['a_em'] = jnp.asarray(0.25, jnp.float32)
    p['W1'] = s(ks[8], (READOUT + N_CAT, PRED_H)); p['b1'] = z((PRED_H,)); p['a1'] = jnp.asarray(0.25, jnp.float32)
    p['W2'] = s(ks[9], (PRED_H, PRED_H)); p['b2'] = z((PRED_H,)); p['a2'] = jnp.asarray(0.25, jnp.float32)
    p['W3'] = s(ks[10], (PRED_H, 2)); p['b3'] = z((2,))
    return p


def setup_inputs(seed: int = 0):
    key = jax.random.key(seed)
    ks = jax.random.split(key, 10)
    return {
        'r_node_feats': jax.random.normal(ks[0], (2, N, NODE_IN), dtype=jnp.float32),
        'r_edge_feats': jax.random.normal(ks[1], (2, E, EDGE_IN), dtype=jnp.float32),
        'p_node_feats': jax.random.normal(ks[2], (N, NODE_IN), dtype=jnp.float32),
        'p_edge_feats': jax.random.normal(ks[3], (E, EDGE_IN), dtype=jnp.float32),
        'rinds': jax.random.uniform(ks[4], (2, N_CAT), dtype=jnp.float32),
        'params': _init_params(ks[5]),
        'r_edge_index': jax.random.randint(ks[6], (2, 2, E), 0, N, dtype=jnp.int32),
        'p_edge_index': jax.random.randint(ks[7], (2, E), 0, N, dtype=jnp.int32),
        'node2graph': jnp.sort(jax.random.randint(ks[8], (N,), 0, B, dtype=jnp.int32)),
    }


def _prelu(x, a):
    return jnp.where(x >= 0, x, a * x)


def _mpnn(x, efeat, edge_index, node2graph, p):
    h = jax.nn.relu(x @ p['W_proj'] + p['b_proj'])
    h0 = h
    hidden = h
    src = edge_index[0]
    dst = edge_index[1]
    We = (efeat @ p['W_edge'] + p['b_edge']).reshape(E, H, H)
    for _ in range(3):
        msg = jnp.einsum('eh,eho->eo', h[src], We)
        agg = jax.ops.segment_sum(msg, dst, num_segments=N) + p['b_conv']
        m = jax.nn.relu(agg)
        gi = m @ p['W_ih'].T + p['b_ih']
        gh = hidden @ p['W_hh'].T + p['b_hh']
        i_r, i_z, i_n = jnp.split(gi, 3, axis=-1)
        h_r, h_z, h_n = jnp.split(gh, 3, axis=-1)
        r = jax.nn.sigmoid(i_r + h_r)
        z = jax.nn.sigmoid(i_z + h_z)
        nn_ = jnp.tanh(i_n + r * h_n)
        hidden = (1.0 - z) * nn_ + z * hidden
        h = hidden
    feat = jnp.concatenate([h0, h], axis=1)
    q_star = jnp.zeros((B, 4 * H), jnp.float32)
    hs = jnp.zeros((B, 2 * H), jnp.float32)
    cs = jnp.zeros((B, 2 * H), jnp.float32)
    for _ in range(3):
        gates = q_star @ p['W_ih_s'].T + p['b_ih_s'] + hs @ p['W_hh_s'].T + p['b_hh_s']
        gi_, gf_, gg_, go_ = jnp.split(gates, 4, axis=-1)
        cs = jax.nn.sigmoid(gf_) * cs + jax.nn.sigmoid(gi_) * jnp.tanh(gg_)
        hs = jax.nn.sigmoid(go_) * jnp.tanh(cs)
        q = hs
        e = jnp.sum(feat * q[node2graph], axis=-1)
        emax = jax.ops.segment_max(e, node2graph, num_segments=B)
        ee = jnp.exp(e - emax[node2graph])
        denom = jax.ops.segment_sum(ee, node2graph, num_segments=B)
        alpha = ee / denom[node2graph]
        readout = jax.ops.segment_sum(alpha[:, None] * feat, node2graph, num_segments=B)
        q_star = jnp.concatenate([q, readout], axis=-1)
    return _prelu(q_star @ p['W_sp'] + p['b_sp'], p['a_sp'])


def _forward(r_node_feats, r_edge_feats, p_node_feats, p_edge_feats, rinds, params, r_edge_index, p_edge_index, node2graph):
    embeds = []
    for r in range(2):
        g = _mpnn(r_node_feats[r], r_edge_feats[r], r_edge_index[r], node2graph, params)
        ind = jnp.tile(rinds[r][None, :], (B, 1))
        embeds.append(jnp.concatenate([g, ind], axis=1))
    r_embeds = jnp.stack(embeds)
    r_graph = jnp.mean(r_embeds, axis=0)[:, :READOUT]
    p_graph = _mpnn(p_node_feats, p_edge_feats, p_edge_index, node2graph, params)
    re = _prelu(jnp.concatenate([r_graph, p_graph], axis=-1) @ params['W_em'] + params['b_em'], params['a_em'])
    re = jnp.broadcast_to(re[None], (2, B, READOUT))
    inp = jnp.concatenate([r_embeds[:, :, :READOUT] - re, r_embeds[:, :, READOUT:]], axis=2)
    h1 = _prelu(inp @ params['W1'] + params['b1'], params['a1'])
    h2 = _prelu(h1 @ params['W2'] + params['b2'], params['a2'])
    out = h2 @ params['W3'] + params['b3']
    return jnp.transpose(out, (1, 0, 2))


def reference(r_node_feats, r_edge_feats, p_node_feats, p_edge_feats, rinds, params, r_edge_index, p_edge_index, node2graph):
    return _forward(r_node_feats, r_edge_feats, p_node_feats, p_edge_feats, rinds, params, r_edge_index, p_edge_index, node2graph)

if __name__ == "__main__":
    import jax
    _d = setup_inputs()
    print(jax.jit(kernel)(*tuple(_d.values())))

</pallas_src>

<mosaic_0001>
#map = affine_map<(d0, d1) -> (0, 0)>
module attributes {stable_mosaic.version = 14 : i64} {
  func.func @_sc_scatter_body(%arg0: i32, %arg1: i32, %arg2: memref<24576x128xf32, #tpu.memory_space<hbm>>, %arg3: memref<512x128xi32, #tpu.memory_space<hbm>>, %arg4: memref<192x128xf32, #tpu.memory_space<hbm>>, %arg5: memref<6144x128xf32, #tpu.memory_space<hbm>>, %arg6: memref<16x128xi32, #tpu.memory_space<vmem>>, %arg7: memref<768x128xf32, #tpu.memory_space<vmem>>, %arg8: memref<3080x128xf32, #tpu.memory_space<vmem_shared>>, %arg9: memref<!tpu.dma_semaphore, #tpu.memory_space<semaphore_mem>>, %arg10: memref<!tpu.dma_semaphore, #tpu.memory_space<semaphore_mem>>) attributes {dimension_semantics = [#tpu.dimension_semantics<core_parallel>, #tpu.dimension_semantics<subcore_parallel>], iteration_bounds = array<i64: 2, 16>, scalar_prefetch = 0 : i64, scratch_operands = 5 : i64, tpu.core_type = #tpu.core_type<sc_vector_subcore>, window_params = [{transform_indices = #map}, {transform_indices = #map}, {transform_indices = #map}, {transform_indices = #map}]} {
    %mul3A = arith.constant 192 : i32
    %mul3A_0 = arith.muli %arg1, %mul3A : i32
    %multiple_of3A = tpu.assume_multiple %mul3A_0, 8 : i32
    %mul3A_1 = arith.constant 256 : i32
    %mul3A_2 = arith.muli %arg0, %mul3A_1 : i32
    %mul3A_3 = arith.constant 16 : i32
    %mul3A_4 = arith.muli %arg1, %mul3A_3 : i32
    %add3A = arith.addi %mul3A_2, %mul3A_4 : i32
    %multiple_of3A_5 = tpu.assume_multiple %add3A, 16 : i32
    "tpu.region"() ({
      %run_scoped3A = tpu.sem_alloc : memref<!tpu.dma_semaphore, #tpu.memory_space<semaphore_mem>>
      %dma_start3A_518 = arith.constant 0 : i32
      %dma_start3A_519 = tpu.memref_slice %arg3[%multiple_of3A_5, %dma_start3A_518] : memref<512x128xi32, #tpu.memory_space<hbm>> -> memref<16x128xi32, #tpu.memory_space<hbm>>
      %dma_start3A_520 = arith.constant 0 : i32
      %dma_start3A_521 = tpu.memref_slice %arg3[%multiple_of3A_5, %dma_start3A_520] : memref<512x128xi32, #tpu.memory_space<hbm>> -> memref<16x128xi32, #tpu.memory_space<hbm>>
      tpu.enqueue_dma source(%dma_start3A_521 : memref<16x128xi32, #tpu.memory_space<hbm>>) target(%arg6 : memref<16x128xi32, #tpu.memory_space<vmem>>) target_semaphore(%run_scoped3A : memref<!tpu.dma_semaphore, #tpu.memory_space<semaphore_mem>>)
      %dma_wait3A_522 = arith.constant 0 : i32
      %dma_wait3A_523 = tpu.memref_slice %arg3[%multiple_of3A_5, %dma_wait3A_522] : memref<512x128xi32, #tpu.memory_space<hbm>> -> memref<16x128xi32, #tpu.memory_space<hbm>>
      %dma_wait3A_524 = arith.constant 0 : i32
      %dma_wait3A_525 = tpu.memref_slice %arg3[%multiple_of3A_5, %dma_wait3A_524] : memref<512x128xi32, #tpu.memory_space<hbm>> -> memref<16x128xi32, #tpu.memory_space<hbm>>
      tpu.wait_dma2 semaphore(%run_scoped3A : memref<!tpu.dma_semaphore, #tpu.memory_space<semaphore_mem>>) src(%dma_wait3A_525 : memref<16x128xi32, #tpu.memory_space<hbm>>) dst(%arg6 : memref<16x128xi32, #tpu.memory_space<vmem>>)
      tpu.yield
    }) : () -> ()
    "tpu.region"() ({
      %run_scoped3A = tpu.sem_alloc : memref<!tpu.dma_semaphore, #tpu.memory_space<semaphore_mem>>
      %dma_start3A_518 = arith.constant 0 : i32
      %dma_start3A_519 = tpu.memref_slice %arg8[%multiple_of3A, %dma_start3A_518] : memref<3080x128xf32, #tpu.memory_space<vmem_shared>> -> memref<192x128xf32, #tpu.memory_space<vmem_shared>>
      tpu.enqueue_dma source(%arg4 : memref<192x128xf32, #tpu.memory_space<hbm>>) target(%dma_start3A_519 : memref<192x128xf32, #tpu.memory_space<vmem_shared>>) target_semaphore(%run_scoped3A : memref<!tpu.dma_semaphore, #tpu.memory_space<semaphore_mem>>)
      %dma_wait3A_520 = arith.constant 0 : i32
      %dma_wait3A_521 = tpu.memref_slice %arg8[%multiple_of3A, %dma_wait3A_520] : memref<3080x128xf32, #tpu.memory_space<vmem_shared>> -> memref<192x128xf32, #tpu.memory_space<vmem_shared>>
      tpu.wait_dma2 semaphore(%run_scoped3A : memref<!tpu.dma_semaphore, #tpu.memory_space<semaphore_mem>>) src(%arg4 : memref<192x128xf32, #tpu.memory_space<hbm>>) dst(%dma_wait3A_521 : memref<192x128xf32, #tpu.memory_space<vmem_shared>>)
      tpu.yield
    }) : () -> ()
    %barrier3A = arith.constant 0 : index
    tpu.barrier barrier_id(%barrier3A)
    %mul3A_6 = arith.constant 1536 : i32
    %mul3A_7 = arith.muli %arg1, %mul3A_6 : i32
    %multiple_of3A_8 = tpu.assume_multiple %mul3A_7, 1536 : i32
    %add3A_9 = arith.constant 0 : i32
    %add3A_10 = arith.addi %multiple_of3A_8, %add3A_9 : i32
    %dma_start3A = arith.constant 0 : i32
    %dma_start3A_11 = arith.constant 0 : i32
    %dma_start3A_12 = tpu.memref_slice %arg7[%dma_start3A, %dma_start3A_11] : memref<768x128xf32, #tpu.memory_space<vmem>> -> memref<128x128xf32, #tpu.memory_space<vmem>>
    %dma_start3A_13 = arith.constant 0 : i32
    %dma_start3A_14 = tpu.memref_slice %arg2[%add3A_10, %dma_start3A_13] : memref<24576x128xf32, #tpu.memory_space<hbm>> -> memref<128x128xf32, #tpu.memory_space<hbm>>
    %dma_start3A_15 = arith.constant 0 : i32
    %dma_start3A_16 = arith.constant 0 : i32
    %dma_start3A_17 = tpu.memref_slice %arg7[%dma_start3A_15, %dma_start3A_16] : memref<768x128xf32, #tpu.memory_space<vmem>> -> memref<128x128xf32, #tpu.memory_space<vmem>>
    %dma_start3A_18 = arith.constant 0 : i32
    %dma_start3A_19 = tpu.memref_slice %arg2[%add3A_10, %dma_start3A_18] : memref<24576x128xf32, #tpu.memory_space<hbm>> -> memref<128x128xf32, #tpu.memory_space<hbm>>
    tpu.enqueue_dma source(%dma_start3A_19 : memref<128x128xf32, #tpu.memory_space<hbm>>) target(%dma_start3A_17 : memref<128x128xf32, #tpu.memory_space<vmem>>) target_semaphore(%arg9 : memref<!tpu.dma_semaphore, #tpu.memory_space<semaphore_mem>>)
    %add3A_20 = arith.constant 128 : i32
    %add3A_21 = arith.addi %multiple_of3A_8, %add3A_20 : i32
    %dma_start3A_22 = arith.constant 128 : i32
    %dma_start3A_23 = arith.constant 0 : i32
    %dma_start3A_24 = tpu.memref_slice %arg7[%dma_start3A_22, %dma_start3A_23] : memref<768x128xf32, #tpu.memory_space<vmem>> -> memref<128x128xf32, #tpu.memory_space<vmem>>
    %dma_start3A_25 = arith.constant 0 : i32
    %dma_start3A_26 = tpu.memref_slice %arg2[%add3A_21, %dma_start3A_25] : memref<24576x128xf32, #tpu.memory_space<hbm>> -> memref<128x128xf32, #tpu.memory_space<hbm>>
    %dma_start3A_27 = arith.constant 128 : i32
    %dma_start3A_28 = arith.constant 0 : i32
    %dma_start3A_29 = tpu.memref_slice %arg7[%dma_start3A_27, %dma_start3A_28] : memref<768x128xf32, #tpu.memory_space<vmem>> -> memref<128x128xf32, #tpu.memory_space<vmem>>
    %dma_start3A_30 = arith.constant 0 : i32
    %dma_start3A_31 = tpu.memref_slice %arg2[%add3A_21, %dma_start3A_30] : memref<24576x128xf32, #tpu.memory_space<hbm>> -> memref<128x128xf32, #tpu.memory_space<hbm>>
    tpu.enqueue_dma source(%dma_start3A_31 : memref<128x128xf32, #tpu.memory_space<hbm>>) target(%dma_start3A_29 : memref<128x128xf32, #tpu.memory_space<vmem>>) target_semaphore(%arg9 : memref<!tpu.dma_semaphore, #tpu.memory_space<semaphore_mem>>)
    %add3A_32 = arith.constant 256 : i32
    %add3A_33 = arith.addi %multiple_of3A_8, %add3A_32 : i32
    %dma_start3A_34 = arith.constant 256 : i32
    %dma_start3A_35 = arith.constant 0 : i32
    %dma_start3A_36 = tpu.memref_slice %arg7[%dma_start3A_34, %dma_start3A_35] : memref<768x128xf32, #tpu.memory_space<vmem>> -> memref<128x128xf32, #tpu.memory_space<vmem>>
    %dma_start3A_37 = arith.constant 0 : i32
    %dma_start3A_38 = tpu.memref_slice %arg2[%add3A_33, %dma_start3A_37] : memref<24576x128xf32, #tpu.memory_space<hbm>> -> memref<128x128xf32, #tpu.memory_space<hbm>>
    %dma_start3A_39 = arith.constant 256 : i32
    %dma_start3A_40 = arith.constant 0 : i32
    %dma_start3A_41 = tpu.memref_slice %arg7[%dma_start3A_39, %dma_start3A_40] : memref<768x128xf32, #tpu.memory_space<vmem>> -> memref<128x128xf32, #tpu.memory_space<vmem>>
    %dma_start3A_42 = arith.constant 0 : i32
    %dma_start3A_43 = tpu.memref_slice %arg2[%add3A_33, %dma_start3A_42] : memref<24576x128xf32, #tpu.memory_space<hbm>> -> memref<128x128xf32, #tpu.memory_space<hbm>>
    tpu.enqueue_dma source(%dma_start3A_43 : memref<128x128xf32, #tpu.memory_space<hbm>>) target(%dma_start3A_41 : memref<128x128xf32, #tpu.memory_space<vmem>>) target_semaphore(%arg9 : memref<!tpu.dma_semaphore, #tpu.memory_space<semaphore_mem>>)
    %add3A_44 = arith.constant 384 : i32
    %add3A_45 = arith.addi %multiple_of3A_8, %add3A_44 : i32
    %dma_start3A_46 = arith.constant 384 : i32
    %dma_start3A_47 = arith.constant 0 : i32
    %dma_start3A_48 = tpu.memref_slice %arg7[%dma_start3A_46, %dma_start3A_47] : memref<768x128xf32, #tpu.memory_space<vmem>> -> memref<128x128xf32, #tpu.memory_space<vmem>>
    %dma_start3A_49 = arith.constant 0 : i32
    %dma_start3A_50 = tpu.memref_slice %arg2[%add3A_45, %dma_start3A_49] : memref<24576x128xf32, #tpu.memory_space<hbm>> -> memref<128x128xf32, #tpu.memory_space<hbm>>
    %dma_start3A_51 = arith.constant 384 : i32
    %dma_start3A_52 = arith.constant 0 : i32
    %dma_start3A_53 = tpu.memref_slice %arg7[%dma_start3A_51, %dma_start3A_52] : memref<768x128xf32, #tpu.memory_space<vmem>> -> memref<128x128xf32, #tpu.memory_space<vmem>>
    %dma_start3A_54 = arith.constant 0 : i32
    %dma_start3A_55 = tpu.memref_slice %arg2[%add3A_45, %dma_start3A_54] : memref<24576x128xf32, #tpu.memory_space<hbm>> -> memref<128x128xf32, #tpu.memory_space<hbm>>
    tpu.enqueue_dma source(%dma_start3A_55 : memref<128x128xf32, #tpu.memory_space<hbm>>) target(%dma_start3A_53 : memref<128x128xf32, #tpu.memory_space<vmem>>) target_semaphore(%arg9 : memref<!tpu.dma_semaphore, #tpu.memory_space<semaphore_mem>>)
    %add3A_56 = arith.constant 512 : i32
    %add3A_57 = arith.addi %multiple_of3A_8, %add3A_56 : i32
    %dma_start3A_58 = arith.constant 512 : i32
    %dma_start3A_59 = arith.constant 0 : i32
    %dma_start3A_60 = tpu.memref_slice %arg7[%dma_start3A_58, %dma_start3A_59] : memref<768x128xf32, #tpu.memory_space<vmem>> -> memref<128x128xf32, #tpu.memory_space<vmem>>
    %dma_start3A_61 = arith.constant 0 : i32
    %dma_start3A_62 = tpu.memref_slice %arg2[%add3A_57, %dma_start3A_61] : memref<24576x128xf32, #tpu.memory_space<hbm>> -> memref<128x128xf32, #tpu.memory_space<hbm>>
    %dma_start3A_63 = arith.constant 512 : i32
    %dma_start3A_64 = arith.constant 0 : i32
    %dma_start3A_65 = tpu.memref_slice %arg7[%dma_start3A_63, %dma_start3A_64] : memref<768x128xf32, #tpu.memory_space<vmem>> -> memref<128x128xf32, #tpu.memory_space<vmem>>
    %dma_start3A_66 = arith.constant 0 : i32
    %dma_start3A_67 = tpu.memref_slice %arg2[%add3A_57, %dma_start3A_66] : memref<24576x128xf32, #tpu.memory_space<hbm>> -> memref<128x128xf32, #tpu.memory_space<hbm>>
    tpu.enqueue_dma source(%dma_start3A_67 : memref<128x128xf32, #tpu.memory_space<hbm>>) target(%dma_start3A_65 : memref<128x128xf32, #tpu.memory_space<vmem>>) target_semaphore(%arg9 : memref<!tpu.dma_semaphore, #tpu.memory_space<semaphore_mem>>)
    %add3A_68 = arith.constant 640 : i32
    %add3A_69 = arith.addi %multiple_of3A_8, %add3A_68 : i32
    %dma_start3A_70 = arith.constant 640 : i32
    %dma_start3A_71 = arith.constant 0 : i32
    %dma_start3A_72 = tpu.memref_slice %arg7[%dma_start3A_70, %dma_start3A_71] : memref<768x128xf32, #tpu.memory_space<vmem>> -> memref<128x128xf32, #tpu.memory_space<vmem>>
    %dma_start3A_73 = arith.constant 0 : i32
    %dma_start3A_74 = tpu.memref_slice %arg2[%add3A_69, %dma_start3A_73] : memref<24576x128xf32, #tpu.memory_space<hbm>> -> memref<128x128xf32, #tpu.memory_space<hbm>>
    %dma_start3A_75 = arith.constant 640 : i32
    %dma_start3A_76 = arith.constant 0 : i32
    %dma_start3A_77 = tpu.memref_slice %arg7[%dma_start3A_75, %dma_start3A_76] : memref<768x128xf32, #tpu.memory_space<vmem>> -> memref<128x128xf32, #tpu.memory_space<vmem>>
    %dma_start3A_78 = arith.constant 0 : i32
    %dma_start3A_79 = tpu.memref_slice %arg2[%add3A_69, %dma_start3A_78] : memref<24576x128xf32, #tpu.memory_space<hbm>> -> memref<128x128xf32, #tpu.memory_space<hbm>>
    tpu.enqueue_dma source(%dma_start3A_79 : memref<128x128xf32, #tpu.memory_space<hbm>>) target(%dma_start3A_77 : memref<128x128xf32, #tpu.memory_space<vmem>>) target_semaphore(%arg9 : memref<!tpu.dma_semaphore, #tpu.memory_space<semaphore_mem>>)
    %dma_wait3A = arith.constant 0 : i32
    %dma_wait3A_80 = arith.constant 0 : i32
    %dma_wait3A_81 = tpu.memref_slice %arg7[%dma_wait3A, %dma_wait3A_80] : memref<768x128xf32, #tpu.memory_space<vmem>> -> memref<128x128xf32, #tpu.memory_space<vmem>>
    %dma_wait3A_82 = arith.constant 0 : i32
    %dma_wait3A_83 = tpu.memref_slice %arg2[%add3A_10, %dma_wait3A_82] : memref<24576x128xf32, #tpu.memory_space<hbm>> -> memref<128x128xf32, #tpu.memory_space<hbm>>
    %dma_wait3A_84 = arith.constant 0 : i32
    %dma_wait3A_85 = arith.constant 0 : i32
    %dma_wait3A_86 = tpu.memref_slice %arg7[%dma_wait3A_84, %dma_wait3A_85] : memref<768x128xf32, #tpu.memory_space<vmem>> -> memref<128x128xf32, #tpu.memory_space<vmem>>
    %dma_wait3A_87 = arith.constant 0 : i32
    %dma_wait3A_88 = tpu.memref_slice %arg2[%add3A_10, %dma_wait3A_87] : memref<24576x128xf32, #tpu.memory_space<hbm>> -> memref<128x128xf32, #tpu.memory_space<hbm>>
    tpu.wait_dma2 semaphore(%arg9 : memref<!tpu.dma_semaphore, #tpu.memory_space<semaphore_mem>>) src(%dma_wait3A_88 : memref<128x128xf32, #tpu.memory_space<hbm>>) dst(%dma_wait3A_86 : memref<128x128xf32, #tpu.memory_space<vmem>>)
    %dma_start3A_89 = arith.constant 0 : i32
    %dma_start3A_90 = arith.constant 0 : i32
    %dma_start3A_91 = arith.constant 0 : i32
    %dma_start3A_92 = tpu.memref_slice %arg7[%dma_start3A_90, %dma_start3A_91] : memref<768x128xf32, #tpu.memory_space<vmem>> -> memref<128x128xf32, #tpu.memory_space<vmem>>
    %dma_start3A_93 = arith.constant 0 : i32
    %dma_start3A_94 = tpu.memref_slice %arg6[%dma_start3A_89, %dma_start3A_93] : memref<16x128xi32, #tpu.memory_space<vmem>> -> memref<1x128xi32, #tpu.memory_space<vmem>>
    %dma_start3A_95 = tpu.memref_squeeze %dma_start3A_94 : memref<1x128xi32, #tpu.memory_space<vmem>> -> memref<128xi32, #tpu.memory_space<vmem>>
    %dma_start3A_96 = arith.constant 0 : i32
    %dma_start3A_97 = arith.constant 0 : i32
    %dma_start3A_98 = tpu.memref_slice %arg8[%dma_start3A_96, %dma_start3A_97] : memref<3080x128xf32, #tpu.memory_space<vmem_shared>> -> memref<3080x128xf32, #tpu.memory_space<vmem_shared>>
    tpu.enqueue_indirect_dma source(%dma_start3A_92 : memref<128x128xf32, #tpu.memory_space<vmem>>) target(%dma_start3A_98 : memref<3080x128xf32, #tpu.memory_space<vmem_shared>>) offsets(%dma_start3A_95 : memref<128xi32, #tpu.memory_space<vmem>>) semaphore(%arg10 : memref<!tpu.dma_semaphore, #tpu.memory_space<semaphore_mem>>) {add = true}
    %dma_wait3A_99 = arith.constant 0 : i32
    %dma_wait3A_100 = arith.constant 0 : i32
    %dma_wait3A_101 = arith.constant 0 : i32
    %dma_wait3A_102 = tpu.memref_slice %arg7[%dma_wait3A_100, %dma_wait3A_101] : memref<768x128xf32, #tpu.memory_space<vmem>> -> memref<128x128xf32, #tpu.memory_space<vmem>>
    %dma_wait3A_103 = arith.constant 0 : i32
    %dma_wait3A_104 = tpu.memref_slice %arg6[%dma_wait3A_99, %dma_wait3A_103] : memref<16x128xi32, #tpu.memory_space<vmem>> -> memref<1x128xi32, #tpu.memory_space<vmem>>
    %dma_wait3A_105 = tpu.memref_squeeze %dma_wait3A_104 : memref<1x128xi32, #tpu.memory_space<vmem>> -> memref<128xi32, #tpu.memory_space<vmem>>
    %dma_wait3A_106 = arith.constant 0 : i32
    %dma_wait3A_107 = arith.constant 0 : i32
    %dma_wait3A_108 = tpu.memref_slice %arg8[%dma_wait3A_106, %dma_wait3A_107] : memref<3080x128xf32, #tpu.memory_space<vmem_shared>> -> memref<3080x128xf32, #tpu.memory_space<vmem_shared>>
    tpu.wait_indirect_dma semaphore(%arg10 : memref<!tpu.dma_semaphore, #tpu.memory_space<semaphore_mem>>) src(%dma_wait3A_102 : memref<128x128xf32, #tpu.memory_space<vmem>>) dst(%dma_wait3A_108 : memref<3080x128xf32, #tpu.memory_space<vmem_shared>>)
    %add3A_109 = arith.constant 768 : i32
    %add3A_110 = arith.addi %multiple_of3A_8, %add3A_109 : i32
    %dma_start3A_111 = arith.constant 0 : i32
    %dma_start3A_112 = arith.constant 0 : i32
    %dma_start3A_113 = tpu.memref_slice %arg7[%dma_start3A_111, %dma_start3A_112] : memref<768x128xf32, #tpu.memory_space<vmem>> -> memref<128x128xf32, #tpu.memory_space<vmem>>
    %dma_start3A_114 = arith.constant 0 : i32
    %dma_start3A_115 = tpu.memref_slice %arg2[%add3A_110, %dma_start3A_114] : memref<24576x128xf32, #tpu.memory_space<hbm>> -> memref<128x128xf32, #tpu.memory_space<hbm>>
    %dma_start3A_116 = arith.constant 0 : i32
    %dma_start3A_117 = arith.constant 0 : i32
    %dma_start3A_118 = tpu.memref_slice %arg7[%dma_start3A_116, %dma_start3A_117] : memref<768x128xf32, #tpu.memory_space<vmem>> -> memref<128x128xf32, #tpu.memory_space<vmem>>
    %dma_start3A_119 = arith.constant 0 : i32
    %dma_start3A_120 = tpu.memref_slice %arg2[%add3A_110, %dma_start3A_119] : memref<24576x128xf32, #tpu.memory_space<hbm>> -> memref<128x128xf32, #tpu.memory_space<hbm>>
    tpu.enqueue_dma source(%dma_start3A_120 : memref<128x128xf32, #tpu.memory_space<hbm>>) target(%dma_start3A_118 : memref<128x128xf32, #tpu.memory_space<vmem>>) target_semaphore(%arg9 : memref<!tpu.dma_semaphore, #tpu.memory_space<semaphore_mem>>)
    %dma_wait3A_121 = arith.constant 128 : i32
    %dma_wait3A_122 = arith.constant 0 : i32
    %dma_wait3A_123 = tpu.memref_slice %arg7[%dma_wait3A_121, %dma_wait3A_122] : memref<768x128xf32, #tpu.memory_space<vmem>> -> memref<128x128xf32, #tpu.memory_space<vmem>>
    %dma_wait3A_124 = arith.constant 0 : i32
    %dma_wait3A_125 = tpu.memref_slice %arg2[%add3A_21, %dma_wait3A_124] : memref<24576x128xf32, #tpu.memory_space<hbm>> -> memref<128x128xf32, #tpu.memory_space<hbm>>
    %dma_wait3A_126 = arith.constant 128 : i32
    %dma_wait3A_127 = arith.constant 0 : i32
    %dma_wait3A_128 = tpu.memref_slice %arg7[%dma_wait3A_126, %dma_wait3A_127] : memref<768x128xf32, #tpu.memory_space<vmem>> -> memref<128x128xf32, #tpu.memory_space<vmem>>
    %dma_wait3A_129 = arith.constant 0 : i32
    %dma_wait3A_130 = tpu.memref_slice %arg2[%add3A_21, %dma_wait3A_129] : memref<24576x128xf32, #tpu.memory_space<hbm>> -> memref<128x128xf32, #tpu.memory_space<hbm>>
    tpu.wait_dma2 semaphore(%arg9 : memref<!tpu.dma_semaphore, #tpu.memory_space<semaphore_mem>>) src(%dma_wait3A_130 : memref<128x128xf32, #tpu.memory_space<hbm>>) dst(%dma_wait3A_128 : memref<128x128xf32, #tpu.memory_space<vmem>>)
    %dma_start3A_131 = arith.constant 1 : i32
    %dma_start3A_132 = arith.constant 128 : i32
    %dma_start3A_133 = arith.constant 0 : i32
    %dma_start3A_134 = tpu.memref_slice %arg7[%dma_start3A_132, %dma_start3A_133] : memref<768x128xf32, #tpu.memory_space<vmem>> -> memref<128x128xf32, #tpu.memory_space<vmem>>
    %dma_start3A_135 = arith.constant 0 : i32
    %dma_start3A_136 = tpu.memref_slice %arg6[%dma_start3A_131, %dma_start3A_135] : memref<16x128xi32, #tpu.memory_space<vmem>> -> memref<1x128xi32, #tpu.memory_space<vmem>>
    %dma_start3A_137 = tpu.memref_squeeze %dma_start3A_136 : memref<1x128xi32, #tpu.memory_space<vmem>> -> memref<128xi32, #tpu.memory_space<vmem>>
    %dma_start3A_138 = arith.constant 0 : i32
    %dma_start3A_139 = arith.constant 0 : i32
    %dma_start3A_140 = tpu.memref_slice %arg8[%dma_start3A_138, %dma_start3A_139] : memref<3080x128xf32, #tpu.memory_space<vmem_shared>> -> memref<3080x128xf32, #tpu.memory_space<vmem_shared>>
    tpu.enqueue_indirect_dma source(%dma_start3A_134 : memref<128x128xf32, #tpu.memory_space<vmem>>) target(%dma_start3A_140 : memref<3080x128xf32, #tpu.memory_space<vmem_shared>>) offsets(%dma_start3A_137 : memref<128xi32, #tpu.memory_space<vmem>>) semaphore(%arg10 : memref<!tpu.dma_semaphore, #tpu.memory_space<semaphore_mem>>) {add = true}
    %dma_wait3A_141 = arith.constant 1 : i32
    %dma_wait3A_142 = arith.constant 128 : i32
    %dma_wait3A_143 = arith.constant 0 : i32
    %dma_wait3A_144 = tpu.memref_slice %arg7[%dma_wait3A_142, %dma_wait3A_143] : memref<768x128xf32, #tpu.memory_space<vmem>> -> memref<128x128xf32, #tpu.memory_space<vmem>>
    %dma_wait3A_145 = arith.constant 0 : i32
    %dma_wait3A_146 = tpu.memref_slice %arg6[%dma_wait3A_141, %dma_wait3A_145] : memref<16x128xi32, #tpu.memory_space<vmem>> -> memref<1x128xi32, #tpu.memory_space<vmem>>
    %dma_wait3A_147 = tpu.memref_squeeze %dma_wait3A_146 : memref<1x128xi32, #tpu.memory_space<vmem>> -> memref<128xi32, #tpu.memory_space<vmem>>
    %dma_wait3A_148 = arith.constant 0 : i32
    %dma_wait3A_149 = arith.constant 0 : i32
    %dma_wait3A_150 = tpu.memref_slice %arg8[%dma_wait3A_148, %dma_wait3A_149] : memref<3080x128xf32, #tpu.memory_space<vmem_shared>> -> memref<3080x128xf32, #tpu.memory_space<vmem_shared>>
    tpu.wait_indirect_dma semaphore(%arg10 : memref<!tpu.dma_semaphore, #tpu.memory_space<semaphore_mem>>) src(%dma_wait3A_144 : memref<128x128xf32, #tpu.memory_space<vmem>>) dst(%dma_wait3A_150 : memref<3080x128xf32, #tpu.memory_space<vmem_shared>>)
    %add3A_151 = arith.constant 896 : i32
    %add3A_152 = arith.addi %multiple_of3A_8, %add3A_151 : i32
    %dma_start3A_153 = arith.constant 128 : i32
    %dma_start3A_154 = arith.constant 0 : i32
    %dma_start3A_155 = tpu.memref_slice %arg7[%dma_start3A_153, %dma_start3A_154] : memref<768x128xf32, #tpu.memory_space<vmem>> -> memref<128x128xf32, #tpu.memory_space<vmem>>
    %dma_start3A_156 = arith.constant 0 : i32
    %dma_start3A_157 = tpu.memref_slice %arg2[%add3A_152, %dma_start3A_156] : memref<24576x128xf32, #tpu.memory_space<hbm>> -> memref<128x128xf32, #tpu.memory_space<hbm>>
    %dma_start3A_158 = arith.constant 128 : i32
    %dma_start3A_159 = arith.constant 0 : i32
    %dma_start3A_160 = tpu.memref_slice %arg7[%dma_start3A_158, %dma_start3A_159] : memref<768x128xf32, #tpu.memory_space<vmem>> -> memref<128x128xf32, #tpu.memory_space<vmem>>
    %dma_start3A_161 = arith.constant 0 : i32
    %dma_start3A_162 = tpu.memref_slice %arg2[%add3A_152, %dma_start3A_161] : memref<24576x128xf32, #tpu.memory_space<hbm>> -> memref<128x128xf32, #tpu.memory_space<hbm>>
    tpu.enqueue_dma source(%dma_start3A_162 : memref<128x128xf32, #tpu.memory_space<hbm>>) target(%dma_start3A_160 : memref<128x128xf32, #tpu.memory_space<vmem>>) target_semaphore(%arg9 : memref<!tpu.dma_semaphore, #tpu.memory_space<semaphore_mem>>)
    %dma_wait3A_163 = arith.constant 256 : i32
    %dma_wait3A_164 = arith.constant 0 : i32
    %dma_wait3A_165 = tpu.memref_slice %arg7[%dma_wait3A_163, %dma_wait3A_164] : memref<768x128xf32, #tpu.memory_space<vmem>> -> memref<128x128xf32, #tpu.memory_space<vmem>>
    %dma_wait3A_166 = arith.constant 0 : i32
    %dma_wait3A_167 = tpu.memref_slice %arg2[%add3A_33, %dma_wait3A_166] : memref<24576x128xf32, #tpu.memory_space<hbm>> -> memref<128x128xf32, #tpu.memory_space<hbm>>
    %dma_wait3A_168 = arith.constant 256 : i32
    %dma_wait3A_169 = arith.constant 0 : i32
    %dma_wait3A_170 = tpu.memref_slice %arg7[%dma_wait3A_168, %dma_wait3A_169] : memref<768x128xf32, #tpu.memory_space<vmem>> -> memref<128x128xf32, #tpu.memory_space<vmem>>
    %dma_wait3A_171 = arith.constant 0 : i32
    %dma_wait3A_172 = tpu.memref_slice %arg2[%add3A_33, %dma_wait3A_171] : memref<24576x128xf32, #tpu.memory_space<hbm>> -> memref<128x128xf32, #tpu.memory_space<hbm>>
    tpu.wait_dma2 semaphore(%arg9 : memref<!tpu.dma_semaphore, #tpu.memory_space<semaphore_mem>>) src(%dma_wait3A_172 : memref<128x128xf32, #tpu.memory_space<hbm>>) dst(%dma_wait3A_170 : memref<128x128xf32, #tpu.memory_space<vmem>>)
    %dma_start3A_173 = arith.constant 2 : i32
    %dma_start3A_174 = arith.constant 256 : i32
    %dma_start3A_175 = arith.constant 0 : i32
    %dma_start3A_176 = tpu.memref_slice %arg7[%dma_start3A_174, %dma_start3A_175] : memref<768x128xf32, #tpu.memory_space<vmem>> -> memref<128x128xf32, #tpu.memory_space<vmem>>
    %dma_start3A_177 = arith.constant 0 : i32
    %dma_start3A_178 = tpu.memref_slice %arg6[%dma_start3A_173, %dma_start3A_177] : memref<16x128xi32, #tpu.memory_space<vmem>> -> memref<1x128xi32, #tpu.memory_space<vmem>>
    %dma_start3A_179 = tpu.memref_squeeze %dma_start3A_178 : memref<1x128xi32, #tpu.memory_space<vmem>> -> memref<128xi32, #tpu.memory_space<vmem>>
    %dma_start3A_180 = arith.constant 0 : i32
    %dma_start3A_181 = arith.constant 0 : i32
    %dma_start3A_182 = tpu.memref_slice %arg8[%dma_start3A_180, %dma_start3A_181] : memref<3080x128xf32, #tpu.memory_space<vmem_shared>> -> memref<3080x128xf32, #tpu.memory_space<vmem_shared>>
    tpu.enqueue_indirect_dma source(%dma_start3A_176 : memref<128x128xf32, #tpu.memory_space<vmem>>) target(%dma_start3A_182 : memref<3080x128xf32, #tpu.memory_space<vmem_shared>>) offsets(%dma_start3A_179 : memref<128xi32, #tpu.memory_space<vmem>>) semaphore(%arg10 : memref<!tpu.dma_semaphore, #tpu.memory_space<semaphore_mem>>) {add = true}
    %dma_wait3A_183 = arith.constant 2 : i32
    %dma_wait3A_184 = arith.constant 256 : i32
    %dma_wait3A_185 = arith.constant 0 : i32
    %dma_wait3A_186 = tpu.memref_slice %arg7[%dma_wait3A_184, %dma_wait3A_185] : memref<768x128xf32, #tpu.memory_space<vmem>> -> memref<128x128xf32, #tpu.memory_space<vmem>>
    %dma_wait3A_187 = arith.constant 0 : i32
    %dma_wait3A_188 = tpu.memref_slice %arg6[%dma_wait3A_183, %dma_wait3A_187] : memref<16x128xi32, #tpu.memory_space<vmem>> -> memref<1x128xi32, #tpu.memory_space<vmem>>
    %dma_wait3A_189 = tpu.memref_squeeze %dma_wait3A_188 : memref<1x128xi32, #tpu.memory_space<vmem>> -> memref<128xi32, #tpu.memory_space<vmem>>
    %dma_wait3A_190 = arith.constant 0 : i32
    %dma_wait3A_191 = arith.constant 0 : i32
    %dma_wait3A_192 = tpu.memref_slice %arg8[%dma_wait3A_190, %dma_wait3A_191] : memref<3080x128xf32, #tpu.memory_space<vmem_shared>> -> memref<3080x128xf32, #tpu.memory_space<vmem_shared>>
    tpu.wait_indirect_dma semaphore(%arg10 : memref<!tpu.dma_semaphore, #tpu.memory_space<semaphore_mem>>) src(%dma_wait3A_186 : memref<128x128xf32, #tpu.memory_space<vmem>>) dst(%dma_wait3A_192 : memref<3080x128xf32, #tpu.memory_space<vmem_shared>>)
    %add3A_193 = arith.constant 1024 : i32
    %add3A_194 = arith.addi %multiple_of3A_8, %add3A_193 : i32
    %dma_start3A_195 = arith.constant 256 : i32
    %dma_start3A_196 = arith.constant 0 : i32
    %dma_start3A_197 = tpu.memref_slice %arg7[%dma_start3A_195, %dma_start3A_196] : memref<768x128xf32, #tpu.memory_space<vmem>> -> memref<128x128xf32, #tpu.memory_space<vmem>>
    %dma_start3A_198 = arith.constant 0 : i32
    %dma_start3A_199 = tpu.memref_slice %arg2[%add3A_194, %dma_start3A_198] : memref<24576x128xf32, #tpu.memory_space<hbm>> -> memref<128x128xf32, #tpu.memory_space<hbm>>
    %dma_start3A_200 = arith.constant 256 : i32
    %dma_start3A_201 = arith.constant 0 : i32
    %dma_start3A_202 = tpu.memref_slice %arg7[%dma_start3A_200, %dma_start3A_201] : memref<768x128xf32, #tpu.memory_space<vmem>> -> memref<128x128xf32, #tpu.memory_space<vmem>>
    %dma_start3A_203 = arith.constant 0 : i32
    %dma_start3A_204 = tpu.memref_slice %arg2[%add3A_194, %dma_start3A_203] : memref<24576x128xf32, #tpu.memory_space<hbm>> -> memref<128x128xf32, #tpu.memory_space<hbm>>
    tpu.enqueue_dma source(%dma_start3A_204 : memref<128x128xf32, #tpu.memory_space<hbm>>) target(%dma_start3A_202 : memref<128x128xf32, #tpu.memory_space<vmem>>) target_semaphore(%arg9 : memref<!tpu.dma_semaphore, #tpu.memory_space<semaphore_mem>>)
    %dma_wait3A_205 = arith.constant 384 : i32
    %dma_wait3A_206 = arith.constant 0 : i32
    %dma_wait3A_207 = tpu.memref_slice %arg7[%dma_wait3A_205, %dma_wait3A_206] : memref<768x128xf32, #tpu.memory_space<vmem>> -> memref<128x128xf32, #tpu.memory_space<vmem>>
    %dma_wait3A_208 = arith.constant 0 : i32
    %dma_wait3A_209 = tpu.memref_slice %arg2[%add3A_45, %dma_wait3A_208] : memref<24576x128xf32, #tpu.memory_space<hbm>> -> memref<128x128xf32, #tpu.memory_space<hbm>>
    %dma_wait3A_210 = arith.constant 384 : i32
    %dma_wait3A_211 = arith.constant 0 : i32
    %dma_wait3A_212 = tpu.memref_slice %arg7[%dma_wait3A_210, %dma_wait3A_211] : memref<768x128xf32, #tpu.memory_space<vmem>> -> memref<128x128xf32, #tpu.memory_space<vmem>>
    %dma_wait3A_213 = arith.constant 0 : i32
    %dma_wait3A_214 = tpu.memref_slice %arg2[%add3A_45, %dma_wait3A_213] : memref<24576x128xf32, #tpu.memory_space<hbm>> -> memref<128x128xf32, #tpu.memory_space<hbm>>
    tpu.wait_dma2 semaphore(%arg9 : memref<!tpu.dma_semaphore, #tpu.memory_space<semaphore_mem>>) src(%dma_wait3A_214 : memref<128x128xf32, #tpu.memory_space<hbm>>) dst(%dma_wait3A_212 : memref<128x128xf32, #tpu.memory_space<vmem>>)
    %dma_start3A_215 = arith.constant 3 : i32
    %dma_start3A_216 = arith.constant 384 : i32
    %dma_start3A_217 = arith.constant 0 : i32
    %dma_start3A_218 = tpu.memref_slice %arg7[%dma_start3A_216, %dma_start3A_217] : memref<768x128xf32, #tpu.memory_space<vmem>> -> memref<128x128xf32, #tpu.memory_space<vmem>>
    %dma_start3A_219 = arith.constant 0 : i32
    %dma_start3A_220 = tpu.memref_slice %arg6[%dma_start3A_215, %dma_start3A_219] : memref<16x128xi32, #tpu.memory_space<vmem>> -> memref<1x128xi32, #tpu.memory_space<vmem>>
    %dma_start3A_221 = tpu.memref_squeeze %dma_start3A_220 : memref<1x128xi32, #tpu.memory_space<vmem>> -> memref<128xi32, #tpu.memory_space<vmem>>
    %dma_start3A_222 = arith.constant 0 : i32
    %dma_start3A_223 = arith.constant 0 : i32
    %dma_start3A_224 = tpu.memref_slice %arg8[%dma_start3A_222, %dma_start3A_223] : memref<3080x128xf32, #tpu.memory_space<vmem_shared>> -> memref<3080x128xf32, #tpu.memory_space<vmem_shared>>
    tpu.enqueue_indirect_dma source(%dma_start3A_218 : memref<128x128xf32, #tpu.memory_space<vmem>>) target(%dma_start3A_224 : memref<3080x128xf32, #tpu.memory_space<vmem_shared>>) offsets(%dma_start3A_221 : memref<128xi32, #tpu.memory_space<vmem>>) semaphore(%arg10 : memref<!tpu.dma_semaphore, #tpu.memory_space<semaphore_mem>>) {add = true}
    %dma_wait3A_225 = arith.constant 3 : i32
    %dma_wait3A_226 = arith.constant 384 : i32
    %dma_wait3A_227 = arith.constant 0 : i32
    %dma_wait3A_228 = tpu.memref_slice %arg7[%dma_wait3A_226, %dma_wait3A_227] : memref<768x128xf32, #tpu.memory_space<vmem>> -> memref<128x128xf32, #tpu.memory_space<vmem>>
    %dma_wait3A_229 = arith.constant 0 : i32
    %dma_wait3A_230 = tpu.memref_slice %arg6[%dma_wait3A_225, %dma_wait3A_229] : memref<16x128xi32, #tpu.memory_space<vmem>> -> memref<1x128xi32, #tpu.memory_space<vmem>>
    %dma_wait3A_231 = tpu.memref_squeeze %dma_wait3A_230 : memref<1x128xi32, #tpu.memory_space<vmem>> -> memref<128xi32, #tpu.memory_space<vmem>>
    %dma_wait3A_232 = arith.constant 0 : i32
    %dma_wait3A_233 = arith.constant 0 : i32
    %dma_wait3A_234 = tpu.memref_slice %arg8[%dma_wait3A_232, %dma_wait3A_233] : memref<3080x128xf32, #tpu.memory_space<vmem_shared>> -> memref<3080x128xf32, #tpu.memory_space<vmem_shared>>
    tpu.wait_indirect_dma semaphore(%arg10 : memref<!tpu.dma_semaphore, #tpu.memory_space<semaphore_mem>>) src(%dma_wait3A_228 : memref<128x128xf32, #tpu.memory_space<vmem>>) dst(%dma_wait3A_234 : memref<3080x128xf32, #tpu.memory_space<vmem_shared>>)
    %add3A_235 = arith.constant 1152 : i32
    %add3A_236 = arith.addi %multiple_of3A_8, %add3A_235 : i32
    %dma_start3A_237 = arith.constant 384 : i32
    %dma_start3A_238 = arith.constant 0 : i32
    %dma_start3A_239 = tpu.memref_slice %arg7[%dma_start3A_237, %dma_start3A_238] : memref<768x128xf32, #tpu.memory_space<vmem>> -> memref<128x128xf32, #tpu.memory_space<vmem>>
    %dma_start3A_240 = arith.constant 0 : i32
    %dma_start3A_241 = tpu.memref_slice %arg2[%add3A_236, %dma_start3A_240] : memref<24576x128xf32, #tpu.memory_space<hbm>> -> memref<128x128xf32, #tpu.memory_space<hbm>>
    %dma_start3A_242 = arith.constant 384 : i32
    %dma_start3A_243 = arith.constant 0 : i32
    %dma_start3A_244 = tpu.memref_slice %arg7[%dma_start3A_242, %dma_start3A_243] : memref<768x128xf32, #tpu.memory_space<vmem>> -> memref<128x128xf32, #tpu.memory_space<vmem>>
    %dma_start3A_245 = arith.constant 0 : i32
    %dma_start3A_246 = tpu.memref_slice %arg2[%add3A_236, %dma_start3A_245] : memref<24576x128xf32, #tpu.memory_space<hbm>> -> memref<128x128xf32, #tpu.memory_space<hbm>>
    tpu.enqueue_dma source(%dma_start3A_246 : memref<128x128xf32, #tpu.memory_space<hbm>>) target(%dma_start3A_244 : memref<128x128xf32, #tpu.memory_space<vmem>>) target_semaphore(%arg9 : memref<!tpu.dma_semaphore, #tpu.memory_space<semaphore_mem>>)
    %dma_wait3A_247 = arith.constant 512 : i32
    %dma_wait3A_248 = arith.constant 0 : i32
    %dma_wait3A_249 = tpu.memref_slice %arg7[%dma_wait3A_247, %dma_wait3A_248] : memref<768x128xf32, #tpu.memory_space<vmem>> -> memref<128x128xf32, #tpu.memory_space<vmem>>
    %dma_wait3A_250 = arith.constant 0 : i32
    %dma_wait3A_251 = tpu.memref_slice %arg2[%add3A_57, %dma_wait3A_250] : memref<24576x128xf32, #tpu.memory_space<hbm>> -> memref<128x128xf32, #tpu.memory_space<hbm>>
    %dma_wait3A_252 = arith.constant 512 : i32
    %dma_wait3A_253 = arith.constant 0 : i32
    %dma_wait3A_254 = tpu.memref_slice %arg7[%dma_wait3A_252, %dma_wait3A_253] : memref<768x128xf32, #tpu.memory_space<vmem>> -> memref<128x128xf32, #tpu.memory_space<vmem>>
    %dma_wait3A_255 = arith.constant 0 : i32
    %dma_wait3A_256 = tpu.memref_slice %arg2[%add3A_57, %dma_wait3A_255] : memref<24576x128xf32, #tpu.memory_space<hbm>> -> memref<128x128xf32, #tpu.memory_space<hbm>>
    tpu.wait_dma2 semaphore(%arg9 : memref<!tpu.dma_semaphore, #tpu.memory_space<semaphore_mem>>) src(%dma_wait3A_256 : memref<128x128xf32, #tpu.memory_space<hbm>>) dst(%dma_wait3A_254 : memref<128x128xf32, #tpu.memory_space<vmem>>)
    %dma_start3A_257 = arith.constant 4 : i32
    %dma_start3A_258 = arith.constant 512 : i32
    %dma_start3A_259 = arith.constant 0 : i32
    %dma_start3A_260 = tpu.memref_slice %arg7[%dma_start3A_258, %dma_start3A_259] : memref<768x128xf32, #tpu.memory_space<vmem>> -> memref<128x128xf32, #tpu.memory_space<vmem>>
    %dma_start3A_261 = arith.constant 0 : i32
    %dma_start3A_262 = tpu.memref_slice %arg6[%dma_start3A_257, %dma_start3A_261] : memref<16x128xi32, #tpu.memory_space<vmem>> -> memref<1x128xi32, #tpu.memory_space<vmem>>
    %dma_start3A_263 = tpu.memref_squeeze %dma_start3A_262 : memref<1x128xi32, #tpu.memory_space<vmem>> -> memref<128xi32, #tpu.memory_space<vmem>>
    %dma_start3A_264 = arith.constant 0 : i32
    %dma_start3A_265 = arith.constant 0 : i32
    %dma_start3A_266 = tpu.memref_slice %arg8[%dma_start3A_264, %dma_start3A_265] : memref<3080x128xf32, #tpu.memory_space<vmem_shared>> -> memref<3080x128xf32, #tpu.memory_space<vmem_shared>>
    tpu.enqueue_indirect_dma source(%dma_start3A_260 : memref<128x128xf32, #tpu.memory_space<vmem>>) target(%dma_start3A_266 : memref<3080x128xf32, #tpu.memory_space<vmem_shared>>) offsets(%dma_start3A_263 : memref<128xi32, #tpu.memory_space<vmem>>) semaphore(%arg10 : memref<!tpu.dma_semaphore, #tpu.memory_space<semaphore_mem>>) {add = true}
    %dma_wait3A_267 = arith.constant 4 : i32
    %dma_wait3A_268 = arith.constant 512 : i32
    %dma_wait3A_269 = arith.constant 0 : i32
    %dma_wait3A_270 = tpu.memref_slice %arg7[%dma_wait3A_268, %dma_wait3A_269] : memref<768x128xf32, #tpu.memory_space<vmem>> -> memref<128x128xf32, #tpu.memory_space<vmem>>
    %dma_wait3A_271 = arith.constant 0 : i32
    %dma_wait3A_272 = tpu.memref_slice %arg6[%dma_wait3A_267, %dma_wait3A_271] : memref<16x128xi32, #tpu.memory_space<vmem>> -> memref<1x128xi32, #tpu.memory_space<vmem>>
    %dma_wait3A_273 = tpu.memref_squeeze %dma_wait3A_272 : memref<1x128xi32, #tpu.memory_space<vmem>> -> memref<128xi32, #tpu.memory_space<vmem>>
    %dma_wait3A_274 = arith.constant 0 : i32
    %dma_wait3A_275 = arith.constant 0 : i32
    %dma_wait3A_276 = tpu.memref_slice %arg8[%dma_wait3A_274, %dma_wait3A_275] : memref<3080x128xf32, #tpu.memory_space<vmem_shared>> -> memref<3080x128xf32, #tpu.memory_space<vmem_shared>>
    tpu.wait_indirect_dma semaphore(%arg10 : memref<!tpu.dma_semaphore, #tpu.memory_space<semaphore_mem>>) src(%dma_wait3A_270 : memref<128x128xf32, #tpu.memory_space<vmem>>) dst(%dma_wait3A_276 : memref<3080x128xf32, #tpu.memory_space<vmem_shared>>)
    %add3A_277 = arith.constant 1280 : i32
    %add3A_278 = arith.addi %multiple_of3A_8, %add3A_277 : i32
    %dma_start3A_279 = arith.constant 512 : i32
    %dma_start3A_280 = arith.constant 0 : i32
    %dma_start3A_281 = tpu.memref_slice %arg7[%dma_start3A_279, %dma_start3A_280] : memref<768x128xf32, #tpu.memory_space<vmem>> -> memref<128x128xf32, #tpu.memory_space<vmem>>
    %dma_start3A_282 = arith.constant 0 : i32
    %dma_start3A_283 = tpu.memref_slice %arg2[%add3A_278, %dma_start3A_282] : memref<24576x128xf32, #tpu.memory_space<hbm>> -> memref<128x128xf32, #tpu.memory_space<hbm>>
    %dma_start3A_284 = arith.constant 512 : i32
    %dma_start3A_285 = arith.constant 0 : i32
    %dma_start3A_286 = tpu.memref_slice %arg7[%dma_start3A_284, %dma_start3A_285] : memref<768x128xf32, #tpu.memory_space<vmem>> -> memref<128x128xf32, #tpu.memory_space<vmem>>
    %dma_start3A_287 = arith.constant 0 : i32
    %dma_start3A_288 = tpu.memref_slice %arg2[%add3A_278, %dma_start3A_287] : memref<24576x128xf32, #tpu.memory_space<hbm>> -> memref<128x128xf32, #tpu.memory_space<hbm>>
    tpu.enqueue_dma source(%dma_start3A_288 : memref<128x128xf32, #tpu.memory_space<hbm>>) target(%dma_start3A_286 : memref<128x128xf32, #tpu.memory_space<vmem>>) target_semaphore(%arg9 : memref<!tpu.dma_semaphore, #tpu.memory_space<semaphore_mem>>)
    %dma_wait3A_289 = arith.constant 640 : i32
    %dma_wait3A_290 = arith.constant 0 : i32
    %dma_wait3A_291 = tpu.memref_slice %arg7[%dma_wait3A_289, %dma_wait3A_290] : memref<768x128xf32, #tpu.memory_space<vmem>> -> memref<128x128xf32, #tpu.memory_space<vmem>>
    %dma_wait3A_292 = arith.constant 0 : i32
    %dma_wait3A_293 = tpu.memref_slice %arg2[%add3A_69, %dma_wait3A_292] : memref<24576x128xf32, #tpu.memory_space<hbm>> -> memref<128x128xf32, #tpu.memory_space<hbm>>
    %dma_wait3A_294 = arith.constant 640 : i32
    %dma_wait3A_295 = arith.constant 0 : i32
    %dma_wait3A_296 = tpu.memref_slice %arg7[%dma_wait3A_294, %dma_wait3A_295] : memref<768x128xf32, #tpu.memory_space<vmem>> -> memref<128x128xf32, #tpu.memory_space<vmem>>
    %dma_wait3A_297 = arith.constant 0 : i32
    %dma_wait3A_298 = tpu.memref_slice %arg2[%add3A_69, %dma_wait3A_297] : memref<24576x128xf32, #tpu.memory_space<hbm>> -> memref<128x128xf32, #tpu.memory_space<hbm>>
    tpu.wait_dma2 semaphore(%arg9 : memref<!tpu.dma_semaphore, #tpu.memory_space<semaphore_mem>>) src(%dma_wait3A_298 : memref<128x128xf32, #tpu.memory_space<hbm>>) dst(%dma_wait3A_296 : memref<128x128xf32, #tpu.memory_space<vmem>>)
    %dma_start3A_299 = arith.constant 5 : i32
    %dma_start3A_300 = arith.constant 640 : i32
    %dma_start3A_301 = arith.constant 0 : i32
    %dma_start3A_302 = tpu.memref_slice %arg7[%dma_start3A_300, %dma_start3A_301] : memref<768x128xf32, #tpu.memory_space<vmem>> -> memref<128x128xf32, #tpu.memory_space<vmem>>
    %dma_start3A_303 = arith.constant 0 : i32
    %dma_start3A_304 = tpu.memref_slice %arg6[%dma_start3A_299, %dma_start3A_303] : memref<16x128xi32, #tpu.memory_space<vmem>> -> memref<1x128xi32, #tpu.memory_space<vmem>>
    %dma_start3A_305 = tpu.memref_squeeze %dma_start3A_304 : memref<1x128xi32, #tpu.memory_space<vmem>> -> memref<128xi32, #tpu.memory_space<vmem>>
    %dma_start3A_306 = arith.constant 0 : i32
    %dma_start3A_307 = arith.constant 0 : i32
    %dma_start3A_308 = tpu.memref_slice %arg8[%dma_start3A_306, %dma_start3A_307] : memref<3080x128xf32, #tpu.memory_space<vmem_shared>> -> memref<3080x128xf32, #tpu.memory_space<vmem_shared>>
    tpu.enqueue_indirect_dma source(%dma_start3A_302 : memref<128x128xf32, #tpu.memory_space<vmem>>) target(%dma_start3A_308 : memref<3080x128xf32, #tpu.memory_space<vmem_shared>>) offsets(%dma_start3A_305 : memref<128xi32, #tpu.memory_space<vmem>>) semaphore(%arg10 : memref<!tpu.dma_semaphore, #tpu.memory_space<semaphore_mem>>) {add = true}
    %dma_wait3A_309 = arith.constant 5 : i32
    %dma_wait3A_310 = arith.constant 640 : i32
    %dma_wait3A_311 = arith.constant 0 : i32
    %dma_wait3A_312 = tpu.memref_slice %arg7[%dma_wait3A_310, %dma_wait3A_311] : memref<768x128xf32, #tpu.memory_space<vmem>> -> memref<128x128xf32, #tpu.memory_space<vmem>>
    %dma_wait3A_313 = arith.constant 0 : i32
    %dma_wait3A_314 = tpu.memref_slice %arg6[%dma_wait3A_309, %dma_wait3A_313] : memref<16x128xi32, #tpu.memory_space<vmem>> -> memref<1x128xi32, #tpu.memory_space<vmem>>
    %dma_wait3A_315 = tpu.memref_squeeze %dma_wait3A_314 : memref<1x128xi32, #tpu.memory_space<vmem>> -> memref<128xi32, #tpu.memory_space<vmem>>
    %dma_wait3A_316 = arith.constant 0 : i32
    %dma_wait3A_317 = arith.constant 0 : i32
    %dma_wait3A_318 = tpu.memref_slice %arg8[%dma_wait3A_316, %dma_wait3A_317] : memref<3080x128xf32, #tpu.memory_space<vmem_shared>> -> memref<3080x128xf32, #tpu.memory_space<vmem_shared>>
    tpu.wait_indirect_dma semaphore(%arg10 : memref<!tpu.dma_semaphore, #tpu.memory_space<semaphore_mem>>) src(%dma_wait3A_312 : memref<128x128xf32, #tpu.memory_space<vmem>>) dst(%dma_wait3A_318 : memref<3080x128xf32, #tpu.memory_space<vmem_shared>>)
    %add3A_319 = arith.constant 1408 : i32
    %add3A_320 = arith.addi %multiple_of3A_8, %add3A_319 : i32
    %dma_start3A_321 = arith.constant 640 : i32
    %dma_start3A_322 = arith.constant 0 : i32
    %dma_start3A_323 = tpu.memref_slice %arg7[%dma_start3A_321, %dma_start3A_322] : memref<768x128xf32, #tpu.memory_space<vmem>> -> memref<128x128xf32, #tpu.memory_space<vmem>>
    %dma_start3A_324 = arith.constant 0 : i32
    %dma_start3A_325 = tpu.memref_slice %arg2[%add3A_320, %dma_start3A_324] : memref<24576x128xf32, #tpu.memory_space<hbm>> -> memref<128x128xf32, #tpu.memory_space<hbm>>
    %dma_start3A_326 = arith.constant 640 : i32
    %dma_start3A_327 = arith.constant 0 : i32
    %dma_start3A_328 = tpu.memref_slice %arg7[%dma_start3A_326, %dma_start3A_327] : memref<768x128xf32, #tpu.memory_space<vmem>> -> memref<128x128xf32, #tpu.memory_space<vmem>>
    %dma_start3A_329 = arith.constant 0 : i32
    %dma_start3A_330 = tpu.memref_slice %arg2[%add3A_320, %dma_start3A_329] : memref<24576x128xf32, #tpu.memory_space<hbm>> -> memref<128x128xf32, #tpu.memory_space<hbm>>
    tpu.enqueue_dma source(%dma_start3A_330 : memref<128x128xf32, #tpu.memory_space<hbm>>) target(%dma_start3A_328 : memref<128x128xf32, #tpu.memory_space<vmem>>) target_semaphore(%arg9 : memref<!tpu.dma_semaphore, #tpu.memory_space<semaphore_mem>>)
    %dma_wait3A_331 = arith.constant 0 : i32
    %dma_wait3A_332 = arith.constant 0 : i32
    %dma_wait3A_333 = tpu.memref_slice %arg7[%dma_wait3A_331, %dma_wait3A_332] : memref<768x128xf32, #tpu.memory_space<vmem>> -> memref<128x128xf32, #tpu.memory_space<vmem>>
    %dma_wait3A_334 = arith.constant 0 : i32
    %dma_wait3A_335 = tpu.memref_slice %arg2[%add3A_110, %dma_wait3A_334] : memref<24576x128xf32, #tpu.memory_space<hbm>> -> memref<128x128xf32, #tpu.memory_space<hbm>>
    %dma_wait3A_336 = arith.constant 0 : i32
    %dma_wait3A_337 = arith.constant 0 : i32
    %dma_wait3A_338 = tpu.memref_slice %arg7[%dma_wait3A_336, %dma_wait3A_337] : memref<768x128xf32, #tpu.memory_space<vmem>> -> memref<128x128xf32, #tpu.memory_space<vmem>>
    %dma_wait3A_339 = arith.constant 0 : i32
    %dma_wait3A_340 = tpu.memref_slice %arg2[%add3A_110, %dma_wait3A_339] : memref<24576x128xf32, #tpu.memory_space<hbm>> -> memref<128x128xf32, #tpu.memory_space<hbm>>
    tpu.wait_dma2 semaphore(%arg9 : memref<!tpu.dma_semaphore, #tpu.memory_space<semaphore_mem>>) src(%dma_wait3A_340 : memref<128x128xf32, #tpu.memory_space<hbm>>) dst(%dma_wait3A_338 : memref<128x128xf32, #tpu.memory_space<vmem>>)
    %dma_start3A_341 = arith.constant 6 : i32
    %dma_start3A_342 = arith.constant 0 : i32
    %dma_start3A_343 = arith.constant 0 : i32
    %dma_start3A_344 = tpu.memref_slice %arg7[%dma_start3A_342, %dma_start3A_343] : memref<768x128xf32, #tpu.memory_space<vmem>> -> memref<128x128xf32, #tpu.memory_space<vmem>>
    %dma_start3A_345 = arith.constant 0 : i32
    %dma_start3A_346 = tpu.memref_slice %arg6[%dma_start3A_341, %dma_start3A_345] : memref<16x128xi32, #tpu.memory_space<vmem>> -> memref<1x128xi32, #tpu.memory_space<vmem>>
    %dma_start3A_347 = tpu.memref_squeeze %dma_start3A_346 : memref<1x128xi32, #tpu.memory_space<vmem>> -> memref<128xi32, #tpu.memory_space<vmem>>
    %dma_start3A_348 = arith.constant 0 : i32
    %dma_start3A_349 = arith.constant 0 : i32
    %dma_start3A_350 = tpu.memref_slice %arg8[%dma_start3A_348, %dma_start3A_349] : memref<3080x128xf32, #tpu.memory_space<vmem_shared>> -> memref<3080x128xf32, #tpu.memory_space<vmem_shared>>
    tpu.enqueue_indirect_dma source(%dma_start3A_344 : memref<128x128xf32, #tpu.memory_space<vmem>>) target(%dma_start3A_350 : memref<3080x128xf32, #tpu.memory_space<vmem_shared>>) offsets(%dma_start3A_347 : memref<128xi32, #tpu.memory_space<vmem>>) semaphore(%arg10 : memref<!tpu.dma_semaphore, #tpu.memory_space<semaphore_mem>>) {add = true}
    %dma_wait3A_351 = arith.constant 128 : i32
    %dma_wait3A_352 = arith.constant 0 : i32
    %dma_wait3A_353 = tpu.memref_slice %arg7[%dma_wait3A_351, %dma_wait3A_352] : memref<768x128xf32, #tpu.memory_space<vmem>> -> memref<128x128xf32, #tpu.memory_space<vmem>>
    %dma_wait3A_354 = arith.constant 0 : i32
    %dma_wait3A_355 = tpu.memref_slice %arg2[%add3A_152, %dma_wait3A_354] : memref<24576x128xf32, #tpu.memory_space<hbm>> -> memref<128x128xf32, #tpu.memory_space<hbm>>
    %dma_wait3A_356 = arith.constant 128 : i32
    %dma_wait3A_357 = arith.constant 0 : i32
    %dma_wait3A_358 = tpu.memref_slice %arg7[%dma_wait3A_356, %dma_wait3A_357] : memref<768x128xf32, #tpu.memory_space<vmem>> -> memref<128x128xf32, #tpu.memory_space<vmem>>
    %dma_wait3A_359 = arith.constant 0 : i32
    %dma_wait3A_360 = tpu.memref_slice %arg2[%add3A_152, %dma_wait3A_359] : memref<24576x128xf32, #tpu.memory_space<hbm>> -> memref<128x128xf32, #tpu.memory_space<hbm>>
    tpu.wait_dma2 semaphore(%arg9 : memref<!tpu.dma_semaphore, #tpu.memory_space<semaphore_mem>>) src(%dma_wait3A_360 : memref<128x128xf32, #tpu.memory_space<hbm>>) dst(%dma_wait3A_358 : memref<128x128xf32, #tpu.memory_space<vmem>>)
    %dma_start3A_361 = arith.constant 7 : i32
    %dma_start3A_362 = arith.constant 128 : i32
    %dma_start3A_363 = arith.constant 0 : i32
    %dma_start3A_364 = tpu.memref_slice %arg7[%dma_start3A_362, %dma_start3A_363] : memref<768x128xf32, #tpu.memory_space<vmem>> -> memref<128x128xf32, #tpu.memory_space<vmem>>
    %dma_start3A_365 = arith.constant 0 : i32
    %dma_start3A_366 = tpu.memref_slice %arg6[%dma_start3A_361, %dma_start3A_365] : memref<16x128xi32, #tpu.memory_space<vmem>> -> memref<1x128xi32, #tpu.memory_space<vmem>>
    %dma_start3A_367 = tpu.memref_squeeze %dma_start3A_366 : memref<1x128xi32, #tpu.memory_space<vmem>> -> memref<128xi32, #tpu.memory_space<vmem>>
    %dma_start3A_368 = arith.constant 0 : i32
    %dma_start3A_369 = arith.constant 0 : i32
    %dma_start3A_370 = tpu.memref_slice %arg8[%dma_start3A_368, %dma_start3A_369] : memref<3080x128xf32, #tpu.memory_space<vmem_shared>> -> memref<3080x128xf32, #tpu.memory_space<vmem_shared>>
    tpu.enqueue_indirect_dma source(%dma_start3A_364 : memref<128x128xf32, #tpu.memory_space<vmem>>) target(%dma_start3A_370 : memref<3080x128xf32, #tpu.memory_space<vmem_shared>>) offsets(%dma_start3A_367 : memref<128xi32, #tpu.memory_space<vmem>>) semaphore(%arg10 : memref<!tpu.dma_semaphore, #tpu.memory_space<semaphore_mem>>) {add = true}
    %dma_wait3A_371 = arith.constant 256 : i32
    %dma_wait3A_372 = arith.constant 0 : i32
    %dma_wait3A_373 = tpu.memref_slice %arg7[%dma_wait3A_371, %dma_wait3A_372] : memref<768x128xf32, #tpu.memory_space<vmem>> -> memref<128x128xf32, #tpu.memory_space<vmem>>
    %dma_wait3A_374 = arith.constant 0 : i32
    %dma_wait3A_375 = tpu.memref_slice %arg2[%add3A_194, %dma_wait3A_374] : memref<24576x128xf32, #tpu.memory_space<hbm>> -> memref<128x128xf32, #tpu.memory_space<hbm>>
    %dma_wait3A_376 = arith.constant 256 : i32
    %dma_wait3A_377 = arith.constant 0 : i32
    %dma_wait3A_378 = tpu.memref_slice %arg7[%dma_wait3A_376, %dma_wait3A_377] : memref<768x128xf32, #tpu.memory_space<vmem>> -> memref<128x128xf32, #tpu.memory_space<vmem>>
    %dma_wait3A_379 = arith.constant 0 : i32
    %dma_wait3A_380 = tpu.memref_slice %arg2[%add3A_194, %dma_wait3A_379] : memref<24576x128xf32, #tpu.memory_space<hbm>> -> memref<128x128xf32, #tpu.memory_space<hbm>>
    tpu.wait_dma2 semaphore(%arg9 : memref<!tpu.dma_semaphore, #tpu.memory_space<semaphore_mem>>) src(%dma_wait3A_380 : memref<128x128xf32, #tpu.memory_space<hbm>>) dst(%dma_wait3A_378 : memref<128x128xf32, #tpu.memory_space<vmem>>)
    %dma_start3A_381 = arith.constant 8 : i32
    %dma_start3A_382 = arith.constant 256 : i32
    %dma_start3A_383 = arith.constant 0 : i32
    %dma_start3A_384 = tpu.memref_slice %arg7[%dma_start3A_382, %dma_start3A_383] : memref<768x128xf32, #tpu.memory_space<vmem>> -> memref<128x128xf32, #tpu.memory_space<vmem>>
    %dma_start3A_385 = arith.constant 0 : i32
    %dma_start3A_386 = tpu.memref_slice %arg6[%dma_start3A_381, %dma_start3A_385] : memref<16x128xi32, #tpu.memory_space<vmem>> -> memref<1x128xi32, #tpu.memory_space<vmem>>
    %dma_start3A_387 = tpu.memref_squeeze %dma_start3A_386 : memref<1x128xi32, #tpu.memory_space<vmem>> -> memref<128xi32, #tpu.memory_space<vmem>>
    %dma_start3A_388 = arith.constant 0 : i32
    %dma_start3A_389 = arith.constant 0 : i32
    %dma_start3A_390 = tpu.memref_slice %arg8[%dma_start3A_388, %dma_start3A_389] : memref<3080x128xf32, #tpu.memory_space<vmem_shared>> -> memref<3080x128xf32, #tpu.memory_space<vmem_shared>>
    tpu.enqueue_indirect_dma source(%dma_start3A_384 : memref<128x128xf32, #tpu.memory_space<vmem>>) target(%dma_start3A_390 : memref<3080x128xf32, #tpu.memory_space<vmem_shared>>) offsets(%dma_start3A_387 : memref<128xi32, #tpu.memory_space<vmem>>) semaphore(%arg10 : memref<!tpu.dma_semaphore, #tpu.memory_space<semaphore_mem>>) {add = true}
    %dma_wait3A_391 = arith.constant 384 : i32
    %dma_wait3A_392 = arith.constant 0 : i32
    %dma_wait3A_393 = tpu.memref_slice %arg7[%dma_wait3A_391, %dma_wait3A_392] : memref<768x128xf32, #tpu.memory_space<vmem>> -> memref<128x128xf32, #tpu.memory_space<vmem>>
    %dma_wait3A_394 = arith.constant 0 : i32
    %dma_wait3A_395 = tpu.memref_slice %arg2[%add3A_236, %dma_wait3A_394] : memref<24576x128xf32, #tpu.memory_space<hbm>> -> memref<128x128xf32, #tpu.memory_space<hbm>>
    %dma_wait3A_396 = arith.constant 384 : i32
    %dma_wait3A_397 = arith.constant 0 : i32
    %dma_wait3A_398 = tpu.memref_slice %arg7[%dma_wait3A_396, %dma_wait3A_397] : memref<768x128xf32, #tpu.memory_space<vmem>> -> memref<128x128xf32, #tpu.memory_space<vmem>>
    %dma_wait3A_399 = arith.constant 0 : i32
    %dma_wait3A_400 = tpu.memref_slice %arg2[%add3A_236, %dma_wait3A_399] : memref<24576x128xf32, #tpu.memory_space<hbm>> -> memref<128x128xf32, #tpu.memory_space<hbm>>
    tpu.wait_dma2 semaphore(%arg9 : memref<!tpu.dma_semaphore, #tpu.memory_space<semaphore_mem>>) src(%dma_wait3A_400 : memref<128x128xf32, #tpu.memory_space<hbm>>) dst(%dma_wait3A_398 : memref<128x128xf32, #tpu.memory_space<vmem>>)
    %dma_start3A_401 = arith.constant 9 : i32
    %dma_start3A_402 = arith.constant 384 : i32
    %dma_start3A_403 = arith.constant 0 : i32
    %dma_start3A_404 = tpu.memref_slice %arg7[%dma_start3A_402, %dma_start3A_403] : memref<768x128xf32, #tpu.memory_space<vmem>> -> memref<128x128xf32, #tpu.memory_space<vmem>>
    %dma_start3A_405 = arith.constant 0 : i32
    %dma_start3A_406 = tpu.memref_slice %arg6[%dma_start3A_401, %dma_start3A_405] : memref<16x128xi32, #tpu.memory_space<vmem>> -> memref<1x128xi32, #tpu.memory_space<vmem>>
    %dma_start3A_407 = tpu.memref_squeeze %dma_start3A_406 : memref<1x128xi32, #tpu.memory_space<vmem>> -> memref<128xi32, #tpu.memory_space<vmem>>
    %dma_start3A_408 = arith.constant 0 : i32
    %dma_start3A_409 = arith.constant 0 : i32
    %dma_start3A_410 = tpu.memref_slice %arg8[%dma_start3A_408, %dma_start3A_409] : memref<3080x128xf32, #tpu.memory_space<vmem_shared>> -> memref<3080x128xf32, #tpu.memory_space<vmem_shared>>
    tpu.enqueue_indirect_dma source(%dma_start3A_404 : memref<128x128xf32, #tpu.memory_space<vmem>>) target(%dma_start3A_410 : memref<3080x128xf32, #tpu.memory_space<vmem_shared>>) offsets(%dma_start3A_407 : memref<128xi32, #tpu.memory_space<vmem>>) semaphore(%arg10 : memref<!tpu.dma_semaphore, #tpu.memory_space<semaphore_mem>>) {add = true}
    %dma_wait3A_411 = arith.constant 512 : i32
    %dma_wait3A_412 = arith.constant 0 : i32
    %dma_wait3A_413 = tpu.memref_slice %arg7[%dma_wait3A_411, %dma_wait3A_412] : memref<768x128xf32, #tpu.memory_space<vmem>> -> memref<128x128xf32, #tpu.memory_space<vmem>>
    %dma_wait3A_414 = arith.constant 0 : i32
    %dma_wait3A_415 = tpu.memref_slice %arg2[%add3A_278, %dma_wait3A_414] : memref<24576x128xf32, #tpu.memory_space<hbm>> -> memref<128x128xf32, #tpu.memory_space<hbm>>
    %dma_wait3A_416 = arith.constant 512 : i32
    %dma_wait3A_417 = arith.constant 0 : i32
    %dma_wait3A_418 = tpu.memref_slice %arg7[%dma_wait3A_416, %dma_wait3A_417] : memref<768x128xf32, #tpu.memory_space<vmem>> -> memref<128x128xf32, #tpu.memory_space<vmem>>
    %dma_wait3A_419 = arith.constant 0 : i32
    %dma_wait3A_420 = tpu.memref_slice %arg2[%add3A_278, %dma_wait3A_419] : memref<24576x128xf32, #tpu.memory_space<hbm>> -> memref<128x128xf32, #tpu.memory_space<hbm>>
    tpu.wait_dma2 semaphore(%arg9 : memref<!tpu.dma_semaphore, #tpu.memory_space<semaphore_mem>>) src(%dma_wait3A_420 : memref<128x128xf32, #tpu.memory_space<hbm>>) dst(%dma_wait3A_418 : memref<128x128xf32, #tpu.memory_space<vmem>>)
    %dma_start3A_421 = arith.constant 10 : i32
    %dma_start3A_422 = arith.constant 512 : i32
    %dma_start3A_423 = arith.constant 0 : i32
    %dma_start3A_424 = tpu.memref_slice %arg7[%dma_start3A_422, %dma_start3A_423] : memref<768x128xf32, #tpu.memory_space<vmem>> -> memref<128x128xf32, #tpu.memory_space<vmem>>
    %dma_start3A_425 = arith.constant 0 : i32
    %dma_start3A_426 = tpu.memref_slice %arg6[%dma_start3A_421, %dma_start3A_425] : memref<16x128xi32, #tpu.memory_space<vmem>> -> memref<1x128xi32, #tpu.memory_space<vmem>>
    %dma_start3A_427 = tpu.memref_squeeze %dma_start3A_426 : memref<1x128xi32, #tpu.memory_space<vmem>> -> memref<128xi32, #tpu.memory_space<vmem>>
    %dma_start3A_428 = arith.constant 0 : i32
    %dma_start3A_429 = arith.constant 0 : i32
    %dma_start3A_430 = tpu.memref_slice %arg8[%dma_start3A_428, %dma_start3A_429] : memref<3080x128xf32, #tpu.memory_space<vmem_shared>> -> memref<3080x128xf32, #tpu.memory_space<vmem_shared>>
    tpu.enqueue_indirect_dma source(%dma_start3A_424 : memref<128x128xf32, #tpu.memory_space<vmem>>) target(%dma_start3A_430 : memref<3080x128xf32, #tpu.memory_space<vmem_shared>>) offsets(%dma_start3A_427 : memref<128xi32, #tpu.memory_space<vmem>>) semaphore(%arg10 : memref<!tpu.dma_semaphore, #tpu.memory_space<semaphore_mem>>) {add = true}
    %dma_wait3A_431 = arith.constant 640 : i32
    %dma_wait3A_432 = arith.constant 0 : i32
    %dma_wait3A_433 = tpu.memref_slice %arg7[%dma_wait3A_431, %dma_wait3A_432] : memref<768x128xf32, #tpu.memory_space<vmem>> -> memref<128x128xf32, #tpu.memory_space<vmem>>
    %dma_wait3A_434 = arith.constant 0 : i32
    %dma_wait3A_435 = tpu.memref_slice %arg2[%add3A_320, %dma_wait3A_434] : memref<24576x128xf32, #tpu.memory_space<hbm>> -> memref<128x128xf32, #tpu.memory_space<hbm>>
    %dma_wait3A_436 = arith.constant 640 : i32
    %dma_wait3A_437 = arith.constant 0 : i32
    %dma_wait3A_438 = tpu.memref_slice %arg7[%dma_wait3A_436, %dma_wait3A_437] : memref<768x128xf32, #tpu.memory_space<vmem>> -> memref<128x128xf32, #tpu.memory_space<vmem>>
    %dma_wait3A_439 = arith.constant 0 : i32
    %dma_wait3A_440 = tpu.memref_slice %arg2[%add3A_320, %dma_wait3A_439] : memref<24576x128xf32, #tpu.memory_space<hbm>> -> memref<128x128xf32, #tpu.memory_space<hbm>>
    tpu.wait_dma2 semaphore(%arg9 : memref<!tpu.dma_semaphore, #tpu.memory_space<semaphore_mem>>) src(%dma_wait3A_440 : memref<128x128xf32, #tpu.memory_space<hbm>>) dst(%dma_wait3A_438 : memref<128x128xf32, #tpu.memory_space<vmem>>)
    %dma_start3A_441 = arith.constant 11 : i32
    %dma_start3A_442 = arith.constant 640 : i32
    %dma_start3A_443 = arith.constant 0 : i32
    %dma_start3A_444 = tpu.memref_slice %arg7[%dma_start3A_442, %dma_start3A_443] : memref<768x128xf32, #tpu.memory_space<vmem>> -> memref<128x128xf32, #tpu.memory_space<vmem>>
    %dma_start3A_445 = arith.constant 0 : i32
    %dma_start3A_446 = tpu.memref_slice %arg6[%dma_start3A_441, %dma_start3A_445] : memref<16x128xi32, #tpu.memory_space<vmem>> -> memref<1x128xi32, #tpu.memory_space<vmem>>
    %dma_start3A_447 = tpu.memref_squeeze %dma_start3A_446 : memref<1x128xi32, #tpu.memory_space<vmem>> -> memref<128xi32, #tpu.memory_space<vmem>>
    %dma_start3A_448 = arith.constant 0 : i32
    %dma_start3A_449 = arith.constant 0 : i32
    %dma_start3A_450 = tpu.memref_slice %arg8[%dma_start3A_448, %dma_start3A_449] : memref<3080x128xf32, #tpu.memory_space<vmem_shared>> -> memref<3080x128xf32, #tpu.memory_space<vmem_shared>>
    tpu.enqueue_indirect_dma source(%dma_start3A_444 : memref<128x128xf32, #tpu.memory_space<vmem>>) target(%dma_start3A_450 : memref<3080x128xf32, #tpu.memory_space<vmem_shared>>) offsets(%dma_start3A_447 : memref<128xi32, #tpu.memory_space<vmem>>) semaphore(%arg10 : memref<!tpu.dma_semaphore, #tpu.memory_space<semaphore_mem>>) {add = true}
    %dma_wait3A_451 = arith.constant 6 : i32
    %dma_wait3A_452 = arith.constant 0 : i32
    %dma_wait3A_453 = arith.constant 0 : i32
    %dma_wait3A_454 = tpu.memref_slice %arg7[%dma_wait3A_452, %dma_wait3A_453] : memref<768x128xf32, #tpu.memory_space<vmem>> -> memref<128x128xf32, #tpu.memory_space<vmem>>
    %dma_wait3A_455 = arith.constant 0 : i32
    %dma_wait3A_456 = tpu.memref_slice %arg6[%dma_wait3A_451, %dma_wait3A_455] : memref<16x128xi32, #tpu.memory_space<vmem>> -> memref<1x128xi32, #tpu.memory_space<vmem>>
    %dma_wait3A_457 = tpu.memref_squeeze %dma_wait3A_456 : memref<1x128xi32, #tpu.memory_space<vmem>> -> memref<128xi32, #tpu.memory_space<vmem>>
    %dma_wait3A_458 = arith.constant 0 : i32
    %dma_wait3A_459 = arith.constant 0 : i32
    %dma_wait3A_460 = tpu.memref_slice %arg8[%dma_wait3A_458, %dma_wait3A_459] : memref<3080x128xf32, #tpu.memory_space<vmem_shared>> -> memref<3080x128xf32, #tpu.memory_space<vmem_shared>>
    tpu.wait_indirect_dma semaphore(%arg10 : memref<!tpu.dma_semaphore, #tpu.memory_space<semaphore_mem>>) src(%dma_wait3A_454 : memref<128x128xf32, #tpu.memory_space<vmem>>) dst(%dma_wait3A_460 : memref<3080x128xf32, #tpu.memory_space<vmem_shared>>)
    %dma_wait3A_461 = arith.constant 7 : i32
    %dma_wait3A_462 = arith.constant 128 : i32
    %dma_wait3A_463 = arith.constant 0 : i32
    %dma_wait3A_464 = tpu.memref_slice %arg7[%dma_wait3A_462, %dma_wait3A_463] : memref<768x128xf32, #tpu.memory_space<vmem>> -> memref<128x128xf32, #tpu.memory_space<vmem>>
    %dma_wait3A_465 = arith.constant 0 : i32
    %dma_wait3A_466 = tpu.memref_slice %arg6[%dma_wait3A_461, %dma_wait3A_465] : memref<16x128xi32, #tpu.memory_space<vmem>> -> memref<1x128xi32, #tpu.memory_space<vmem>>
    %dma_wait3A_467 = tpu.memref_squeeze %dma_wait3A_466 : memref<1x128xi32, #tpu.memory_space<vmem>> -> memref<128xi32, #tpu.memory_space<vmem>>
    %dma_wait3A_468 = arith.constant 0 : i32
    %dma_wait3A_469 = arith.constant 0 : i32
    %dma_wait3A_470 = tpu.memref_slice %arg8[%dma_wait3A_468, %dma_wait3A_469] : memref<3080x128xf32, #tpu.memory_space<vmem_shared>> -> memref<3080x128xf32, #tpu.memory_space<vmem_shared>>
    tpu.wait_indirect_dma semaphore(%arg10 : memref<!tpu.dma_semaphore, #tpu.memory_space<semaphore_mem>>) src(%dma_wait3A_464 : memref<128x128xf32, #tpu.memory_space<vmem>>) dst(%dma_wait3A_470 : memref<3080x128xf32, #tpu.memory_space<vmem_shared>>)
    %dma_wait3A_471 = arith.constant 8 : i32
    %dma_wait3A_472 = arith.constant 256 : i32
    %dma_wait3A_473 = arith.constant 0 : i32
    %dma_wait3A_474 = tpu.memref_slice %arg7[%dma_wait3A_472, %dma_wait3A_473] : memref<768x128xf32, #tpu.memory_space<vmem>> -> memref<128x128xf32, #tpu.memory_space<vmem>>
    %dma_wait3A_475 = arith.constant 0 : i32
    %dma_wait3A_476 = tpu.memref_slice %arg6[%dma_wait3A_471, %dma_wait3A_475] : memref<16x128xi32, #tpu.memory_space<vmem>> -> memref<1x128xi32, #tpu.memory_space<vmem>>
    %dma_wait3A_477 = tpu.memref_squeeze %dma_wait3A_476 : memref<1x128xi32, #tpu.memory_space<vmem>> -> memref<128xi32, #tpu.memory_space<vmem>>
    %dma_wait3A_478 = arith.constant 0 : i32
    %dma_wait3A_479 = arith.constant 0 : i32
    %dma_wait3A_480 = tpu.memref_slice %arg8[%dma_wait3A_478, %dma_wait3A_479] : memref<3080x128xf32, #tpu.memory_space<vmem_shared>> -> memref<3080x128xf32, #tpu.memory_space<vmem_shared>>
    tpu.wait_indirect_dma semaphore(%arg10 : memref<!tpu.dma_semaphore, #tpu.memory_space<semaphore_mem>>) src(%dma_wait3A_474 : memref<128x128xf32, #tpu.memory_space<vmem>>) dst(%dma_wait3A_480 : memref<3080x128xf32, #tpu.memory_space<vmem_shared>>)
    %dma_wait3A_481 = arith.constant 9 : i32
    %dma_wait3A_482 = arith.constant 384 : i32
    %dma_wait3A_483 = arith.constant 0 : i32
    %dma_wait3A_484 = tpu.memref_slice %arg7[%dma_wait3A_482, %dma_wait3A_483] : memref<768x128xf32, #tpu.memory_space<vmem>> -> memref<128x128xf32, #tpu.memory_space<vmem>>
    %dma_wait3A_485 = arith.constant 0 : i32
    %dma_wait3A_486 = tpu.memref_slice %arg6[%dma_wait3A_481, %dma_wait3A_485] : memref<16x128xi32, #tpu.memory_space<vmem>> -> memref<1x128xi32, #tpu.memory_space<vmem>>
    %dma_wait3A_487 = tpu.memref_squeeze %dma_wait3A_486 : memref<1x128xi32, #tpu.memory_space<vmem>> -> memref<128xi32, #tpu.memory_space<vmem>>
    %dma_wait3A_488 = arith.constant 0 : i32
    %dma_wait3A_489 = arith.constant 0 : i32
    %dma_wait3A_490 = tpu.memref_slice %arg8[%dma_wait3A_488, %dma_wait3A_489] : memref<3080x128xf32, #tpu.memory_space<vmem_shared>> -> memref<3080x128xf32, #tpu.memory_space<vmem_shared>>
    tpu.wait_indirect_dma semaphore(%arg10 : memref<!tpu.dma_semaphore, #tpu.memory_space<semaphore_mem>>) src(%dma_wait3A_484 : memref<128x128xf32, #tpu.memory_space<vmem>>) dst(%dma_wait3A_490 : memref<3080x128xf32, #tpu.memory_space<vmem_shared>>)
    %dma_wait3A_491 = arith.constant 10 : i32
    %dma_wait3A_492 = arith.constant 512 : i32
    %dma_wait3A_493 = arith.constant 0 : i32
    %dma_wait3A_494 = tpu.memref_slice %arg7[%dma_wait3A_492, %dma_wait3A_493] : memref<768x128xf32, #tpu.memory_space<vmem>> -> memref<128x128xf32, #tpu.memory_space<vmem>>
    %dma_wait3A_495 = arith.constant 0 : i32
    %dma_wait3A_496 = tpu.memref_slice %arg6[%dma_wait3A_491, %dma_wait3A_495] : memref<16x128xi32, #tpu.memory_space<vmem>> -> memref<1x128xi32, #tpu.memory_space<vmem>>
    %dma_wait3A_497 = tpu.memref_squeeze %dma_wait3A_496 : memref<1x128xi32, #tpu.memory_space<vmem>> -> memref<128xi32, #tpu.memory_space<vmem>>
    %dma_wait3A_498 = arith.constant 0 : i32
    %dma_wait3A_499 = arith.constant 0 : i32
    %dma_wait3A_500 = tpu.memref_slice %arg8[%dma_wait3A_498, %dma_wait3A_499] : memref<3080x128xf32, #tpu.memory_space<vmem_shared>> -> memref<3080x128xf32, #tpu.memory_space<vmem_shared>>
    tpu.wait_indirect_dma semaphore(%arg10 : memref<!tpu.dma_semaphore, #tpu.memory_space<semaphore_mem>>) src(%dma_wait3A_494 : memref<128x128xf32, #tpu.memory_space<vmem>>) dst(%dma_wait3A_500 : memref<3080x128xf32, #tpu.memory_space<vmem_shared>>)
    %dma_wait3A_501 = arith.constant 11 : i32
    %dma_wait3A_502 = arith.constant 640 : i32
    %dma_wait3A_503 = arith.constant 0 : i32
    %dma_wait3A_504 = tpu.memref_slice %arg7[%dma_wait3A_502, %dma_wait3A_503] : memref<768x128xf32, #tpu.memory_space<vmem>> -> memref<128x128xf32, #tpu.memory_space<vmem>>
    %dma_wait3A_505 = arith.constant 0 : i32
    %dma_wait3A_506 = tpu.memref_slice %arg6[%dma_wait3A_501, %dma_wait3A_505] : memref<16x128xi32, #tpu.memory_space<vmem>> -> memref<1x128xi32, #tpu.memory_space<vmem>>
    %dma_wait3A_507 = tpu.memref_squeeze %dma_wait3A_506 : memref<1x128xi32, #tpu.memory_space<vmem>> -> memref<128xi32, #tpu.memory_space<vmem>>
    %dma_wait3A_508 = arith.constant 0 : i32
    %dma_wait3A_509 = arith.constant 0 : i32
    %dma_wait3A_510 = tpu.memref_slice %arg8[%dma_wait3A_508, %dma_wait3A_509] : memref<3080x128xf32, #tpu.memory_space<vmem_shared>> -> memref<3080x128xf32, #tpu.memory_space<vmem_shared>>
    tpu.wait_indirect_dma semaphore(%arg10 : memref<!tpu.dma_semaphore, #tpu.memory_space<semaphore_mem>>) src(%dma_wait3A_504 : memref<128x128xf32, #tpu.memory_space<vmem>>) dst(%dma_wait3A_510 : memref<3080x128xf32, #tpu.memory_space<vmem_shared>>)
    %barrier3A_511 = arith.constant 0 : index
    tpu.barrier barrier_id(%barrier3A_511)
    "tpu.region"() ({
      %run_scoped3A = tpu.sem_alloc : memref<!tpu.dma_semaphore, #tpu.memory_space<semaphore_mem>>
      %dma_start3A_518 = arith.constant 0 : i32
      %dma_start3A_519 = arith.constant 0 : i32
      %dma_start3A_520 = tpu.memref_slice %arg7[%dma_start3A_518, %dma_start3A_519] : memref<768x128xf32, #tpu.memory_space<vmem>> -> memref<192x128xf32, #tpu.memory_space<vmem>>
      %dma_start3A_521 = arith.constant 0 : i32
      %dma_start3A_522 = tpu.memref_slice %arg8[%multiple_of3A, %dma_start3A_521] : memref<3080x128xf32, #tpu.memory_space<vmem_shared>> -> memref<192x128xf32, #tpu.memory_space<vmem_shared>>
      %dma_start3A_523 = arith.constant 0 : i32
      %dma_start3A_524 = arith.constant 0 : i32
      %dma_start3A_525 = tpu.memref_slice %arg7[%dma_start3A_523, %dma_start3A_524] : memref<768x128xf32, #tpu.memory_space<vmem>> -> memref<192x128xf32, #tpu.memory_space<vmem>>
      %dma_start3A_526 = arith.constant 0 : i32
      %dma_start3A_527 = tpu.memref_slice %arg8[%multiple_of3A, %dma_start3A_526] : memref<3080x128xf32, #tpu.memory_space<vmem_shared>> -> memref<192x128xf32, #tpu.memory_space<vmem_shared>>
      tpu.enqueue_dma source(%dma_start3A_527 : memref<192x128xf32, #tpu.memory_space<vmem_shared>>) target(%dma_start3A_525 : memref<192x128xf32, #tpu.memory_space<vmem>>) target_semaphore(%run_scoped3A : memref<!tpu.dma_semaphore, #tpu.memory_space<semaphore_mem>>)
      %dma_wait3A_528 = arith.constant 0 : i32
      %dma_wait3A_529 = arith.constant 0 : i32
      %dma_wait3A_530 = tpu.memref_slice %arg7[%dma_wait3A_528, %dma_wait3A_529] : memref<768x128xf32, #tpu.memory_space<vmem>> -> memref<192x128xf32, #tpu.memory_space<vmem>>
      %dma_wait3A_531 = arith.constant 0 : i32
      %dma_wait3A_532 = tpu.memref_slice %arg8[%multiple_of3A, %dma_wait3A_531] : memref<3080x128xf32, #tpu.memory_space<vmem_shared>> -> memref<192x128xf32, #tpu.memory_space<vmem_shared>>
      %dma_wait3A_533 = arith.constant 0 : i32
      %dma_wait3A_534 = arith.constant 0 : i32
      %dma_wait3A_535 = tpu.memref_slice %arg7[%dma_wait3A_533, %dma_wait3A_534] : memref<768x128xf32, #tpu.memory_space<vmem>> -> memref<192x128xf32, #tpu.memory_space<vmem>>
      %dma_wait3A_536 = arith.constant 0 : i32
      %dma_wait3A_537 = tpu.memref_slice %arg8[%multiple_of3A, %dma_wait3A_536] : memref<3080x128xf32, #tpu.memory_space<vmem_shared>> -> memref<192x128xf32, #tpu.memory_space<vmem_shared>>
      tpu.wait_dma2 semaphore(%run_scoped3A : memref<!tpu.dma_semaphore, #tpu.memory_space<semaphore_mem>>) src(%dma_wait3A_537 : memref<192x128xf32, #tpu.memory_space<vmem_shared>>) dst(%dma_wait3A_535 : memref<192x128xf32, #tpu.memory_space<vmem>>)
      tpu.yield
    }) : () -> ()
    %mul3A_512 = arith.constant 3072 : i32
    %mul3A_513 = arith.muli %arg0, %mul3A_512 : i32
    %mul3A_514 = arith.constant 192 : i32
    %mul3A_515 = arith.muli %arg1, %mul3A_514 : i32
    %add3A_516 = arith.addi %mul3A_513, %mul3A_515 : i32
    %multiple_of3A_517 = tpu.assume_multiple %add3A_516, 8 : i32
    "tpu.region"() ({
      %run_scoped3A = tpu.sem_alloc : memref<!tpu.dma_semaphore, #tpu.memory_space<semaphore_mem>>
      %dma_start3A_518 = arith.constant 0 : i32
      %dma_start3A_519 = arith.constant 0 : i32
      %dma_start3A_520 = tpu.memref_slice %arg7[%dma_start3A_518, %dma_start3A_519] : memref<768x128xf32, #tpu.memory_space<vmem>> -> memref<192x128xf32, #tpu.memory_space<vmem>>
      %dma_start3A_521 = arith.constant 0 : i32
      %dma_start3A_522 = tpu.memref_slice %arg5[%multiple_of3A_517, %dma_start3A_521] : memref<6144x128xf32, #tpu.memory_space<hbm>> -> memref<192x128xf32, #tpu.memory_space<hbm>>
      %dma_start3A_523 = arith.constant 0 : i32
      %dma_start3A_524 = tpu.memref_slice %arg5[%multiple_of3A_517, %dma_start3A_523] : memref<6144x128xf32, #tpu.memory_space<hbm>> -> memref<192x128xf32, #tpu.memory_space<hbm>>
      %dma_start3A_525 = arith.constant 0 : i32
      %dma_start3A_526 = arith.constant 0 : i32
      %dma_start3A_527 = tpu.memref_slice %arg7[%dma_start3A_525, %dma_start3A_526] : memref<768x128xf32, #tpu.memory_space<vmem>> -> memref<192x128xf32, #tpu.memory_space<vmem>>
      tpu.enqueue_dma source(%dma_start3A_527 : memref<192x128xf32, #tpu.memory_space<vmem>>) target(%dma_start3A_524 : memref<192x128xf32, #tpu.memory_space<hbm>>) target_semaphore(%run_scoped3A : memref<!tpu.dma_semaphore, #tpu.memory_space<semaphore_mem>>)
      %dma_wait3A_528 = arith.constant 0 : i32
      %dma_wait3A_529 = arith.constant 0 : i32
      %dma_wait3A_530 = tpu.memref_slice %arg7[%dma_wait3A_528, %dma_wait3A_529] : memref<768x128xf32, #tpu.memory_space<vmem>> -> memref<192x128xf32, #tpu.memory_space<vmem>>
      %dma_wait3A_531 = arith.constant 0 : i32
      %dma_wait3A_532 = tpu.memref_slice %arg5[%multiple_of3A_517, %dma_wait3A_531] : memref<6144x128xf32, #tpu.memory_space<hbm>> -> memref<192x128xf32, #tpu.memory_space<hbm>>
      %dma_wait3A_533 = arith.constant 0 : i32
      %dma_wait3A_534 = tpu.memref_slice %arg5[%multiple_of3A_517, %dma_wait3A_533] : memref<6144x128xf32, #tpu.memory_space<hbm>> -> memref<192x128xf32, #tpu.memory_space<hbm>>
      %dma_wait3A_535 = arith.constant 0 : i32
      %dma_wait3A_536 = arith.constant 0 : i32
      %dma_wait3A_537 = tpu.memref_slice %arg7[%dma_wait3A_535, %dma_wait3A_536] : memref<768x128xf32, #tpu.memory_space<vmem>> -> memref<192x128xf32, #tpu.memory_space<vmem>>
      tpu.wait_dma2 semaphore(%run_scoped3A : memref<!tpu.dma_semaphore, #tpu.memory_space<semaphore_mem>>) src(%dma_wait3A_537 : memref<192x128xf32, #tpu.memory_space<vmem>>) dst(%dma_wait3A_534 : memref<192x128xf32, #tpu.memory_space<hbm>>)
      tpu.yield
    }) : () -> ()
    return
  }
}

#map = affine_map<(d0, d1) -> (0, 0)>
#map1 = affine_map<(d0, d1) -> (0)>
module attributes {stable_mosaic.version = 14 : i64} {
  func.func @_sc_gather_body(%arg0: i32, %arg1: i32, %arg2: memref<6144x128xf32, #tpu.memory_space<hbm>>, %arg3: memref<24576xi32, #tpu.memory_space<hbm>>, %arg4: memref<24576x128xf32, #tpu.memory_space<hbm>>, %arg5: memref<768xi32, #tpu.memory_space<vmem>>, %arg6: memref<768x128xf32, #tpu.memory_space<vmem>>, %arg7: memref<!tpu.dma_semaphore, #tpu.memory_space<semaphore_mem>>, %arg8: memref<!tpu.dma_semaphore, #tpu.memory_space<semaphore_mem>>) attributes {dimension_semantics = [#tpu.dimension_semantics<core_parallel>, #tpu.dimension_semantics<subcore_parallel>], iteration_bounds = array<i64: 2, 16>, scalar_prefetch = 0 : i64, scratch_operands = 4 : i64, tpu.core_type = #tpu.core_type<sc_vector_subcore>, window_params = [{transform_indices = #map}, {transform_indices = #map1}, {transform_indices = #map}]} {
    %mul3A = arith.constant 2 : i32
    %mul3A_0 = arith.muli %arg1, %mul3A : i32
    %add3A = arith.addi %mul3A_0, %arg0 : i32
    %mul3A_1 = arith.constant 768 : i32
    %mul3A_2 = arith.muli %add3A, %mul3A_1 : i32
    %multiple_of3A = tpu.assume_multiple %mul3A_2, 768 : i32
    "tpu.region"() ({
      %run_scoped3A = tpu.sem_alloc : memref<!tpu.dma_semaphore, #tpu.memory_space<semaphore_mem>>
      %dma_start3A_229 = tpu.memref_slice %arg3[%multiple_of3A] : memref<24576xi32, #tpu.memory_space<hbm>> -> memref<768xi32, #tpu.memory_space<hbm>>
      %dma_start3A_230 = tpu.memref_slice %arg3[%multiple_of3A] : memref<24576xi32, #tpu.memory_space<hbm>> -> memref<768xi32, #tpu.memory_space<hbm>>
      tpu.enqueue_dma source(%dma_start3A_230 : memref<768xi32, #tpu.memory_space<hbm>>) target(%arg5 : memref<768xi32, #tpu.memory_space<vmem>>) target_semaphore(%run_scoped3A : memref<!tpu.dma_semaphore, #tpu.memory_space<semaphore_mem>>)
      %dma_wait3A_231 = tpu.memref_slice %arg3[%multiple_of3A] : memref<24576xi32, #tpu.memory_space<hbm>> -> memref<768xi32, #tpu.memory_space<hbm>>
      %dma_wait3A_232 = tpu.memref_slice %arg3[%multiple_of3A] : memref<24576xi32, #tpu.memory_space<hbm>> -> memref<768xi32, #tpu.memory_space<hbm>>
      tpu.wait_dma2 semaphore(%run_scoped3A : memref<!tpu.dma_semaphore, #tpu.memory_space<semaphore_mem>>) src(%dma_wait3A_232 : memref<768xi32, #tpu.memory_space<hbm>>) dst(%arg5 : memref<768xi32, #tpu.memory_space<vmem>>)
      tpu.yield
    }) : () -> ()
    %dma_start3A = arith.constant 0 : i32
    %dma_start3A_3 = arith.constant 0 : i32
    %dma_start3A_4 = tpu.memref_slice %arg6[%dma_start3A, %dma_start3A_3] : memref<768x128xf32, #tpu.memory_space<vmem>> -> memref<128x128xf32, #tpu.memory_space<vmem>>
    %dma_start3A_5 = arith.constant 0 : i32
    %dma_start3A_6 = tpu.memref_slice %arg5[%dma_start3A_5] : memref<768xi32, #tpu.memory_space<vmem>> -> memref<128xi32, #tpu.memory_space<vmem>>
    %dma_start3A_7 = arith.constant 0 : i32
    %dma_start3A_8 = arith.constant 0 : i32
    %dma_start3A_9 = tpu.memref_slice %arg2[%dma_start3A_7, %dma_start3A_8] : memref<6144x128xf32, #tpu.memory_space<hbm>> -> memref<6144x128xf32, #tpu.memory_space<hbm>>
    tpu.enqueue_indirect_dma source(%dma_start3A_9 : memref<6144x128xf32, #tpu.memory_space<hbm>>) target(%dma_start3A_4 : memref<128x128xf32, #tpu.memory_space<vmem>>) offsets(%dma_start3A_6 : memref<128xi32, #tpu.memory_space<vmem>>) semaphore(%arg7 : memref<!tpu.dma_semaphore, #tpu.memory_space<semaphore_mem>>)
    %dma_start3A_10 = arith.constant 128 : i32
    %dma_start3A_11 = arith.constant 0 : i32
    %dma_start3A_12 = tpu.memref_slice %arg6[%dma_start3A_10, %dma_start3A_11] : memref<768x128xf32, #tpu.memory_space<vmem>> -> memref<128x128xf32, #tpu.memory_space<vmem>>
    %dma_start3A_13 = arith.constant 128 : i32
    %dma_start3A_14 = tpu.memref_slice %arg5[%dma_start3A_13] : memref<768xi32, #tpu.memory_space<vmem>> -> memref<128xi32, #tpu.memory_space<vmem>>
    %dma_start3A_15 = arith.constant 0 : i32
    %dma_start3A_16 = arith.constant 0 : i32
    %dma_start3A_17 = tpu.memref_slice %arg2[%dma_start3A_15, %dma_start3A_16] : memref<6144x128xf32, #tpu.memory_space<hbm>> -> memref<6144x128xf32, #tpu.memory_space<hbm>>
    tpu.enqueue_indirect_dma source(%dma_start3A_17 : memref<6144x128xf32, #tpu.memory_space<hbm>>) target(%dma_start3A_12 : memref<128x128xf32, #tpu.memory_space<vmem>>) offsets(%dma_start3A_14 : memref<128xi32, #tpu.memory_space<vmem>>) semaphore(%arg7 : memref<!tpu.dma_semaphore, #tpu.memory_space<semaphore_mem>>)
    %dma_start3A_18 = arith.constant 256 : i32
    %dma_start3A_19 = arith.constant 0 : i32
    %dma_start3A_20 = tpu.memref_slice %arg6[%dma_start3A_18, %dma_start3A_19] : memref<768x128xf32, #tpu.memory_space<vmem>> -> memref<128x128xf32, #tpu.memory_space<vmem>>
    %dma_start3A_21 = arith.constant 256 : i32
    %dma_start3A_22 = tpu.memref_slice %arg5[%dma_start3A_21] : memref<768xi32, #tpu.memory_space<vmem>> -> memref<128xi32, #tpu.memory_space<vmem>>
    %dma_start3A_23 = arith.constant 0 : i32
    %dma_start3A_24 = arith.constant 0 : i32
    %dma_start3A_25 = tpu.memref_slice %arg2[%dma_start3A_23, %dma_start3A_24] : memref<6144x128xf32, #tpu.memory_space<hbm>> -> memref<6144x128xf32, #tpu.memory_space<hbm>>
    tpu.enqueue_indirect_dma source(%dma_start3A_25 : memref<6144x128xf32, #tpu.memory_space<hbm>>) target(%dma_start3A_20 : memref<128x128xf32, #tpu.memory_space<vmem>>) offsets(%dma_start3A_22 : memref<128xi32, #tpu.memory_space<vmem>>) semaphore(%arg7 : memref<!tpu.dma_semaphore, #tpu.memory_space<semaphore_mem>>)
    %dma_start3A_26 = arith.constant 384 : i32
    %dma_start3A_27 = arith.constant 0 : i32
    %dma_start3A_28 = tpu.memref_slice %arg6[%dma_start3A_26, %dma_start3A_27] : memref<768x128xf32, #tpu.memory_space<vmem>> -> memref<128x128xf32, #tpu.memory_space<vmem>>
    %dma_start3A_29 = arith.constant 384 : i32
    %dma_start3A_30 = tpu.memref_slice %arg5[%dma_start3A_29] : memref<768xi32, #tpu.memory_space<vmem>> -> memref<128xi32, #tpu.memory_space<vmem>>
    %dma_start3A_31 = arith.constant 0 : i32
    %dma_start3A_32 = arith.constant 0 : i32
    %dma_start3A_33 = tpu.memref_slice %arg2[%dma_start3A_31, %dma_start3A_32] : memref<6144x128xf32, #tpu.memory_space<hbm>> -> memref<6144x128xf32, #tpu.memory_space<hbm>>
    tpu.enqueue_indirect_dma source(%dma_start3A_33 : memref<6144x128xf32, #tpu.memory_space<hbm>>) target(%dma_start3A_28 : memref<128x128xf32, #tpu.memory_space<vmem>>) offsets(%dma_start3A_30 : memref<128xi32, #tpu.memory_space<vmem>>) semaphore(%arg7 : memref<!tpu.dma_semaphore, #tpu.memory_space<semaphore_mem>>)
    %dma_start3A_34 = arith.constant 512 : i32
    %dma_start3A_35 = arith.constant 0 : i32
    %dma_start3A_36 = tpu.memref_slice %arg6[%dma_start3A_34, %dma_start3A_35] : memref<768x128xf32, #tpu.memory_space<vmem>> -> memref<128x128xf32, #tpu.memory_space<vmem>>
    %dma_start3A_37 = arith.constant 512 : i32
    %dma_start3A_38 = tpu.memref_slice %arg5[%dma_start3A_37] : memref<768xi32, #tpu.memory_space<vmem>> -> memref<128xi32, #tpu.memory_space<vmem>>
    %dma_start3A_39 = arith.constant 0 : i32
    %dma_start3A_40 = arith.constant 0 : i32
    %dma_start3A_41 = tpu.memref_slice %arg2[%dma_start3A_39, %dma_start3A_40] : memref<6144x128xf32, #tpu.memory_space<hbm>> -> memref<6144x128xf32, #tpu.memory_space<hbm>>
    tpu.enqueue_indirect_dma source(%dma_start3A_41 : memref<6144x128xf32, #tpu.memory_space<hbm>>) target(%dma_start3A_36 : memref<128x128xf32, #tpu.memory_space<vmem>>) offsets(%dma_start3A_38 : memref<128xi32, #tpu.memory_space<vmem>>) semaphore(%arg7 : memref<!tpu.dma_semaphore, #tpu.memory_space<semaphore_mem>>)
    %dma_start3A_42 = arith.constant 640 : i32
    %dma_start3A_43 = arith.constant 0 : i32
    %dma_start3A_44 = tpu.memref_slice %arg6[%dma_start3A_42, %dma_start3A_43] : memref<768x128xf32, #tpu.memory_space<vmem>> -> memref<128x128xf32, #tpu.memory_space<vmem>>
    %dma_start3A_45 = arith.constant 640 : i32
    %dma_start3A_46 = tpu.memref_slice %arg5[%dma_start3A_45] : memref<768xi32, #tpu.memory_space<vmem>> -> memref<128xi32, #tpu.memory_space<vmem>>
    %dma_start3A_47 = arith.constant 0 : i32
    %dma_start3A_48 = arith.constant 0 : i32
    %dma_start3A_49 = tpu.memref_slice %arg2[%dma_start3A_47, %dma_start3A_48] : memref<6144x128xf32, #tpu.memory_space<hbm>> -> memref<6144x128xf32, #tpu.memory_space<hbm>>
    tpu.enqueue_indirect_dma source(%dma_start3A_49 : memref<6144x128xf32, #tpu.memory_space<hbm>>) target(%dma_start3A_44 : memref<128x128xf32, #tpu.memory_space<vmem>>) offsets(%dma_start3A_46 : memref<128xi32, #tpu.memory_space<vmem>>) semaphore(%arg7 : memref<!tpu.dma_semaphore, #tpu.memory_space<semaphore_mem>>)
    %dma_wait3A = arith.constant 0 : i32
    %dma_wait3A_50 = arith.constant 0 : i32
    %dma_wait3A_51 = tpu.memref_slice %arg6[%dma_wait3A, %dma_wait3A_50] : memref<768x128xf32, #tpu.memory_space<vmem>> -> memref<128x128xf32, #tpu.memory_space<vmem>>
    %dma_wait3A_52 = arith.constant 0 : i32
    %dma_wait3A_53 = tpu.memref_slice %arg5[%dma_wait3A_52] : memref<768xi32, #tpu.memory_space<vmem>> -> memref<128xi32, #tpu.memory_space<vmem>>
    %dma_wait3A_54 = arith.constant 0 : i32
    %dma_wait3A_55 = arith.constant 0 : i32
    %dma_wait3A_56 = tpu.memref_slice %arg2[%dma_wait3A_54, %dma_wait3A_55] : memref<6144x128xf32, #tpu.memory_space<hbm>> -> memref<6144x128xf32, #tpu.memory_space<hbm>>
    tpu.wait_indirect_dma semaphore(%arg7 : memref<!tpu.dma_semaphore, #tpu.memory_space<semaphore_mem>>) src(%dma_wait3A_56 : memref<6144x128xf32, #tpu.memory_space<hbm>>) dst(%dma_wait3A_51 : memref<128x128xf32, #tpu.memory_space<vmem>>)
    %add3A_57 = arith.constant 0 : i32
    %add3A_58 = arith.addi %multiple_of3A, %add3A_57 : i32
    %dma_start3A_59 = arith.constant 0 : i32
    %dma_start3A_60 = arith.constant 0 : i32
    %dma_start3A_61 = tpu.memref_slice %arg6[%dma_start3A_59, %dma_start3A_60] : memref<768x128xf32, #tpu.memory_space<vmem>> -> memref<128x128xf32, #tpu.memory_space<vmem>>
    %dma_start3A_62 = arith.constant 0 : i32
    %dma_start3A_63 = tpu.memref_slice %arg4[%add3A_58, %dma_start3A_62] : memref<24576x128xf32, #tpu.memory_space<hbm>> -> memref<128x128xf32, #tpu.memory_space<hbm>>
    %dma_start3A_64 = arith.constant 0 : i32
    %dma_start3A_65 = tpu.memref_slice %arg4[%add3A_58, %dma_start3A_64] : memref<24576x128xf32, #tpu.memory_space<hbm>> -> memref<128x128xf32, #tpu.memory_space<hbm>>
    %dma_start3A_66 = arith.constant 0 : i32
    %dma_start3A_67 = arith.constant 0 : i32
    %dma_start3A_68 = tpu.memref_slice %arg6[%dma_start3A_66, %dma_start3A_67] : memref<768x128xf32, #tpu.memory_space<vmem>> -> memref<128x128xf32, #tpu.memory_space<vmem>>
    tpu.enqueue_dma source(%dma_start3A_68 : memref<128x128xf32, #tpu.memory_space<vmem>>) target(%dma_start3A_65 : memref<128x128xf32, #tpu.memory_space<hbm>>) target_semaphore(%arg8 : memref<!tpu.dma_semaphore, #tpu.memory_space<semaphore_mem>>)
    %dma_wait3A_69 = arith.constant 128 : i32
    %dma_wait3A_70 = arith.constant 0 : i32
    %dma_wait3A_71 = tpu.memref_slice %arg6[%dma_wait3A_69, %dma_wait3A_70] : memref<768x128xf32, #tpu.memory_space<vmem>> -> memref<128x128xf32, #tpu.memory_space<vmem>>
    %dma_wait3A_72 = arith.constant 128 : i32
    %dma_wait3A_73 = tpu.memref_slice %arg5[%dma_wait3A_72] : memref<768xi32, #tpu.memory_space<vmem>> -> memref<128xi32, #tpu.memory_space<vmem>>
    %dma_wait3A_74 = arith.constant 0 : i32
    %dma_wait3A_75 = arith.constant 0 : i32
    %dma_wait3A_76 = tpu.memref_slice %arg2[%dma_wait3A_74, %dma_wait3A_75] : memref<6144x128xf32, #tpu.memory_space<hbm>> -> memref<6144x128xf32, #tpu.memory_space<hbm>>
    tpu.wait_indirect_dma semaphore(%arg7 : memref<!tpu.dma_semaphore, #tpu.memory_space<semaphore_mem>>) src(%dma_wait3A_76 : memref<6144x128xf32, #tpu.memory_space<hbm>>) dst(%dma_wait3A_71 : memref<128x128xf32, #tpu.memory_space<vmem>>)
    %add3A_77 = arith.constant 128 : i32
    %add3A_78 = arith.addi %multiple_of3A, %add3A_77 : i32
    %dma_start3A_79 = arith.constant 128 : i32
    %dma_start3A_80 = arith.constant 0 : i32
    %dma_start3A_81 = tpu.memref_slice %arg6[%dma_start3A_79, %dma_start3A_80] : memref<768x128xf32, #tpu.memory_space<vmem>> -> memref<128x128xf32, #tpu.memory_space<vmem>>
    %dma_start3A_82 = arith.constant 0 : i32
    %dma_start3A_83 = tpu.memref_slice %arg4[%add3A_78, %dma_start3A_82] : memref<24576x128xf32, #tpu.memory_space<hbm>> -> memref<128x128xf32, #tpu.memory_space<hbm>>
    %dma_start3A_84 = arith.constant 0 : i32
    %dma_start3A_85 = tpu.memref_slice %arg4[%add3A_78, %dma_start3A_84] : memref<24576x128xf32, #tpu.memory_space<hbm>> -> memref<128x128xf32, #tpu.memory_space<hbm>>
    %dma_start3A_86 = arith.constant 128 : i32
    %dma_start3A_87 = arith.constant 0 : i32
    %dma_start3A_88 = tpu.memref_slice %arg6[%dma_start3A_86, %dma_start3A_87] : memref<768x128xf32, #tpu.memory_space<vmem>> -> memref<128x128xf32, #tpu.memory_space<vmem>>
    tpu.enqueue_dma source(%dma_start3A_88 : memref<128x128xf32, #tpu.memory_space<vmem>>) target(%dma_start3A_85 : memref<128x128xf32, #tpu.memory_space<hbm>>) target_semaphore(%arg8 : memref<!tpu.dma_semaphore, #tpu.memory_space<semaphore_mem>>)
    %dma_wait3A_89 = arith.constant 256 : i32
    %dma_wait3A_90 = arith.constant 0 : i32
    %dma_wait3A_91 = tpu.memref_slice %arg6[%dma_wait3A_89, %dma_wait3A_90] : memref<768x128xf32, #tpu.memory_space<vmem>> -> memref<128x128xf32, #tpu.memory_space<vmem>>
    %dma_wait3A_92 = arith.constant 256 : i32
    %dma_wait3A_93 = tpu.memref_slice %arg5[%dma_wait3A_92] : memref<768xi32, #tpu.memory_space<vmem>> -> memref<128xi32, #tpu.memory_space<vmem>>
    %dma_wait3A_94 = arith.constant 0 : i32
    %dma_wait3A_95 = arith.constant 0 : i32
    %dma_wait3A_96 = tpu.memref_slice %arg2[%dma_wait3A_94, %dma_wait3A_95] : memref<6144x128xf32, #tpu.memory_space<hbm>> -> memref<6144x128xf32, #tpu.memory_space<hbm>>
    tpu.wait_indirect_dma semaphore(%arg7 : memref<!tpu.dma_semaphore, #tpu.memory_space<semaphore_mem>>) src(%dma_wait3A_96 : memref<6144x128xf32, #tpu.memory_space<hbm>>) dst(%dma_wait3A_91 : memref<128x128xf32, #tpu.memory_space<vmem>>)
    %add3A_97 = arith.constant 256 : i32
    %add3A_98 = arith.addi %multiple_of3A, %add3A_97 : i32
    %dma_start3A_99 = arith.constant 256 : i32
    %dma_start3A_100 = arith.constant 0 : i32
    %dma_start3A_101 = tpu.memref_slice %arg6[%dma_start3A_99, %dma_start3A_100] : memref<768x128xf32, #tpu.memory_space<vmem>> -> memref<128x128xf32, #tpu.memory_space<vmem>>
    %dma_start3A_102 = arith.constant 0 : i32
    %dma_start3A_103 = tpu.memref_slice %arg4[%add3A_98, %dma_start3A_102] : memref<24576x128xf32, #tpu.memory_space<hbm>> -> memref<128x128xf32, #tpu.memory_space<hbm>>
    %dma_start3A_104 = arith.constant 0 : i32
    %dma_start3A_105 = tpu.memref_slice %arg4[%add3A_98, %dma_start3A_104] : memref<24576x128xf32, #tpu.memory_space<hbm>> -> memref<128x128xf32, #tpu.memory_space<hbm>>
    %dma_start3A_106 = arith.constant 256 : i32
    %dma_start3A_107 = arith.constant 0 : i32
    %dma_start3A_108 = tpu.memref_slice %arg6[%dma_start3A_106, %dma_start3A_107] : memref<768x128xf32, #tpu.memory_space<vmem>> -> memref<128x128xf32, #tpu.memory_space<vmem>>
    tpu.enqueue_dma source(%dma_start3A_108 : memref<128x128xf32, #tpu.memory_space<vmem>>) target(%dma_start3A_105 : memref<128x128xf32, #tpu.memory_space<hbm>>) target_semaphore(%arg8 : memref<!tpu.dma_semaphore, #tpu.memory_space<semaphore_mem>>)
    %dma_wait3A_109 = arith.constant 384 : i32
    %dma_wait3A_110 = arith.constant 0 : i32
    %dma_wait3A_111 = tpu.memref_slice %arg6[%dma_wait3A_109, %dma_wait3A_110] : memref<768x128xf32, #tpu.memory_space<vmem>> -> memref<128x128xf32, #tpu.memory_space<vmem>>
    %dma_wait3A_112 = arith.constant 384 : i32
    %dma_wait3A_113 = tpu.memref_slice %arg5[%dma_wait3A_112] : memref<768xi32, #tpu.memory_space<vmem>> -> memref<128xi32, #tpu.memory_space<vmem>>
    %dma_wait3A_114 = arith.constant 0 : i32
    %dma_wait3A_115 = arith.constant 0 : i32
    %dma_wait3A_116 = tpu.memref_slice %arg2[%dma_wait3A_114, %dma_wait3A_115] : memref<6144x128xf32, #tpu.memory_space<hbm>> -> memref<6144x128xf32, #tpu.memory_space<hbm>>
    tpu.wait_indirect_dma semaphore(%arg7 : memref<!tpu.dma_semaphore, #tpu.memory_space<semaphore_mem>>) src(%dma_wait3A_116 : memref<6144x128xf32, #tpu.memory_space<hbm>>) dst(%dma_wait3A_111 : memref<128x128xf32, #tpu.memory_space<vmem>>)
    %add3A_117 = arith.constant 384 : i32
    %add3A_118 = arith.addi %multiple_of3A, %add3A_117 : i32
    %dma_start3A_119 = arith.constant 384 : i32
    %dma_start3A_120 = arith.constant 0 : i32
    %dma_start3A_121 = tpu.memref_slice %arg6[%dma_start3A_119, %dma_start3A_120] : memref<768x128xf32, #tpu.memory_space<vmem>> -> memref<128x128xf32, #tpu.memory_space<vmem>>
    %dma_start3A_122 = arith.constant 0 : i32
    %dma_start3A_123 = tpu.memref_slice %arg4[%add3A_118, %dma_start3A_122] : memref<24576x128xf32, #tpu.memory_space<hbm>> -> memref<128x128xf32, #tpu.memory_space<hbm>>
    %dma_start3A_124 = arith.constant 0 : i32
    %dma_start3A_125 = tpu.memref_slice %arg4[%add3A_118, %dma_start3A_124] : memref<24576x128xf32, #tpu.memory_space<hbm>> -> memref<128x128xf32, #tpu.memory_space<hbm>>
    %dma_start3A_126 = arith.constant 384 : i32
    %dma_start3A_127 = arith.constant 0 : i32
    %dma_start3A_128 = tpu.memref_slice %arg6[%dma_start3A_126, %dma_start3A_127] : memref<768x128xf32, #tpu.memory_space<vmem>> -> memref<128x128xf32, #tpu.memory_space<vmem>>
    tpu.enqueue_dma source(%dma_start3A_128 : memref<128x128xf32, #tpu.memory_space<vmem>>) target(%dma_start3A_125 : memref<128x128xf32, #tpu.memory_space<hbm>>) target_semaphore(%arg8 : memref<!tpu.dma_semaphore, #tpu.memory_space<semaphore_mem>>)
    %dma_wait3A_129 = arith.constant 512 : i32
    %dma_wait3A_130 = arith.constant 0 : i32
    %dma_wait3A_131 = tpu.memref_slice %arg6[%dma_wait3A_129, %dma_wait3A_130] : memref<768x128xf32, #tpu.memory_space<vmem>> -> memref<128x128xf32, #tpu.memory_space<vmem>>
    %dma_wait3A_132 = arith.constant 512 : i32
    %dma_wait3A_133 = tpu.memref_slice %arg5[%dma_wait3A_132] : memref<768xi32, #tpu.memory_space<vmem>> -> memref<128xi32, #tpu.memory_space<vmem>>
    %dma_wait3A_134 = arith.constant 0 : i32
    %dma_wait3A_135 = arith.constant 0 : i32
    %dma_wait3A_136 = tpu.memref_slice %arg2[%dma_wait3A_134, %dma_wait3A_135] : memref<6144x128xf32, #tpu.memory_space<hbm>> -> memref<6144x128xf32, #tpu.memory_space<hbm>>
    tpu.wait_indirect_dma semaphore(%arg7 : memref<!tpu.dma_semaphore, #tpu.memory_space<semaphore_mem>>) src(%dma_wait3A_136 : memref<6144x128xf32, #tpu.memory_space<hbm>>) dst(%dma_wait3A_131 : memref<128x128xf32, #tpu.memory_space<vmem>>)
    %add3A_137 = arith.constant 512 : i32
    %add3A_138 = arith.addi %multiple_of3A, %add3A_137 : i32
    %dma_start3A_139 = arith.constant 512 : i32
    %dma_start3A_140 = arith.constant 0 : i32
    %dma_start3A_141 = tpu.memref_slice %arg6[%dma_start3A_139, %dma_start3A_140] : memref<768x128xf32, #tpu.memory_space<vmem>> -> memref<128x128xf32, #tpu.memory_space<vmem>>
    %dma_start3A_142 = arith.constant 0 : i32
    %dma_start3A_143 = tpu.memref_slice %arg4[%add3A_138, %dma_start3A_142] : memref<24576x128xf32, #tpu.memory_space<hbm>> -> memref<128x128xf32, #tpu.memory_space<hbm>>
    %dma_start3A_144 = arith.constant 0 : i32
    %dma_start3A_145 = tpu.memref_slice %arg4[%add3A_138, %dma_start3A_144] : memref<24576x128xf32, #tpu.memory_space<hbm>> -> memref<128x128xf32, #tpu.memory_space<hbm>>
    %dma_start3A_146 = arith.constant 512 : i32
    %dma_start3A_147 = arith.constant 0 : i32
    %dma_start3A_148 = tpu.memref_slice %arg6[%dma_start3A_146, %dma_start3A_147] : memref<768x128xf32, #tpu.memory_space<vmem>> -> memref<128x128xf32, #tpu.memory_space<vmem>>
    tpu.enqueue_dma source(%dma_start3A_148 : memref<128x128xf32, #tpu.memory_space<vmem>>) target(%dma_start3A_145 : memref<128x128xf32, #tpu.memory_space<hbm>>) target_semaphore(%arg8 : memref<!tpu.dma_semaphore, #tpu.memory_space<semaphore_mem>>)
    %dma_wait3A_149 = arith.constant 640 : i32
    %dma_wait3A_150 = arith.constant 0 : i32
    %dma_wait3A_151 = tpu.memref_slice %arg6[%dma_wait3A_149, %dma_wait3A_150] : memref<768x128xf32, #tpu.memory_space<vmem>> -> memref<128x128xf32, #tpu.memory_space<vmem>>
    %dma_wait3A_152 = arith.constant 640 : i32
    %dma_wait3A_153 = tpu.memref_slice %arg5[%dma_wait3A_152] : memref<768xi32, #tpu.memory_space<vmem>> -> memref<128xi32, #tpu.memory_space<vmem>>
    %dma_wait3A_154 = arith.constant 0 : i32
    %dma_wait3A_155 = arith.constant 0 : i32
    %dma_wait3A_156 = tpu.memref_slice %arg2[%dma_wait3A_154, %dma_wait3A_155] : memref<6144x128xf32, #tpu.memory_space<hbm>> -> memref<6144x128xf32, #tpu.memory_space<hbm>>
    tpu.wait_indirect_dma semaphore(%arg7 : memref<!tpu.dma_semaphore, #tpu.memory_space<semaphore_mem>>) src(%dma_wait3A_156 : memref<6144x128xf32, #tpu.memory_space<hbm>>) dst(%dma_wait3A_151 : memref<128x128xf32, #tpu.memory_space<vmem>>)
    %add3A_157 = arith.constant 640 : i32
    %add3A_158 = arith.addi %multiple_of3A, %add3A_157 : i32
    %dma_start3A_159 = arith.constant 640 : i32
    %dma_start3A_160 = arith.constant 0 : i32
    %dma_start3A_161 = tpu.memref_slice %arg6[%dma_start3A_159, %dma_start3A_160] : memref<768x128xf32, #tpu.memory_space<vmem>> -> memref<128x128xf32, #tpu.memory_space<vmem>>
    %dma_start3A_162 = arith.constant 0 : i32
    %dma_start3A_163 = tpu.memref_slice %arg4[%add3A_158, %dma_start3A_162] : memref<24576x128xf32, #tpu.memory_space<hbm>> -> memref<128x128xf32, #tpu.memory_space<hbm>>
    %dma_start3A_164 = arith.constant 0 : i32
    %dma_start3A_165 = tpu.memref_slice %arg4[%add3A_158, %dma_start3A_164] : memref<24576x128xf32, #tpu.memory_space<hbm>> -> memref<128x128xf32, #tpu.memory_space<hbm>>
    %dma_start3A_166 = arith.constant 640 : i32
    %dma_start3A_167 = arith.constant 0 : i32
    %dma_start3A_168 = tpu.memref_slice %arg6[%dma_start3A_166, %dma_start3A_167] : memref<768x128xf32, #tpu.memory_space<vmem>> -> memref<128x128xf32, #tpu.memory_space<vmem>>
    tpu.enqueue_dma source(%dma_start3A_168 : memref<128x128xf32, #tpu.memory_space<vmem>>) target(%dma_start3A_165 : memref<128x128xf32, #tpu.memory_space<hbm>>) target_semaphore(%arg8 : memref<!tpu.dma_semaphore, #tpu.memory_space<semaphore_mem>>)
    %dma_wait3A_169 = arith.constant 0 : i32
    %dma_wait3A_170 = arith.constant 0 : i32
    %dma_wait3A_171 = tpu.memref_slice %arg6[%dma_wait3A_169, %dma_wait3A_170] : memref<768x128xf32, #tpu.memory_space<vmem>> -> memref<128x128xf32, #tpu.memory_space<vmem>>
    %dma_wait3A_172 = arith.constant 0 : i32
    %dma_wait3A_173 = tpu.memref_slice %arg4[%add3A_58, %dma_wait3A_172] : memref<24576x128xf32, #tpu.memory_space<hbm>> -> memref<128x128xf32, #tpu.memory_space<hbm>>
    %dma_wait3A_174 = arith.constant 0 : i32
    %dma_wait3A_175 = tpu.memref_slice %arg4[%add3A_58, %dma_wait3A_174] : memref<24576x128xf32, #tpu.memory_space<hbm>> -> memref<128x128xf32, #tpu.memory_space<hbm>>
    %dma_wait3A_176 = arith.constant 0 : i32
    %dma_wait3A_177 = arith.constant 0 : i32
    %dma_wait3A_178 = tpu.memref_slice %arg6[%dma_wait3A_176, %dma_wait3A_177] : memref<768x128xf32, #tpu.memory_space<vmem>> -> memref<128x128xf32, #tpu.memory_space<vmem>>
    tpu.wait_dma2 semaphore(%arg8 : memref<!tpu.dma_semaphore, #tpu.memory_space<semaphore_mem>>) src(%dma_wait3A_178 : memref<128x128xf32, #tpu.memory_space<vmem>>) dst(%dma_wait3A_175 : memref<128x128xf32, #tpu.memory_space<hbm>>)
    %dma_wait3A_179 = arith.constant 128 : i32
    %dma_wait3A_180 = arith.constant 0 : i32
    %dma_wait3A_181 = tpu.memref_slice %arg6[%dma_wait3A_179, %dma_wait3A_180] : memref<768x128xf32, #tpu.memory_space<vmem>> -> memref<128x128xf32, #tpu.memory_space<vmem>>
    %dma_wait3A_182 = arith.constant 0 : i32
    %dma_wait3A_183 = tpu.memref_slice %arg4[%add3A_78, %dma_wait3A_182] : memref<24576x128xf32, #tpu.memory_space<hbm>> -> memref<128x128xf32, #tpu.memory_space<hbm>>
    %dma_wait3A_184 = arith.constant 0 : i32
    %dma_wait3A_185 = tpu.memref_slice %arg4[%add3A_78, %dma_wait3A_184] : memref<24576x128xf32, #tpu.memory_space<hbm>> -> memref<128x128xf32, #tpu.memory_space<hbm>>
    %dma_wait3A_186 = arith.constant 128 : i32
    %dma_wait3A_187 = arith.constant 0 : i32
    %dma_wait3A_188 = tpu.memref_slice %arg6[%dma_wait3A_186, %dma_wait3A_187] : memref<768x128xf32, #tpu.memory_space<vmem>> -> memref<128x128xf32, #tpu.memory_space<vmem>>
    tpu.wait_dma2 semaphore(%arg8 : memref<!tpu.dma_semaphore, #tpu.memory_space<semaphore_mem>>) src(%dma_wait3A_188 : memref<128x128xf32, #tpu.memory_space<vmem>>) dst(%dma_wait3A_185 : memref<128x128xf32, #tpu.memory_space<hbm>>)
    %dma_wait3A_189 = arith.constant 256 : i32
    %dma_wait3A_190 = arith.constant 0 : i32
    %dma_wait3A_191 = tpu.memref_slice %arg6[%dma_wait3A_189, %dma_wait3A_190] : memref<768x128xf32, #tpu.memory_space<vmem>> -> memref<128x128xf32, #tpu.memory_space<vmem>>
    %dma_wait3A_192 = arith.constant 0 : i32
    %dma_wait3A_193 = tpu.memref_slice %arg4[%add3A_98, %dma_wait3A_192] : memref<24576x128xf32, #tpu.memory_space<hbm>> -> memref<128x128xf32, #tpu.memory_space<hbm>>
    %dma_wait3A_194 = arith.constant 0 : i32
    %dma_wait3A_195 = tpu.memref_slice %arg4[%add3A_98, %dma_wait3A_194] : memref<24576x128xf32, #tpu.memory_space<hbm>> -> memref<128x128xf32, #tpu.memory_space<hbm>>
    %dma_wait3A_196 = arith.constant 256 : i32
    %dma_wait3A_197 = arith.constant 0 : i32
    %dma_wait3A_198 = tpu.memref_slice %arg6[%dma_wait3A_196, %dma_wait3A_197] : memref<768x128xf32, #tpu.memory_space<vmem>> -> memref<128x128xf32, #tpu.memory_space<vmem>>
    tpu.wait_dma2 semaphore(%arg8 : memref<!tpu.dma_semaphore, #tpu.memory_space<semaphore_mem>>) src(%dma_wait3A_198 : memref<128x128xf32, #tpu.memory_space<vmem>>) dst(%dma_wait3A_195 : memref<128x128xf32, #tpu.memory_space<hbm>>)
    %dma_wait3A_199 = arith.constant 384 : i32
    %dma_wait3A_200 = arith.constant 0 : i32
    %dma_wait3A_201 = tpu.memref_slice %arg6[%dma_wait3A_199, %dma_wait3A_200] : memref<768x128xf32, #tpu.memory_space<vmem>> -> memref<128x128xf32, #tpu.memory_space<vmem>>
    %dma_wait3A_202 = arith.constant 0 : i32
    %dma_wait3A_203 = tpu.memref_slice %arg4[%add3A_118, %dma_wait3A_202] : memref<24576x128xf32, #tpu.memory_space<hbm>> -> memref<128x128xf32, #tpu.memory_space<hbm>>
    %dma_wait3A_204 = arith.constant 0 : i32
    %dma_wait3A_205 = tpu.memref_slice %arg4[%add3A_118, %dma_wait3A_204] : memref<24576x128xf32, #tpu.memory_space<hbm>> -> memref<128x128xf32, #tpu.memory_space<hbm>>
    %dma_wait3A_206 = arith.constant 384 : i32
    %dma_wait3A_207 = arith.constant 0 : i32
    %dma_wait3A_208 = tpu.memref_slice %arg6[%dma_wait3A_206, %dma_wait3A_207] : memref<768x128xf32, #tpu.memory_space<vmem>> -> memref<128x128xf32, #tpu.memory_space<vmem>>
    tpu.wait_dma2 semaphore(%arg8 : memref<!tpu.dma_semaphore, #tpu.memory_space<semaphore_mem>>) src(%dma_wait3A_208 : memref<128x128xf32, #tpu.memory_space<vmem>>) dst(%dma_wait3A_205 : memref<128x128xf32, #tpu.memory_space<hbm>>)
    %dma_wait3A_209 = arith.constant 512 : i32
    %dma_wait3A_210 = arith.constant 0 : i32
    %dma_wait3A_211 = tpu.memref_slice %arg6[%dma_wait3A_209, %dma_wait3A_210] : memref<768x128xf32, #tpu.memory_space<vmem>> -> memref<128x128xf32, #tpu.memory_space<vmem>>
    %dma_wait3A_212 = arith.constant 0 : i32
    %dma_wait3A_213 = tpu.memref_slice %arg4[%add3A_138, %dma_wait3A_212] : memref<24576x128xf32, #tpu.memory_space<hbm>> -> memref<128x128xf32, #tpu.memory_space<hbm>>
    %dma_wait3A_214 = arith.constant 0 : i32
    %dma_wait3A_215 = tpu.memref_slice %arg4[%add3A_138, %dma_wait3A_214] : memref<24576x128xf32, #tpu.memory_space<hbm>> -> memref<128x128xf32, #tpu.memory_space<hbm>>
    %dma_wait3A_216 = arith.constant 512 : i32
    %dma_wait3A_217 = arith.constant 0 : i32
    %dma_wait3A_218 = tpu.memref_slice %arg6[%dma_wait3A_216, %dma_wait3A_217] : memref<768x128xf32, #tpu.memory_space<vmem>> -> memref<128x128xf32, #tpu.memory_space<vmem>>
    tpu.wait_dma2 semaphore(%arg8 : memref<!tpu.dma_semaphore, #tpu.memory_space<semaphore_mem>>) src(%dma_wait3A_218 : memref<128x128xf32, #tpu.memory_space<vmem>>) dst(%dma_wait3A_215 : memref<128x128xf32, #tpu.memory_space<hbm>>)
    %dma_wait3A_219 = arith.constant 640 : i32
    %dma_wait3A_220 = arith.constant 0 : i32
    %dma_wait3A_221 = tpu.memref_slice %arg6[%dma_wait3A_219, %dma_wait3A_220] : memref<768x128xf32, #tpu.memory_space<vmem>> -> memref<128x128xf32, #tpu.memory_space<vmem>>
    %dma_wait3A_222 = arith.constant 0 : i32
    %dma_wait3A_223 = tpu.memref_slice %arg4[%add3A_158, %dma_wait3A_222] : memref<24576x128xf32, #tpu.memory_space<hbm>> -> memref<128x128xf32, #tpu.memory_space<hbm>>
    %dma_wait3A_224 = arith.constant 0 : i32
    %dma_wait3A_225 = tpu.memref_slice %arg4[%add3A_158, %dma_wait3A_224] : memref<24576x128xf32, #tpu.memory_space<hbm>> -> memref<128x128xf32, #tpu.memory_space<hbm>>
    %dma_wait3A_226 = arith.constant 640 : i32
    %dma_wait3A_227 = arith.constant 0 : i32
    %dma_wait3A_228 = tpu.memref_slice %arg6[%dma_wait3A_226, %dma_wait3A_227] : memref<768x128xf32, #tpu.memory_space<vmem>> -> memref<128x128xf32, #tpu.memory_space<vmem>>
    tpu.wait_dma2 semaphore(%arg8 : memref<!tpu.dma_semaphore, #tpu.memory_space<semaphore_mem>>) src(%dma_wait3A_228 : memref<128x128xf32, #tpu.memory_space<vmem>>) dst(%dma_wait3A_225 : memref<128x128xf32, #tpu.memory_space<hbm>>)
    return
  }
}

module attributes {stable_mosaic.version = 14 : i64} {
  func.func @_proj_body(%arg0: memref<2x2048x128xf32, #tpu.memory_space<vmem>>, %arg1: memref<2048x128xf32, #tpu.memory_space<vmem>>, %arg2: memref<128x64xf32, #tpu.memory_space<vmem>>, %arg3: memref<1x64xf32, #tpu.memory_space<vmem>>, %arg4: memref<6144x128xf32, #tpu.memory_space<vmem>>) attributes {dimension_semantics = [], scalar_prefetch = 0 : i64, scratch_operands = 0 : i64, tpu.core_type = #tpu.core_type<tc>} {
    %get3A = arith.constant 0 : index
    %get3A_0 = arith.constant 0 : index
    %get3A_1 = vector.load %arg2[%get3A, %get3A_0] : memref<128x64xf32, #tpu.memory_space<vmem>>, vector<128x64xf32>
    %get3A_2 = arith.constant 0 : index
    %get3A_3 = arith.constant 0 : index
    %get3A_4 = vector.load %arg3[%get3A_2, %get3A_3] : memref<1x64xf32, #tpu.memory_space<vmem>>, vector<1x64xf32>
    %broadcast_in_dim3A = arith.constant 0.000000e+00 : f32
    %broadcast_in_dim3A_5 = vector.broadcast %broadcast_in_dim3A : f32 to vector<2048x64xf32>
    %get3A_6 = arith.constant 0 : index
    %get3A_7 = arith.constant 0 : index
    %get3A_8 = arith.constant 0 : index
    %get3A_9 = vector.load %arg0[%get3A_6, %get3A_7, %get3A_8] : memref<2x2048x128xf32, #tpu.memory_space<vmem>>, vector<1x2048x128xf32>
    %get3A_10 = vector.shape_cast %get3A_9 : vector<1x2048x128xf32> to vector<2048x128xf32>
    %dot_general3A = arith.constant dense<0.000000e+00> : vector<2048x64xf32>
    %dot_general3A_11 = tpu.matmul %get3A_10, %get3A_1, %dot_general3A {dimension_numbers = #tpu.dot_dimension_numbers<[1], [0], [0], [1], [0, 0, 1, 1], [], []>, transpose_lhs_hint = false} : vector<2048x128xf32>, vector<128x64xf32>, vector<2048x64xf32> -> vector<2048x64xf32>
    %add3A = vector.broadcast %get3A_4 : vector<1x64xf32> to vector<2048x64xf32>
    %add3A_12 = arith.addf %dot_general3A_11, %add3A : vector<2048x64xf32>
    %max3A = arith.constant 0.000000e+00 : f32
    %max3A_13 = vector.broadcast %max3A : f32 to vector<2048x64xf32>
    %max3A_14 = arith.maximumf %add3A_12, %max3A_13 : vector<2048x64xf32>
    %concatenate3A = tpu.concatenate %max3A_14, %broadcast_in_dim3A_5 in 1 : vector<2048x64xf32>, vector<2048x64xf32> -> vector<2048x128xf32>
    %swap3A = arith.constant 0 : index
    %swap3A_15 = arith.constant 0 : index
    %swap3A_16 = vector.load %arg4[%swap3A, %swap3A_15] : memref<6144x128xf32, #tpu.memory_space<vmem>>, vector<2048x128xf32>
    tpu.vector_store %arg4[%swap3A, %swap3A_15], %concatenate3A {strides = array<i32>} : memref<6144x128xf32, #tpu.memory_space<vmem>>, vector<2048x128xf32>,
    %get3A_17 = arith.constant 1 : index
    %get3A_18 = arith.constant 0 : index
    %get3A_19 = arith.constant 0 : index
    %get3A_20 = vector.load %arg0[%get3A_17, %get3A_18, %get3A_19] : memref<2x2048x128xf32, #tpu.memory_space<vmem>>, vector<1x2048x128xf32>
    %get3A_21 = vector.shape_cast %get3A_20 : vector<1x2048x128xf32> to vector<2048x128xf32>
    %dot_general3A_22 = arith.constant dense<0.000000e+00> : vector<2048x64xf32>
    %dot_general3A_23 = tpu.matmul %get3A_21, %get3A_1, %dot_general3A_22 {dimension_numbers = #tpu.dot_dimension_numbers<[1], [0], [0], [1], [0, 0, 1, 1], [], []>, transpose_lhs_hint = false} : vector<2048x128xf32>, vector<128x64xf32>, vector<2048x64xf32> -> vector<2048x64xf32>
    %add3A_24 = vector.broadcast %get3A_4 : vector<1x64xf32> to vector<2048x64xf32>
    %add3A_25 = arith.addf %dot_general3A_23, %add3A_24 : vector<2048x64xf32>
    %max3A_26 = arith.constant 0.000000e+00 : f32
    %max3A_27 = vector.broadcast %max3A_26 : f32 to vector<2048x64xf32>
    %max3A_28 = arith.maximumf %add3A_25, %max3A_27 : vector<2048x64xf32>
    %concatenate3A_29 = tpu.concatenate %max3A_28, %broadcast_in_dim3A_5 in 1 : vector<2048x64xf32>, vector<2048x64xf32> -> vector<2048x128xf32>
    %swap3A_30 = arith.constant 2048 : index
    %swap3A_31 = arith.constant 0 : index
    %swap3A_32 = vector.load %arg4[%swap3A_30, %swap3A_31] : memref<6144x128xf32, #tpu.memory_space<vmem>>, vector<2048x128xf32>
    tpu.vector_store %arg4[%swap3A_30, %swap3A_31], %concatenate3A_29 {strides = array<i32>} : memref<6144x128xf32, #tpu.memory_space<vmem>>, vector<2048x128xf32>,
    %get3A_33 = arith.constant 0 : index
    %get3A_34 = arith.constant 0 : index
    %get3A_35 = vector.load %arg1[%get3A_33, %get3A_34] : memref<2048x128xf32, #tpu.memory_space<vmem>>, vector<2048x128xf32>
    %dot_general3A_36 = arith.constant dense<0.000000e+00> : vector<2048x64xf32>
    %dot_general3A_37 = tpu.matmul %get3A_35, %get3A_1, %dot_general3A_36 {dimension_numbers = #tpu.dot_dimension_numbers<[1], [0], [0], [1], [0, 0, 1, 1], [], []>, transpose_lhs_hint = false} : vector<2048x128xf32>, vector<128x64xf32>, vector<2048x64xf32> -> vector<2048x64xf32>
    %add3A_38 = vector.broadcast %get3A_4 : vector<1x64xf32> to vector<2048x64xf32>
    %add3A_39 = arith.addf %dot_general3A_37, %add3A_38 : vector<2048x64xf32>
    %max3A_40 = arith.constant 0.000000e+00 : f32
    %max3A_41 = vector.broadcast %max3A_40 : f32 to vector<2048x64xf32>
    %max3A_42 = arith.maximumf %add3A_39, %max3A_41 : vector<2048x64xf32>
    %concatenate3A_43 = tpu.concatenate %max3A_42, %broadcast_in_dim3A_5 in 1 : vector<2048x64xf32>, vector<2048x64xf32> -> vector<2048x128xf32>
    %swap3A_44 = arith.constant 4096 : index
    %swap3A_45 = arith.constant 0 : index
    %swap3A_46 = vector.load %arg4[%swap3A_44, %swap3A_45] : memref<6144x128xf32, #tpu.memory_space<vmem>>, vector<2048x128xf32>
    tpu.vector_store %arg4[%swap3A_44, %swap3A_45], %concatenate3A_43 {strides = array<i32>} : memref<6144x128xf32, #tpu.memory_space<vmem>>, vector<2048x128xf32>,
    return
  }
}

module attributes {stable_mosaic.version = 14 : i64} {
  func.func @_msg_body(%arg0: i32, %arg1: memref<2048x128xf32, #tpu.memory_space<vmem>>, %arg2: memref<2048x16xf32, #tpu.memory_space<vmem>>, %arg3: memref<16x1024xf32, #tpu.memory_space<vmem>>, %arg4: memref<1088x64xf32, #tpu.memory_space<vmem>>, %arg5: memref<2048x128xf32, #tpu.memory_space<vmem>>) attributes {dimension_semantics = [#tpu.dimension_semantics<arbitrary>], iteration_bounds = array<i64: 12>, scalar_prefetch = 0 : i64, scratch_operands = 0 : i64, tpu.core_type = #tpu.core_type<tc>, window_params = [{transform_indices = @transform_0, window_bounds = array<i64: 2048, 128>}, {transform_indices = @transform_1, window_bounds = array<i64: 2048, 16>}, {pipeline_mode = #tpu.pipeline_mode<synchronous>, transform_indices = @transform_2, window_bounds = array<i64: 16, 1024>}, {pipeline_mode = #tpu.pipeline_mode<synchronous>, transform_indices = @transform_3, window_bounds = array<i64: 1088, 64>}, {transform_indices = @transform_4, window_bounds = array<i64: 2048, 128>}]} {
    %get3A = arith.constant 0 : index
    %get3A_0 = arith.constant 0 : index
    %get3A_1 = vector.load %arg1[%get3A, %get3A_0] : memref<2048x128xf32, #tpu.memory_space<vmem>>, vector<2048x64xf32>
    %get3A_2 = arith.constant 0 : index
    %get3A_3 = arith.constant 0 : index
    %get3A_4 = vector.load %arg2[%get3A_2, %get3A_3] : memref<2048x16xf32, #tpu.memory_space<vmem>>, vector<2048x16xf32>
    %get3A_5 = arith.constant 0 : index
    %get3A_6 = arith.constant 0 : index
    %get3A_7 = vector.load %arg3[%get3A_5, %get3A_6] : memref<16x1024xf32, #tpu.memory_space<vmem>>, vector<16x1024xf32>
    %dot_general3A = arith.constant dense<0.000000e+00> : vector<2048x1024xf32>
    %dot_general3A_8 = tpu.matmul %get3A_4, %get3A_7, %dot_general3A {dimension_numbers = #tpu.dot_dimension_numbers<[1], [0], [0], [1], [0, 0, 1, 1], [], []>, transpose_lhs_hint = false} : vector<2048x16xf32>, vector<16x1024xf32>, vector<2048x1024xf32> -> vector<2048x1024xf32>
    %concatenate3A = tpu.concatenate %get3A_1, %get3A_1, %get3A_1, %get3A_1, %get3A_1, %get3A_1, %get3A_1, %get3A_1, %get3A_1, %get3A_1, %get3A_1, %get3A_1, %get3A_1, %get3A_1, %get3A_1, %get3A_1 in 1 : vector<2048x64xf32>, vector<2048x64xf32>, vector<2048x64xf32>, vector<2048x64xf32>, vector<2048x64xf32>, vector<2048x64xf32>, vector<2048x64xf32>, vector<2048x64xf32>, vector<2048x64xf32>, vector<2048x64xf32>, vector<2048x64xf32>, vector<2048x64xf32>, vector<2048x64xf32>, vector<2048x64xf32>, vector<2048x64xf32>, vector<2048x64xf32> -> vector<2048x1024xf32>
    %mul3A = arith.mulf %dot_general3A_8, %concatenate3A : vector<2048x1024xf32>
    %concatenate3A_9 = tpu.concatenate %mul3A, %get3A_1 in 1 : vector<2048x1024xf32>, vector<2048x64xf32> -> vector<2048x1088xf32>
    %get3A_10 = arith.constant 0 : index
    %get3A_11 = arith.constant 0 : index
    %get3A_12 = vector.load %arg4[%get3A_10, %get3A_11] : memref<1088x64xf32, #tpu.memory_space<vmem>>, vector<1088x64xf32>
    %dot_general3A_13 = arith.constant dense<0.000000e+00> : vector<2048x64xf32>
    %dot_general3A_14 = tpu.matmul %concatenate3A_9, %get3A_12, %dot_general3A_13 {dimension_numbers = #tpu.dot_dimension_numbers<[1], [0], [0], [1], [0, 0, 1, 1], [], []>, transpose_lhs_hint = false} : vector<2048x1088xf32>, vector<1088x64xf32>, vector<2048x64xf32> -> vector<2048x64xf32>
    %broadcast_in_dim3A = arith.constant 0.000000e+00 : f32
    %broadcast_in_dim3A_15 = vector.broadcast %broadcast_in_dim3A : f32 to vector<2048x64xf32>
    %concatenate3A_16 = tpu.concatenate %dot_general3A_14, %broadcast_in_dim3A_15 in 1 : vector<2048x64xf32>, vector<2048x64xf32> -> vector<2048x128xf32>
    %swap3A = arith.constant 0 : index
    %swap3A_17 = arith.constant 0 : index
    %swap3A_18 = vector.load %arg5[%swap3A, %swap3A_17] : memref<2048x128xf32, #tpu.memory_space<vmem>>, vector<2048x128xf32>
    tpu.vector_store %arg5[%swap3A, %swap3A_17], %concatenate3A_16 {strides = array<i32>} : memref<2048x128xf32, #tpu.memory_space<vmem>>, vector<2048x128xf32>,
    return
  }
  func.func @transform_0(%arg0: i32) -> (i32, i32) {
    %c0_i32 = arith.constant 0 : i32
    %c0_i32_0 = arith.constant 0 : i32
    return %arg0, %c0_i32 : i32, i32
  }
  func.func @transform_1(%arg0: i32) -> (i32, i32) {
    %c0_i32 = arith.constant 0 : i32
    %c0_i32_0 = arith.constant 0 : i32
    return %arg0, %c0_i32 : i32, i32
  }
  func.func @transform_2(%arg0: i32) -> (i32, i32) {
    %c0_i32 = arith.constant 0 : i32
    %c0_i32_0 = arith.constant 0 : i32
    %c0_i32_1 = arith.constant 0 : i32
    return %c0_i32, %c0_i32_0 : i32, i32
  }
  func.func @transform_3(%arg0: i32) -> (i32, i32) {
    %c0_i32 = arith.constant 0 : i32
    %c0_i32_0 = arith.constant 0 : i32
    %c0_i32_1 = arith.constant 0 : i32
    return %c0_i32, %c0_i32_0 : i32, i32
  }
  func.func @transform_4(%arg0: i32) -> (i32, i32) {
    %c0_i32 = arith.constant 0 : i32
    %c0_i32_0 = arith.constant 0 : i32
    return %arg0, %c0_i32 : i32, i32
  }
}

module attributes {stable_mosaic.version = 14 : i64} {
  func.func @_gru_body(%arg0: memref<6144x128xf32, #tpu.memory_space<vmem>>, %arg1: memref<6144x128xf32, #tpu.memory_space<vmem>>, %arg2: memref<192x64xf32, #tpu.memory_space<vmem>>, %arg3: memref<192x64xf32, #tpu.memory_space<vmem>>, %arg4: memref<1x192xf32, #tpu.memory_space<vmem>>, %arg5: memref<1x192xf32, #tpu.memory_space<vmem>>, %arg6: memref<1x64xf32, #tpu.memory_space<vmem>>, %arg7: memref<6144x128xf32, #tpu.memory_space<vmem>>) attributes {dimension_semantics = [], scalar_prefetch = 0 : i64, scratch_operands = 0 : i64, tpu.core_type = #tpu.core_type<tc>} {
    %get3A = arith.constant 0 : index
    %get3A_0 = arith.constant 0 : index
    %get3A_1 = vector.load %arg0[%get3A, %get3A_0] : memref<6144x128xf32, #tpu.memory_space<vmem>>, vector<6144x64xf32>
    %get3A_2 = arith.constant 0 : index
    %get3A_3 = arith.constant 0 : index
    %get3A_4 = vector.load %arg6[%get3A_2, %get3A_3] : memref<1x64xf32, #tpu.memory_space<vmem>>, vector<1x64xf32>
    %add3A = vector.broadcast %get3A_4 : vector<1x64xf32> to vector<6144x64xf32>
    %add3A_5 = arith.addf %get3A_1, %add3A : vector<6144x64xf32>
    %max3A = arith.constant 0.000000e+00 : f32
    %max3A_6 = vector.broadcast %max3A : f32 to vector<6144x64xf32>
    %max3A_7 = arith.maximumf %add3A_5, %max3A_6 : vector<6144x64xf32>
    %get3A_8 = arith.constant 0 : index
    %get3A_9 = arith.constant 0 : index
    %get3A_10 = vector.load %arg1[%get3A_8, %get3A_9] : memref<6144x128xf32, #tpu.memory_space<vmem>>, vector<6144x64xf32>
    %get3A_11 = arith.constant 0 : index
    %get3A_12 = arith.constant 0 : index
    %get3A_13 = vector.load %arg2[%get3A_11, %get3A_12] : memref<192x64xf32, #tpu.memory_space<vmem>>, vector<192x64xf32>
    %dot_general3A = arith.constant dense<0.000000e+00> : vector<6144x192xf32>
    %dot_general3A_14 = tpu.matmul %max3A_7, %get3A_13, %dot_general3A {dimension_numbers = #tpu.dot_dimension_numbers<[1], [1], [0], [0], [0, 0, 1, 0], [], []>, transpose_lhs_hint = false} : vector<6144x64xf32>, vector<192x64xf32>, vector<6144x192xf32> -> vector<6144x192xf32>
    %get3A_15 = arith.constant 0 : index
    %get3A_16 = arith.constant 0 : index
    %get3A_17 = vector.load %arg4[%get3A_15, %get3A_16] : memref<1x192xf32, #tpu.memory_space<vmem>>, vector<1x192xf32>
    %add3A_18 = vector.broadcast %get3A_17 : vector<1x192xf32> to vector<6144x192xf32>
    %add3A_19 = arith.addf %dot_general3A_14, %add3A_18 : vector<6144x192xf32>
    %get3A_20 = arith.constant 0 : index
    %get3A_21 = arith.constant 0 : index
    %get3A_22 = vector.load %arg3[%get3A_20, %get3A_21] : memref<192x64xf32, #tpu.memory_space<vmem>>, vector<192x64xf32>
    %dot_general3A_23 = arith.constant dense<0.000000e+00> : vector<6144x192xf32>
    %dot_general3A_24 = tpu.matmul %get3A_10, %get3A_22, %dot_general3A_23 {dimension_numbers = #tpu.dot_dimension_numbers<[1], [1], [0], [0], [0, 0, 1, 0], [], []>, transpose_lhs_hint = false} : vector<6144x64xf32>, vector<192x64xf32>, vector<6144x192xf32> -> vector<6144x192xf32>
    %get3A_25 = arith.constant 0 : index
    %get3A_26 = arith.constant 0 : index
    %get3A_27 = vector.load %arg5[%get3A_25, %get3A_26] : memref<1x192xf32, #tpu.memory_space<vmem>>, vector<1x192xf32>
    %add3A_28 = vector.broadcast %get3A_27 : vector<1x192xf32> to vector<6144x192xf32>
    %add3A_29 = arith.addf %dot_general3A_24, %add3A_28 : vector<6144x192xf32>
    %slice3A = vector.extract_strided_slice %add3A_19 {offsets = [0, 0], sizes = [6144, 64], strides = [1, 1]} : vector<6144x192xf32> to vector<6144x64xf32>
    %slice3A_30 = vector.extract_strided_slice %add3A_29 {offsets = [0, 0], sizes = [6144, 64], strides = [1, 1]} : vector<6144x192xf32> to vector<6144x64xf32>
    %add3A_31 = arith.addf %slice3A, %slice3A_30 : vector<6144x64xf32>
    %logistic3A = arith.negf %add3A_31 : vector<6144x64xf32>
    %logistic3A_32 = math.exp %logistic3A : vector<6144x64xf32>
    %logistic3A_33 = arith.constant 1.000000e+00 : f32
    %logistic3A_34 = vector.broadcast %logistic3A_33 : f32 to vector<6144x64xf32>
    %logistic3A_35 = arith.addf %logistic3A_34, %logistic3A_32 : vector<6144x64xf32>
    %logistic3A_36 = arith.divf %logistic3A_34, %logistic3A_35 : vector<6144x64xf32>
    %slice3A_37 = vector.extract_strided_slice %add3A_19 {offsets = [0, 64], sizes = [6144, 64], strides = [1, 1]} : vector<6144x192xf32> to vector<6144x64xf32>
    %slice3A_38 = vector.extract_strided_slice %add3A_29 {offsets = [0, 64], sizes = [6144, 64], strides = [1, 1]} : vector<6144x192xf32> to vector<6144x64xf32>
    %add3A_39 = arith.addf %slice3A_37, %slice3A_38 : vector<6144x64xf32>
    %logistic3A_40 = arith.negf %add3A_39 : vector<6144x64xf32>
    %logistic3A_41 = math.exp %logistic3A_40 : vector<6144x64xf32>
    %logistic3A_42 = arith.constant 1.000000e+00 : f32
    %logistic3A_43 = vector.broadcast %logistic3A_42 : f32 to vector<6144x64xf32>
    %logistic3A_44 = arith.addf %logistic3A_43, %logistic3A_41 : vector<6144x64xf32>
    %logistic3A_45 = arith.divf %logistic3A_43, %logistic3A_44 : vector<6144x64xf32>
    %slice3A_46 = vector.extract_strided_slice %add3A_19 {offsets = [0, 128], sizes = [6144, 64], strides = [1, 1]} : vector<6144x192xf32> to vector<6144x64xf32>
    %slice3A_47 = vector.extract_strided_slice %add3A_29 {offsets = [0, 128], sizes = [6144, 64], strides = [1, 1]} : vector<6144x192xf32> to vector<6144x64xf32>
    %mul3A = arith.mulf %logistic3A_36, %slice3A_47 : vector<6144x64xf32>
    %add3A_48 = arith.addf %slice3A_46, %mul3A : vector<6144x64xf32>
    %tanh3A = math.tanh %add3A_48 : vector<6144x64xf32>
    %sub3A = arith.constant 1.000000e+00 : f32
    %sub3A_49 = vector.broadcast %sub3A : f32 to vector<6144x64xf32>
    %sub3A_50 = arith.subf %sub3A_49, %logistic3A_45 : vector<6144x64xf32>
    %mul3A_51 = arith.mulf %sub3A_50, %tanh3A : vector<6144x64xf32>
    %mul3A_52 = arith.mulf %logistic3A_45, %get3A_10 : vector<6144x64xf32>
    %add3A_53 = arith.addf %mul3A_51, %mul3A_52 : vector<6144x64xf32>
    %broadcast_in_dim3A = arith.constant 0.000000e+00 : f32
    %broadcast_in_dim3A_54 = vector.broadcast %broadcast_in_dim3A : f32 to vector<6144x64xf32>
    %concatenate3A = tpu.concatenate %add3A_53, %broadcast_in_dim3A_54 in 1 : vector<6144x64xf32>, vector<6144x64xf32> -> vector<6144x128xf32>
    %swap3A = arith.constant 0 : index
    %swap3A_55 = arith.constant 0 : index
    %swap3A_56 = vector.load %arg7[%swap3A, %swap3A_55] : memref<6144x128xf32, #tpu.memory_space<vmem>>, vector<6144x128xf32>
    tpu.vector_store %arg7[%swap3A, %swap3A_55], %concatenate3A {strides = array<i32>} : memref<6144x128xf32, #tpu.memory_space<vmem>>, vector<6144x128xf32>,
    return
  }
}

module attributes {stable_mosaic.version = 14 : i64} {
  func.func @_s2s_body(%arg0: memref<6144x128xf32, #tpu.memory_space<vmem>>, %arg1: memref<6144x128xf32, #tpu.memory_space<vmem>>, %arg2: memref<2048x1xi32, #tpu.memory_space<vmem>>, %arg3: memref<1x2048xi32, #tpu.memory_space<vmem>>, %arg4: memref<2x8xf32, #tpu.memory_space<vmem>>, %arg5: memref<512x256xf32, #tpu.memory_space<vmem>>, %arg6: memref<512x128xf32, #tpu.memory_space<vmem>>, %arg7: memref<1x512xf32, #tpu.memory_space<vmem>>, %arg8: memref<1x512xf32, #tpu.memory_space<vmem>>, %arg9: memref<256x1024xf32, #tpu.memory_space<vmem>>, %arg10: memref<1x1024xf32, #tpu.memory_space<vmem>>, %arg11: memref<1x1xf32, #tpu.memory_space<vmem>>, %arg12: memref<2048x1024xf32, #tpu.memory_space<vmem>>, %arg13: memref<1x1024xf32, #tpu.memory_space<vmem>>, %arg14: memref<1x1xf32, #tpu.memory_space<vmem>>, %arg15: memref<1032x512xf32, #tpu.memory_space<vmem>>, %arg16: memref<1x512xf32, #tpu.memory_space<vmem>>, %arg17: memref<1x1xf32, #tpu.memory_space<vmem>>, %arg18: memref<512x512xf32, #tpu.memory_space<vmem>>, %arg19: memref<1x512xf32, #tpu.memory_space<vmem>>, %arg20: memref<1x1xf32, #tpu.memory_space<vmem>>, %arg21: memref<512x128xf32, #tpu.memory_space<vmem>>, %arg22: memref<1x128xf32, #tpu.memory_space<vmem>>, %arg23: memref<2x64x128xf32, #tpu.memory_space<vmem>>) attributes {dimension_semantics = [], scalar_prefetch = 0 : i64, scratch_operands = 0 : i64, tpu.core_type = #tpu.core_type<tc>} {
    %get3A = arith.constant 0 : index
    %get3A_0 = arith.constant 0 : index
    %get3A_1 = vector.load %arg2[%get3A, %get3A_0] : memref<2048x1xi32, #tpu.memory_space<vmem>>, vector<2048x1xi32>
    %iota3A = tpu.iota {dimensions = array<i32: 1>} : vector<2048x64xi32>
    %eq3A = vector.broadcast %get3A_1 : vector<2048x1xi32> to vector<2048x64xi32>
    %eq3A_2 = arith.cmpi eq, %eq3A, %iota3A : vector<2048x64xi32>
    %convert_element_type3A = arith.extui %eq3A_2 : vector<2048x64xi1> to vector<2048x64xi32>
    %convert_element_type3A_3 = arith.sitofp %convert_element_type3A : vector<2048x64xi32> to vector<2048x64xf32>
    %get3A_4 = arith.constant 0 : index
    %get3A_5 = arith.constant 0 : index
    %get3A_6 = vector.load %arg3[%get3A_4, %get3A_5] : memref<1x2048xi32, #tpu.memory_space<vmem>>, vector<1x2048xi32>
    %iota3A_7 = tpu.iota {dimensions = array<i32: 0>} : vector<64x2048xi32>
    %eq3A_8 = vector.broadcast %get3A_6 : vector<1x2048xi32> to vector<64x2048xi32>
    %eq3A_9 = arith.cmpi eq, %eq3A_8, %iota3A_7 : vector<64x2048xi32>
    %convert_element_type3A_10 = arith.extui %eq3A_9 : vector<64x2048xi1> to vector<64x2048xi32>
    %convert_element_type3A_11 = arith.sitofp %convert_element_type3A_10 : vector<64x2048xi32> to vector<64x2048xf32>
    %get3A_12 = arith.constant 0 : index
    %get3A_13 = arith.constant 0 : index
    %get3A_14 = vector.load %arg0[%get3A_12, %get3A_13] : memref<6144x128xf32, #tpu.memory_space<vmem>>, vector<2048x64xf32>
    %get3A_15 = arith.constant 0 : index
    %get3A_16 = arith.constant 0 : index
    %get3A_17 = vector.load %arg1[%get3A_15, %get3A_16] : memref<6144x128xf32, #tpu.memory_space<vmem>>, vector<2048x64xf32>
    %concatenate3A = tpu.concatenate %get3A_14, %get3A_17 in 1 : vector<2048x64xf32>, vector<2048x64xf32> -> vector<2048x128xf32>
    %broadcast_in_dim3A = arith.constant 0.000000e+00 : f32
    %broadcast_in_dim3A_18 = vector.broadcast %broadcast_in_dim3A : f32 to vector<64x256xf32>
    %broadcast_in_dim3A_19 = arith.constant 0.000000e+00 : f32
    %broadcast_in_dim3A_20 = vector.broadcast %broadcast_in_dim3A_19 : f32 to vector<64x128xf32>
    %broadcast_in_dim3A_21 = arith.constant 0.000000e+00 : f32
    %broadcast_in_dim3A_22 = vector.broadcast %broadcast_in_dim3A_21 : f32 to vector<64x128xf32>
    %get3A_23 = arith.constant 0 : index
    %get3A_24 = arith.constant 0 : index
    %get3A_25 = vector.load %arg5[%get3A_23, %get3A_24] : memref<512x256xf32, #tpu.memory_space<vmem>>, vector<512x256xf32>
    %dot_general3A = arith.constant dense<0.000000e+00> : vector<64x512xf32>
    %dot_general3A_26 = tpu.matmul %broadcast_in_dim3A_18, %get3A_25, %dot_general3A {dimension_numbers = #tpu.dot_dimension_numbers<[1], [1], [0], [0], [0, 0, 1, 0], [], []>, transpose_lhs_hint = false} : vector<64x256xf32>, vector<512x256xf32>, vector<64x512xf32> -> vector<64x512xf32>
    %get3A_27 = arith.constant 0 : index
    %get3A_28 = arith.constant 0 : index
    %get3A_29 = vector.load %arg7[%get3A_27, %get3A_28] : memref<1x512xf32, #tpu.memory_space<vmem>>, vector<1x512xf32>
    %add3A = vector.broadcast %get3A_29 : vector<1x512xf32> to vector<64x512xf32>
    %add3A_30 = arith.addf %dot_general3A_26, %add3A : vector<64x512xf32>
    %get3A_31 = arith.constant 0 : index
    %get3A_32 = arith.constant 0 : index
    %get3A_33 = vector.load %arg6[%get3A_31, %get3A_32] : memref<512x128xf32, #tpu.memory_space<vmem>>, vector<512x128xf32>
    %dot_general3A_34 = arith.constant dense<0.000000e+00> : vector<64x512xf32>
    %dot_general3A_35 = tpu.matmul %broadcast_in_dim3A_20, %get3A_33, %dot_general3A_34 {dimension_numbers = #tpu.dot_dimension_numbers<[1], [1], [0], [0], [0, 0, 1, 0], [], []>, transpose_lhs_hint = false} : vector<64x128xf32>, vector<512x128xf32>, vector<64x512xf32> -> vector<64x512xf32>
    %add3A_36 = arith.addf %add3A_30, %dot_general3A_35 : vector<64x512xf32>
    %get3A_37 = arith.constant 0 : index
    %get3A_38 = arith.constant 0 : index
    %get3A_39 = vector.load %arg8[%get3A_37, %get3A_38] : memref<1x512xf32, #tpu.memory_space<vmem>>, vector<1x512xf32>
    %add3A_40 = vector.broadcast %get3A_39 : vector<1x512xf32> to vector<64x512xf32>
    %add3A_41 = arith.addf %add3A_36, %add3A_40 : vector<64x512xf32>
    %slice3A = vector.extract_strided_slice %add3A_41 {offsets = [0, 0], sizes = [64, 128], strides = [1, 1]} : vector<64x512xf32> to vector<64x128xf32>
    %slice3A_42 = vector.extract_strided_slice %add3A_41 {offsets = [0, 128], sizes = [64, 128], strides = [1, 1]} : vector<64x512xf32> to vector<64x128xf32>
    %slice3A_43 = vector.extract_strided_slice %add3A_41 {offsets = [0, 256], sizes = [64, 128], strides = [1, 1]} : vector<64x512xf32> to vector<64x128xf32>
    %slice3A_44 = vector.extract_strided_slice %add3A_41 {offsets = [0, 384], sizes = [64, 128], strides = [1, 1]} : vector<64x512xf32> to vector<64x128xf32>
    %logistic3A = arith.negf %slice3A_42 : vector<64x128xf32>
    %logistic3A_45 = math.exp %logistic3A : vector<64x128xf32>
    %logistic3A_46 = arith.constant 1.000000e+00 : f32
    %logistic3A_47 = vector.broadcast %logistic3A_46 : f32 to vector<64x128xf32>
    %logistic3A_48 = arith.addf %logistic3A_47, %logistic3A_45 : vector<64x128xf32>
    %logistic3A_49 = arith.divf %logistic3A_47, %logistic3A_48 : vector<64x128xf32>
    %mul3A = arith.mulf %logistic3A_49, %broadcast_in_dim3A_22 : vector<64x128xf32>
    %logistic3A_50 = arith.negf %slice3A : vector<64x128xf32>
    %logistic3A_51 = math.exp %logistic3A_50 : vector<64x128xf32>
    %logistic3A_52 = arith.constant 1.000000e+00 : f32
    %logistic3A_53 = vector.broadcast %logistic3A_52 : f32 to vector<64x128xf32>
    %logistic3A_54 = arith.addf %logistic3A_53, %logistic3A_51 : vector<64x128xf32>
    %logistic3A_55 = arith.divf %logistic3A_53, %logistic3A_54 : vector<64x128xf32>
    %tanh3A = math.tanh %slice3A_43 : vector<64x128xf32>
    %mul3A_56 = arith.mulf %logistic3A_55, %tanh3A : vector<64x128xf32>
    %add3A_57 = arith.addf %mul3A, %mul3A_56 : vector<64x128xf32>
    %logistic3A_58 = arith.negf %slice3A_44 : vector<64x128xf32>
    %logistic3A_59 = math.exp %logistic3A_58 : vector<64x128xf32>
    %logistic3A_60 = arith.constant 1.000000e+00 : f32
    %logistic3A_61 = vector.broadcast %logistic3A_60 : f32 to vector<64x128xf32>
    %logistic3A_62 = arith.addf %logistic3A_61, %logistic3A_59 : vector<64x128xf32>
    %logistic3A_63 = arith.divf %logistic3A_61, %logistic3A_62 : vector<64x128xf32>
    %tanh3A_64 = math.tanh %add3A_57 : vector<64x128xf32>
    %mul3A_65 = arith.mulf %logistic3A_63, %tanh3A_64 : vector<64x128xf32>
    %dot_general3A_66 = arith.constant dense<0.000000e+00> : vector<2048x128xf32>
    %dot_general3A_67 = tpu.matmul %convert_element_type3A_3, %mul3A_65, %dot_general3A_66 {dimension_numbers = #tpu.dot_dimension_numbers<[1], [0], [0], [1], [0, 0, 1, 1], [], []>, transpose_lhs_hint = false} : vector<2048x64xf32>, vector<64x128xf32>, vector<2048x128xf32> -> vector<2048x128xf32>
    %mul3A_68 = arith.mulf %concatenate3A, %dot_general3A_67 : vector<2048x128xf32>
    %reduce_sum3A = arith.constant dense<0.000000e+00> : vector<2048xf32>
    %reduce_sum3A_69 = vector.multi_reduction <add>, %mul3A_68, %reduce_sum3A [1] : vector<2048x128xf32> to vector<2048xf32>
    %broadcast_in_dim3A_70 = vector.shape_cast %reduce_sum3A_69 : vector<2048xf32> to vector<2048x1xf32>
    %gt3A = arith.constant 0.000000e+00 : f32
    %gt3A_71 = vector.broadcast %gt3A : f32 to vector<2048x64xf32>
    %gt3A_72 = arith.cmpf ogt, %convert_element_type3A_3, %gt3A_71 : vector<2048x64xf32>
    %jit3A = arith.constant -1.000000e+30 : f32
    %broadcast_in_dim3A_73 = vector.shape_cast %broadcast_in_dim3A_70 : vector<2048x1xf32> to vector<2048x1xf32>
    %broadcast_in_dim3A_74 = vector.broadcast %broadcast_in_dim3A_73 : vector<2048x1xf32> to vector<2048x64xf32>
    %broadcast_in_dim3A_75 = vector.broadcast %jit3A : f32 to vector<2048x64xf32>
    %select_n3A = arith.select %gt3A_72, %broadcast_in_dim3A_74, %broadcast_in_dim3A_75 : vector<2048x64xi1>, vector<2048x64xf32>
    %reduce_max3A = arith.constant dense<0xFF800000> : vector<64xf32>
    %reduce_max3A_76 = vector.multi_reduction <maximumf>, %select_n3A, %reduce_max3A [0] : vector<2048x64xf32> to vector<64xf32>
    %broadcast_in_dim3A_77 = vector.shape_cast %reduce_max3A_76 : vector<64xf32> to vector<1x64xf32>
    %mul3A_78 = vector.broadcast %broadcast_in_dim3A_77 : vector<1x64xf32> to vector<2048x64xf32>
    %mul3A_79 = arith.mulf %convert_element_type3A_3, %mul3A_78 : vector<2048x64xf32>
    %reduce_sum3A_80 = arith.constant dense<0.000000e+00> : vector<2048xf32>
    %reduce_sum3A_81 = vector.multi_reduction <add>, %mul3A_79, %reduce_sum3A_80 [1] : vector<2048x64xf32> to vector<2048xf32>
    %broadcast_in_dim3A_82 = vector.shape_cast %reduce_sum3A_81 : vector<2048xf32> to vector<2048x1xf32>
    %sub3A = arith.subf %broadcast_in_dim3A_70, %broadcast_in_dim3A_82 : vector<2048x1xf32>
    %exp3A = math.exp %sub3A : vector<2048x1xf32>
    %mul3A_83 = vector.broadcast %exp3A : vector<2048x1xf32> to vector<2048x64xf32>
    %mul3A_84 = arith.mulf %convert_element_type3A_3, %mul3A_83 : vector<2048x64xf32>
    %reduce_sum3A_85 = arith.constant dense<0.000000e+00> : vector<64xf32>
    %reduce_sum3A_86 = vector.multi_reduction <add>, %mul3A_84, %reduce_sum3A_85 [0] : vector<2048x64xf32> to vector<64xf32>
    %broadcast_in_dim3A_87 = vector.shape_cast %reduce_sum3A_86 : vector<64xf32> to vector<1x64xf32>
    %mul3A_88 = vector.broadcast %broadcast_in_dim3A_87 : vector<1x64xf32> to vector<2048x64xf32>
    %mul3A_89 = arith.mulf %convert_element_type3A_3, %mul3A_88 : vector<2048x64xf32>
    %reduce_sum3A_90 = arith.constant dense<0.000000e+00> : vector<2048xf32>
    %reduce_sum3A_91 = vector.multi_reduction <add>, %mul3A_89, %reduce_sum3A_90 [1] : vector<2048x64xf32> to vector<2048xf32>
    %broadcast_in_dim3A_92 = vector.shape_cast %reduce_sum3A_91 : vector<2048xf32> to vector<2048x1xf32>
    %div3A = arith.divf %exp3A, %broadcast_in_dim3A_92 : vector<2048x1xf32>
    %mul3A_93 = vector.broadcast %div3A : vector<2048x1xf32> to vector<2048x128xf32>
    %mul3A_94 = arith.mulf %mul3A_93, %concatenate3A : vector<2048x128xf32>
    %dot_general3A_95 = arith.constant dense<0.000000e+00> : vector<64x128xf32>
    %dot_general3A_96 = tpu.matmul %convert_element_type3A_11, %mul3A_94, %dot_general3A_95 {dimension_numbers = #tpu.dot_dimension_numbers<[1], [0], [0], [1], [0, 0, 1, 1], [], []>, transpose_lhs_hint = false} : vector<64x2048xf32>, vector<2048x128xf32>, vector<64x128xf32> -> vector<64x128xf32>
    %concatenate3A_97 = tpu.concatenate %mul3A_65, %dot_general3A_96 in 1 : vector<64x128xf32>, vector<64x128xf32> -> vector<64x256xf32>
    %get3A_98 = arith.constant 0 : index
    %get3A_99 = arith.constant 0 : index
    %get3A_100 = vector.load %arg5[%get3A_98, %get3A_99] : memref<512x256xf32, #tpu.memory_space<vmem>>, vector<512x256xf32>
    %dot_general3A_101 = arith.constant dense<0.000000e+00> : vector<64x512xf32>
    %dot_general3A_102 = tpu.matmul %concatenate3A_97, %get3A_100, %dot_general3A_101 {dimension_numbers = #tpu.dot_dimension_numbers<[1], [1], [0], [0], [0, 0, 1, 0], [], []>, transpose_lhs_hint = false} : vector<64x256xf32>, vector<512x256xf32>, vector<64x512xf32> -> vector<64x512xf32>
    %get3A_103 = arith.constant 0 : index
    %get3A_104 = arith.constant 0 : index
    %get3A_105 = vector.load %arg7[%get3A_103, %get3A_104] : memref<1x512xf32, #tpu.memory_space<vmem>>, vector<1x512xf32>
    %add3A_106 = vector.broadcast %get3A_105 : vector<1x512xf32> to vector<64x512xf32>
    %add3A_107 = arith.addf %dot_general3A_102, %add3A_106 : vector<64x512xf32>
    %get3A_108 = arith.constant 0 : index
    %get3A_109 = arith.constant 0 : index
    %get3A_110 = vector.load %arg6[%get3A_108, %get3A_109] : memref<512x128xf32, #tpu.memory_space<vmem>>, vector<512x128xf32>
    %dot_general3A_111 = arith.constant dense<0.000000e+00> : vector<64x512xf32>
    %dot_general3A_112 = tpu.matmul %mul3A_65, %get3A_110, %dot_general3A_111 {dimension_numbers = #tpu.dot_dimension_numbers<[1], [1], [0], [0], [0, 0, 1, 0], [], []>, transpose_lhs_hint = false} : vector<64x128xf32>, vector<512x128xf32>, vector<64x512xf32> -> vector<64x512xf32>
    %add3A_113 = arith.addf %add3A_107, %dot_general3A_112 : vector<64x512xf32>
    %get3A_114 = arith.constant 0 : index
    %get3A_115 = arith.constant 0 : index
    %get3A_116 = vector.load %arg8[%get3A_114, %get3A_115] : memref<1x512xf32, #tpu.memory_space<vmem>>, vector<1x512xf32>
    %add3A_117 = vector.broadcast %get3A_116 : vector<1x512xf32> to vector<64x512xf32>
    %add3A_118 = arith.addf %add3A_113, %add3A_117 : vector<64x512xf32>
    %slice3A_119 = vector.extract_strided_slice %add3A_118 {offsets = [0, 0], sizes = [64, 128], strides = [1, 1]} : vector<64x512xf32> to vector<64x128xf32>
    %slice3A_120 = vector.extract_strided_slice %add3A_118 {offsets = [0, 128], sizes = [64, 128], strides = [1, 1]} : vector<64x512xf32> to vector<64x128xf32>
    %slice3A_121 = vector.extract_strided_slice %add3A_118 {offsets = [0, 256], sizes = [64, 128], strides = [1, 1]} : vector<64x512xf32> to vector<64x128xf32>
    %slice3A_122 = vector.extract_strided_slice %add3A_118 {offsets = [0, 384], sizes = [64, 128], strides = [1, 1]} : vector<64x512xf32> to vector<64x128xf32>
    %logistic3A_123 = arith.negf %slice3A_120 : vector<64x128xf32>
    %logistic3A_124 = math.exp %logistic3A_123 : vector<64x128xf32>
    %logistic3A_125 = arith.constant 1.000000e+00 : f32
    %logistic3A_126 = vector.broadcast %logistic3A_125 : f32 to vector<64x128xf32>
    %logistic3A_127 = arith.addf %logistic3A_126, %logistic3A_124 : vector<64x128xf32>
    %logistic3A_128 = arith.divf %logistic3A_126, %logistic3A_127 : vector<64x128xf32>
    %mul3A_129 = arith.mulf %logistic3A_128, %add3A_57 : vector<64x128xf32>
    %logistic3A_130 = arith.negf %slice3A_119 : vector<64x128xf32>
    %logistic3A_131 = math.exp %logistic3A_130 : vector<64x128xf32>
    %logistic3A_132 = arith.constant 1.000000e+00 : f32
    %logistic3A_133 = vector.broadcast %logistic3A_132 : f32 to vector<64x128xf32>
    %logistic3A_134 = arith.addf %logistic3A_133, %logistic3A_131 : vector<64x128xf32>
    %logistic3A_135 = arith.divf %logistic3A_133, %logistic3A_134 : vector<64x128xf32>
    %tanh3A_136 = math.tanh %slice3A_121 : vector<64x128xf32>
    %mul3A_137 = arith.mulf %logistic3A_135, %tanh3A_136 : vector<64x128xf32>
    %add3A_138 = arith.addf %mul3A_129, %mul3A_137 : vector<64x128xf32>
    %logistic3A_139 = arith.negf %slice3A_122 : vector<64x128xf32>
    %logistic3A_140 = math.exp %logistic3A_139 : vector<64x128xf32>
    %logistic3A_141 = arith.constant 1.000000e+00 : f32
    %logistic3A_142 = vector.broadcast %logistic3A_141 : f32 to vector<64x128xf32>
    %logistic3A_143 = arith.addf %logistic3A_142, %logistic3A_140 : vector<64x128xf32>
    %logistic3A_144 = arith.divf %logistic3A_142, %logistic3A_143 : vector<64x128xf32>
    %tanh3A_145 = math.tanh %add3A_138 : vector<64x128xf32>
    %mul3A_146 = arith.mulf %logistic3A_144, %tanh3A_145 : vector<64x128xf32>
    %dot_general3A_147 = arith.constant dense<0.000000e+00> : vector<2048x128xf32>
    %dot_general3A_148 = tpu.matmul %convert_element_type3A_3, %mul3A_146, %dot_general3A_147 {dimension_numbers = #tpu.dot_dimension_numbers<[1], [0], [0], [1], [0, 0, 1, 1], [], []>, transpose_lhs_hint = false} : vector<2048x64xf32>, vector<64x128xf32>, vector<2048x128xf32> -> vector<2048x128xf32>
    %mul3A_149 = arith.mulf %concatenate3A, %dot_general3A_148 : vector<2048x128xf32>
    %reduce_sum3A_150 = arith.constant dense<0.000000e+00> : vector<2048xf32>
    %reduce_sum3A_151 = vector.multi_reduction <add>, %mul3A_149, %reduce_sum3A_150 [1] : vector<2048x128xf32> to vector<2048xf32>
    %broadcast_in_dim3A_152 = vector.shape_cast %reduce_sum3A_151 : vector<2048xf32> to vector<2048x1xf32>
    %gt3A_153 = arith.constant 0.000000e+00 : f32
    %gt3A_154 = vector.broadcast %gt3A_153 : f32 to vector<2048x64xf32>
    %gt3A_155 = arith.cmpf ogt, %convert_element_type3A_3, %gt3A_154 : vector<2048x64xf32>
    %jit3A_156 = arith.constant -1.000000e+30 : f32
    %broadcast_in_dim3A_157 = vector.shape_cast %broadcast_in_dim3A_152 : vector<2048x1xf32> to vector<2048x1xf32>
    %broadcast_in_dim3A_158 = vector.broadcast %broadcast_in_dim3A_157 : vector<2048x1xf32> to vector<2048x64xf32>
    %broadcast_in_dim3A_159 = vector.broadcast %jit3A_156 : f32 to vector<2048x64xf32>
    %select_n3A_160 = arith.select %gt3A_155, %broadcast_in_dim3A_158, %broadcast_in_dim3A_159 : vector<2048x64xi1>, vector<2048x64xf32>
    %reduce_max3A_161 = arith.constant dense<0xFF800000> : vector<64xf32>
    %reduce_max3A_162 = vector.multi_reduction <maximumf>, %select_n3A_160, %reduce_max3A_161 [0] : vector<2048x64xf32> to vector<64xf32>
    %broadcast_in_dim3A_163 = vector.shape_cast %reduce_max3A_162 : vector<64xf32> to vector<1x64xf32>
    %mul3A_164 = vector.broadcast %broadcast_in_dim3A_163 : vector<1x64xf32> to vector<2048x64xf32>
    %mul3A_165 = arith.mulf %convert_element_type3A_3, %mul3A_164 : vector<2048x64xf32>
    %reduce_sum3A_166 = arith.constant dense<0.000000e+00> : vector<2048xf32>
    %reduce_sum3A_167 = vector.multi_reduction <add>, %mul3A_165, %reduce_sum3A_166 [1] : vector<2048x64xf32> to vector<2048xf32>
    %broadcast_in_dim3A_168 = vector.shape_cast %reduce_sum3A_167 : vector<2048xf32> to vector<2048x1xf32>
    %sub3A_169 = arith.subf %broadcast_in_dim3A_152, %broadcast_in_dim3A_168 : vector<2048x1xf32>
    %exp3A_170 = math.exp %sub3A_169 : vector<2048x1xf32>
    %mul3A_171 = vector.broadcast %exp3A_170 : vector<2048x1xf32> to vector<2048x64xf32>
    %mul3A_172 = arith.mulf %convert_element_type3A_3, %mul3A_171 : vector<2048x64xf32>
    %reduce_sum3A_173 = arith.constant dense<0.000000e+00> : vector<64xf32>
    %reduce_sum3A_174 = vector.multi_reduction <add>, %mul3A_172, %reduce_sum3A_173 [0] : vector<2048x64xf32> to vector<64xf32>
    %broadcast_in_dim3A_175 = vector.shape_cast %reduce_sum3A_174 : vector<64xf32> to vector<1x64xf32>
    %mul3A_176 = vector.broadcast %broadcast_in_dim3A_175 : vector<1x64xf32> to vector<2048x64xf32>
    %mul3A_177 = arith.mulf %convert_element_type3A_3, %mul3A_176 : vector<2048x64xf32>
    %reduce_sum3A_178 = arith.constant dense<0.000000e+00> : vector<2048xf32>
    %reduce_sum3A_179 = vector.multi_reduction <add>, %mul3A_177, %reduce_sum3A_178 [1] : vector<2048x64xf32> to vector<2048xf32>
    %broadcast_in_dim3A_180 = vector.shape_cast %reduce_sum3A_179 : vector<2048xf32> to vector<2048x1xf32>
    %div3A_181 = arith.divf %exp3A_170, %broadcast_in_dim3A_180 : vector<2048x1xf32>
    %mul3A_182 = vector.broadcast %div3A_181 : vector<2048x1xf32> to vector<2048x128xf32>
    %mul3A_183 = arith.mulf %mul3A_182, %concatenate3A : vector<2048x128xf32>
    %dot_general3A_184 = arith.constant dense<0.000000e+00> : vector<64x128xf32>
    %dot_general3A_185 = tpu.matmul %convert_element_type3A_11, %mul3A_183, %dot_general3A_184 {dimension_numbers = #tpu.dot_dimension_numbers<[1], [0], [0], [1], [0, 0, 1, 1], [], []>, transpose_lhs_hint = false} : vector<64x2048xf32>, vector<2048x128xf32>, vector<64x128xf32> -> vector<64x128xf32>
    %concatenate3A_186 = tpu.concatenate %mul3A_146, %dot_general3A_185 in 1 : vector<64x128xf32>, vector<64x128xf32> -> vector<64x256xf32>
    %get3A_187 = arith.constant 0 : index
    %get3A_188 = arith.constant 0 : index
    %get3A_189 = vector.load %arg5[%get3A_187, %get3A_188] : memref<512x256xf32, #tpu.memory_space<vmem>>, vector<512x256xf32>
    %dot_general3A_190 = arith.constant dense<0.000000e+00> : vector<64x512xf32>
    %dot_general3A_191 = tpu.matmul %concatenate3A_186, %get3A_189, %dot_general3A_190 {dimension_numbers = #tpu.dot_dimension_numbers<[1], [1], [0], [0], [0, 0, 1, 0], [], []>, transpose_lhs_hint = false} : vector<64x256xf32>, vector<512x256xf32>, vector<64x512xf32> -> vector<64x512xf32>
    %get3A_192 = arith.constant 0 : index
    %get3A_193 = arith.constant 0 : index
    %get3A_194 = vector.load %arg7[%get3A_192, %get3A_193] : memref<1x512xf32, #tpu.memory_space<vmem>>, vector<1x512xf32>
    %add3A_195 = vector.broadcast %get3A_194 : vector<1x512xf32> to vector<64x512xf32>
    %add3A_196 = arith.addf %dot_general3A_191, %add3A_195 : vector<64x512xf32>
    %get3A_197 = arith.constant 0 : index
    %get3A_198 = arith.constant 0 : index
    %get3A_199 = vector.load %arg6[%get3A_197, %get3A_198] : memref<512x128xf32, #tpu.memory_space<vmem>>, vector<512x128xf32>
    %dot_general3A_200 = arith.constant dense<0.000000e+00> : vector<64x512xf32>
    %dot_general3A_201 = tpu.matmul %mul3A_146, %get3A_199, %dot_general3A_200 {dimension_numbers = #tpu.dot_dimension_numbers<[1], [1], [0], [0], [0, 0, 1, 0], [], []>, transpose_lhs_hint = false} : vector<64x128xf32>, vector<512x128xf32>, vector<64x512xf32> -> vector<64x512xf32>
    %add3A_202 = arith.addf %add3A_196, %dot_general3A_201 : vector<64x512xf32>
    %get3A_203 = arith.constant 0 : index
    %get3A_204 = arith.constant 0 : index
    %get3A_205 = vector.load %arg8[%get3A_203, %get3A_204] : memref<1x512xf32, #tpu.memory_space<vmem>>, vector<1x512xf32>
    %add3A_206 = vector.broadcast %get3A_205 : vector<1x512xf32> to vector<64x512xf32>
    %add3A_207 = arith.addf %add3A_202, %add3A_206 : vector<64x512xf32>
    %slice3A_208 = vector.extract_strided_slice %add3A_207 {offsets = [0, 0], sizes = [64, 128], strides = [1, 1]} : vector<64x512xf32> to vector<64x128xf32>
    %slice3A_209 = vector.extract_strided_slice %add3A_207 {offsets = [0, 128], sizes = [64, 128], strides = [1, 1]} : vector<64x512xf32> to vector<64x128xf32>
    %slice3A_210 = vector.extract_strided_slice %add3A_207 {offsets = [0, 256], sizes = [64, 128], strides = [1, 1]} : vector<64x512xf32> to vector<64x128xf32>
    %slice3A_211 = vector.extract_strided_slice %add3A_207 {offsets = [0, 384], sizes = [64, 128], strides = [1, 1]} : vector<64x512xf32> to vector<64x128xf32>
    %logistic3A_212 = arith.negf %slice3A_209 : vector<64x128xf32>
    %logistic3A_213 = math.exp %logistic3A_212 : vector<64x128xf32>
    %logistic3A_214 = arith.constant 1.000000e+00 : f32
    %logistic3A_215 = vector.broadcast %logistic3A_214 : f32 to vector<64x128xf32>
    %logistic3A_216 = arith.addf %logistic3A_215, %logistic3A_213 : vector<64x128xf32>
    %logistic3A_217 = arith.divf %logistic3A_215, %logistic3A_216 : vector<64x128xf32>
    %mul3A_218 = arith.mulf %logistic3A_217, %add3A_138 : vector<64x128xf32>
    %logistic3A_219 = arith.negf %slice3A_208 : vector<64x128xf32>
    %logistic3A_220 = math.exp %logistic3A_219 : vector<64x128xf32>
    %logistic3A_221 = arith.constant 1.000000e+00 : f32
    %logistic3A_222 = vector.broadcast %logistic3A_221 : f32 to vector<64x128xf32>
    %logistic3A_223 = arith.addf %logistic3A_222, %logistic3A_220 : vector<64x128xf32>
    %logistic3A_224 = arith.divf %logistic3A_222, %logistic3A_223 : vector<64x128xf32>
    %tanh3A_225 = math.tanh %slice3A_210 : vector<64x128xf32>
    %mul3A_226 = arith.mulf %logistic3A_224, %tanh3A_225 : vector<64x128xf32>
    %add3A_227 = arith.addf %mul3A_218, %mul3A_226 : vector<64x128xf32>
    %logistic3A_228 = arith.negf %slice3A_211 : vector<64x128xf32>
    %logistic3A_229 = math.exp %logistic3A_228 : vector<64x128xf32>
    %logistic3A_230 = arith.constant 1.000000e+00 : f32
    %logistic3A_231 = vector.broadcast %logistic3A_230 : f32 to vector<64x128xf32>
    %logistic3A_232 = arith.addf %logistic3A_231, %logistic3A_229 : vector<64x128xf32>
    %logistic3A_233 = arith.divf %logistic3A_231, %logistic3A_232 : vector<64x128xf32>
    %tanh3A_234 = math.tanh %add3A_227 : vector<64x128xf32>
    %mul3A_235 = arith.mulf %logistic3A_233, %tanh3A_234 : vector<64x128xf32>
    %dot_general3A_236 = arith.constant dense<0.000000e+00> : vector<2048x128xf32>
    %dot_general3A_237 = tpu.matmul %convert_element_type3A_3, %mul3A_235, %dot_general3A_236 {dimension_numbers = #tpu.dot_dimension_numbers<[1], [0], [0], [1], [0, 0, 1, 1], [], []>, transpose_lhs_hint = false} : vector<2048x64xf32>, vector<64x128xf32>, vector<2048x128xf32> -> vector<2048x128xf32>
    %mul3A_238 = arith.mulf %concatenate3A, %dot_general3A_237 : vector<2048x128xf32>
    %reduce_sum3A_239 = arith.constant dense<0.000000e+00> : vector<2048xf32>
    %reduce_sum3A_240 = vector.multi_reduction <add>, %mul3A_238, %reduce_sum3A_239 [1] : vector<2048x128xf32> to vector<2048xf32>
    %broadcast_in_dim3A_241 = vector.shape_cast %reduce_sum3A_240 : vector<2048xf32> to vector<2048x1xf32>
    %gt3A_242 = arith.constant 0.000000e+00 : f32
    %gt3A_243 = vector.broadcast %gt3A_242 : f32 to vector<2048x64xf32>
    %gt3A_244 = arith.cmpf ogt, %convert_element_type3A_3, %gt3A_243 : vector<2048x64xf32>
    %jit3A_245 = arith.constant -1.000000e+30 : f32
    %broadcast_in_dim3A_246 = vector.shape_cast %broadcast_in_dim3A_241 : vector<2048x1xf32> to vector<2048x1xf32>
    %broadcast_in_dim3A_247 = vector.broadcast %broadcast_in_dim3A_246 : vector<2048x1xf32> to vector<2048x64xf32>
    %broadcast_in_dim3A_248 = vector.broadcast %jit3A_245 : f32 to vector<2048x64xf32>
    %select_n3A_249 = arith.select %gt3A_244, %broadcast_in_dim3A_247, %broadcast_in_dim3A_248 : vector<2048x64xi1>, vector<2048x64xf32>
    %reduce_max3A_250 = arith.constant dense<0xFF800000> : vector<64xf32>
    %reduce_max3A_251 = vector.multi_reduction <maximumf>, %select_n3A_249, %reduce_max3A_250 [0] : vector<2048x64xf32> to vector<64xf32>
    %broadcast_in_dim3A_252 = vector.shape_cast %reduce_max3A_251 : vector<64xf32> to vector<1x64xf32>
    %mul3A_253 = vector.broadcast %broadcast_in_dim3A_252 : vector<1x64xf32> to vector<2048x64xf32>
    %mul3A_254 = arith.mulf %convert_element_type3A_3, %mul3A_253 : vector<2048x64xf32>
    %reduce_sum3A_255 = arith.constant dense<0.000000e+00> : vector<2048xf32>
    %reduce_sum3A_256 = vector.multi_reduction <add>, %mul3A_254, %reduce_sum3A_255 [1] : vector<2048x64xf32> to vector<2048xf32>
    %broadcast_in_dim3A_257 = vector.shape_cast %reduce_sum3A_256 : vector<2048xf32> to vector<2048x1xf32>
    %sub3A_258 = arith.subf %broadcast_in_dim3A_241, %broadcast_in_dim3A_257 : vector<2048x1xf32>
    %exp3A_259 = math.exp %sub3A_258 : vector<2048x1xf32>
    %mul3A_260 = vector.broadcast %exp3A_259 : vector<2048x1xf32> to vector<2048x64xf32>
    %mul3A_261 = arith.mulf %convert_element_type3A_3, %mul3A_260 : vector<2048x64xf32>
    %reduce_sum3A_262 = arith.constant dense<0.000000e+00> : vector<64xf32>
    %reduce_sum3A_263 = vector.multi_reduction <add>, %mul3A_261, %reduce_sum3A_262 [0] : vector<2048x64xf32> to vector<64xf32>
    %broadcast_in_dim3A_264 = vector.shape_cast %reduce_sum3A_263 : vector<64xf32> to vector<1x64xf32>
    %mul3A_265 = vector.broadcast %broadcast_in_dim3A_264 : vector<1x64xf32> to vector<2048x64xf32>
    %mul3A_266 = arith.mulf %convert_element_type3A_3, %mul3A_265 : vector<2048x64xf32>
    %reduce_sum3A_267 = arith.constant dense<0.000000e+00> : vector<2048xf32>
    %reduce_sum3A_268 = vector.multi_reduction <add>, %mul3A_266, %reduce_sum3A_267 [1] : vector<2048x64xf32> to vector<2048xf32>
    %broadcast_in_dim3A_269 = vector.shape_cast %reduce_sum3A_268 : vector<2048xf32> to vector<2048x1xf32>
    %div3A_270 = arith.divf %exp3A_259, %broadcast_in_dim3A_269 : vector<2048x1xf32>
    %mul3A_271 = vector.broadcast %div3A_270 : vector<2048x1xf32> to vector<2048x128xf32>
    %mul3A_272 = arith.mulf %mul3A_271, %concatenate3A : vector<2048x128xf32>
    %dot_general3A_273 = arith.constant dense<0.000000e+00> : vector<64x128xf32>
    %dot_general3A_274 = tpu.matmul %convert_element_type3A_11, %mul3A_272, %dot_general3A_273 {dimension_numbers = #tpu.dot_dimension_numbers<[1], [0], [0], [1], [0, 0, 1, 1], [], []>, transpose_lhs_hint = false} : vector<64x2048xf32>, vector<2048x128xf32>, vector<64x128xf32> -> vector<64x128xf32>
    %concatenate3A_275 = tpu.concatenate %mul3A_235, %dot_general3A_274 in 1 : vector<64x128xf32>, vector<64x128xf32> -> vector<64x256xf32>
    %get3A_276 = arith.constant 0 : index
    %get3A_277 = arith.constant 0 : index
    %get3A_278 = vector.load %arg9[%get3A_276, %get3A_277] : memref<256x1024xf32, #tpu.memory_space<vmem>>, vector<256x1024xf32>
    %dot_general3A_279 = arith.constant dense<0.000000e+00> : vector<64x1024xf32>
    %dot_general3A_280 = tpu.matmul %concatenate3A_275, %get3A_278, %dot_general3A_279 {dimension_numbers = #tpu.dot_dimension_numbers<[1], [0], [0], [1], [0, 0, 1, 1], [], []>, transpose_lhs_hint = false} : vector<64x256xf32>, vector<256x1024xf32>, vector<64x1024xf32> -> vector<64x1024xf32>
    %get3A_281 = arith.constant 0 : index
    %get3A_282 = arith.constant 0 : index
    %get3A_283 = vector.load %arg10[%get3A_281, %get3A_282] : memref<1x1024xf32, #tpu.memory_space<vmem>>, vector<1x1024xf32>
    %add3A_284 = vector.broadcast %get3A_283 : vector<1x1024xf32> to vector<64x1024xf32>
    %add3A_285 = arith.addf %dot_general3A_280, %add3A_284 : vector<64x1024xf32>
    %get3A_286 = arith.constant 0 : index
    %get3A_287 = arith.constant 0 : index
    %get3A_288 = vector.load %arg11[%get3A_286, %get3A_287] : memref<1x1xf32, #tpu.memory_space<vmem>>, vector<1x1xf32>
    %ge3A = arith.constant 0.000000e+00 : f32
    %ge3A_289 = vector.broadcast %ge3A : f32 to vector<64x1024xf32>
    %ge3A_290 = arith.cmpf oge, %add3A_285, %ge3A_289 : vector<64x1024xf32>
    %mul3A_291 = vector.broadcast %get3A_288 : vector<1x1xf32> to vector<64x1024xf32>
    %mul3A_292 = arith.mulf %mul3A_291, %add3A_285 : vector<64x1024xf32>
    %select_n3A_293 = arith.select %ge3A_290, %add3A_285, %mul3A_292 : vector<64x1024xi1>, vector<64x1024xf32>
    %get3A_294 = arith.constant 2048 : index
    %get3A_295 = arith.constant 0 : index
    %get3A_296 = vector.load %arg0[%get3A_294, %get3A_295] : memref<6144x128xf32, #tpu.memory_space<vmem>>, vector<2048x64xf32>
    %get3A_297 = arith.constant 2048 : index
    %get3A_298 = arith.constant 0 : index
    %get3A_299 = vector.load %arg1[%get3A_297, %get3A_298] : memref<6144x128xf32, #tpu.memory_space<vmem>>, vector<2048x64xf32>
    %concatenate3A_300 = tpu.concatenate %get3A_296, %get3A_299 in 1 : vector<2048x64xf32>, vector<2048x64xf32> -> vector<2048x128xf32>
    %broadcast_in_dim3A_301 = arith.constant 0.000000e+00 : f32
    %broadcast_in_dim3A_302 = vector.broadcast %broadcast_in_dim3A_301 : f32 to vector<64x256xf32>
    %broadcast_in_dim3A_303 = arith.constant 0.000000e+00 : f32
    %broadcast_in_dim3A_304 = vector.broadcast %broadcast_in_dim3A_303 : f32 to vector<64x128xf32>
    %broadcast_in_dim3A_305 = arith.constant 0.000000e+00 : f32
    %broadcast_in_dim3A_306 = vector.broadcast %broadcast_in_dim3A_305 : f32 to vector<64x128xf32>
    %get3A_307 = arith.constant 0 : index
    %get3A_308 = arith.constant 0 : index
    %get3A_309 = vector.load %arg5[%get3A_307, %get3A_308] : memref<512x256xf32, #tpu.memory_space<vmem>>, vector<512x256xf32>
    %dot_general3A_310 = arith.constant dense<0.000000e+00> : vector<64x512xf32>
    %dot_general3A_311 = tpu.matmul %broadcast_in_dim3A_302, %get3A_309, %dot_general3A_310 {dimension_numbers = #tpu.dot_dimension_numbers<[1], [1], [0], [0], [0, 0, 1, 0], [], []>, transpose_lhs_hint = false} : vector<64x256xf32>, vector<512x256xf32>, vector<64x512xf32> -> vector<64x512xf32>
    %get3A_312 = arith.constant 0 : index
    %get3A_313 = arith.constant 0 : index
    %get3A_314 = vector.load %arg7[%get3A_312, %get3A_313] : memref<1x512xf32, #tpu.memory_space<vmem>>, vector<1x512xf32>
    %add3A_315 = vector.broadcast %get3A_314 : vector<1x512xf32> to vector<64x512xf32>
    %add3A_316 = arith.addf %dot_general3A_311, %add3A_315 : vector<64x512xf32>
    %get3A_317 = arith.constant 0 : index
    %get3A_318 = arith.constant 0 : index
    %get3A_319 = vector.load %arg6[%get3A_317, %get3A_318] : memref<512x128xf32, #tpu.memory_space<vmem>>, vector<512x128xf32>
    %dot_general3A_320 = arith.constant dense<0.000000e+00> : vector<64x512xf32>
    %dot_general3A_321 = tpu.matmul %broadcast_in_dim3A_304, %get3A_319, %dot_general3A_320 {dimension_numbers = #tpu.dot_dimension_numbers<[1], [1], [0], [0], [0, 0, 1, 0], [], []>, transpose_lhs_hint = false} : vector<64x128xf32>, vector<512x128xf32>, vector<64x512xf32> -> vector<64x512xf32>
    %add3A_322 = arith.addf %add3A_316, %dot_general3A_321 : vector<64x512xf32>
    %get3A_323 = arith.constant 0 : index
    %get3A_324 = arith.constant 0 : index
    %get3A_325 = vector.load %arg8[%get3A_323, %get3A_324] : memref<1x512xf32, #tpu.memory_space<vmem>>, vector<1x512xf32>
    %add3A_326 = vector.broadcast %get3A_325 : vector<1x512xf32> to vector<64x512xf32>
    %add3A_327 = arith.addf %add3A_322, %add3A_326 : vector<64x512xf32>
    %slice3A_328 = vector.extract_strided_slice %add3A_327 {offsets = [0, 0], sizes = [64, 128], strides = [1, 1]} : vector<64x512xf32> to vector<64x128xf32>
    %slice3A_329 = vector.extract_strided_slice %add3A_327 {offsets = [0, 128], sizes = [64, 128], strides = [1, 1]} : vector<64x512xf32> to vector<64x128xf32>
    %slice3A_330 = vector.extract_strided_slice %add3A_327 {offsets = [0, 256], sizes = [64, 128], strides = [1, 1]} : vector<64x512xf32> to vector<64x128xf32>
    %slice3A_331 = vector.extract_strided_slice %add3A_327 {offsets = [0, 384], sizes = [64, 128], strides = [1, 1]} : vector<64x512xf32> to vector<64x128xf32>
    %logistic3A_332 = arith.negf %slice3A_329 : vector<64x128xf32>
    %logistic3A_333 = math.exp %logistic3A_332 : vector<64x128xf32>
    %logistic3A_334 = arith.constant 1.000000e+00 : f32
    %logistic3A_335 = vector.broadcast %logistic3A_334 : f32 to vector<64x128xf32>
    %logistic3A_336 = arith.addf %logistic3A_335, %logistic3A_333 : vector<64x128xf32>
    %logistic3A_337 = arith.divf %logistic3A_335, %logistic3A_336 : vector<64x128xf32>
    %mul3A_338 = arith.mulf %logistic3A_337, %broadcast_in_dim3A_306 : vector<64x128xf32>
    %logistic3A_339 = arith.negf %slice3A_328 : vector<64x128xf32>
    %logistic3A_340 = math.exp %logistic3A_339 : vector<64x128xf32>
    %logistic3A_341 = arith.constant 1.000000e+00 : f32
    %logistic3A_342 = vector.broadcast %logistic3A_341 : f32 to vector<64x128xf32>
    %logistic3A_343 = arith.addf %logistic3A_342, %logistic3A_340 : vector<64x128xf32>
    %logistic3A_344 = arith.divf %logistic3A_342, %logistic3A_343 : vector<64x128xf32>
    %tanh3A_345 = math.tanh %slice3A_330 : vector<64x128xf32>
    %mul3A_346 = arith.mulf %logistic3A_344, %tanh3A_345 : vector<64x128xf32>
    %add3A_347 = arith.addf %mul3A_338, %mul3A_346 : vector<64x128xf32>
    %logistic3A_348 = arith.negf %slice3A_331 : vector<64x128xf32>
    %logistic3A_349 = math.exp %logistic3A_348 : vector<64x128xf32>
    %logistic3A_350 = arith.constant 1.000000e+00 : f32
    %logistic3A_351 = vector.broadcast %logistic3A_350 : f32 to vector<64x128xf32>
    %logistic3A_352 = arith.addf %logistic3A_351, %logistic3A_349 : vector<64x128xf32>
    %logistic3A_353 = arith.divf %logistic3A_351, %logistic3A_352 : vector<64x128xf32>
    %tanh3A_354 = math.tanh %add3A_347 : vector<64x128xf32>
    %mul3A_355 = arith.mulf %logistic3A_353, %tanh3A_354 : vector<64x128xf32>
    %dot_general3A_356 = arith.constant dense<0.000000e+00> : vector<2048x128xf32>
    %dot_general3A_357 = tpu.matmul %convert_element_type3A_3, %mul3A_355, %dot_general3A_356 {dimension_numbers = #tpu.dot_dimension_numbers<[1], [0], [0], [1], [0, 0, 1, 1], [], []>, transpose_lhs_hint = false} : vector<2048x64xf32>, vector<64x128xf32>, vector<2048x128xf32> -> vector<2048x128xf32>
    %mul3A_358 = arith.mulf %concatenate3A_300, %dot_general3A_357 : vector<2048x128xf32>
    %reduce_sum3A_359 = arith.constant dense<0.000000e+00> : vector<2048xf32>
    %reduce_sum3A_360 = vector.multi_reduction <add>, %mul3A_358, %reduce_sum3A_359 [1] : vector<2048x128xf32> to vector<2048xf32>
    %broadcast_in_dim3A_361 = vector.shape_cast %reduce_sum3A_360 : vector<2048xf32> to vector<2048x1xf32>
    %gt3A_362 = arith.constant 0.000000e+00 : f32
    %gt3A_363 = vector.broadcast %gt3A_362 : f32 to vector<2048x64xf32>
    %gt3A_364 = arith.cmpf ogt, %convert_element_type3A_3, %gt3A_363 : vector<2048x64xf32>
    %jit3A_365 = arith.constant -1.000000e+30 : f32
    %broadcast_in_dim3A_366 = vector.shape_cast %broadcast_in_dim3A_361 : vector<2048x1xf32> to vector<2048x1xf32>
    %broadcast_in_dim3A_367 = vector.broadcast %broadcast_in_dim3A_366 : vector<2048x1xf32> to vector<2048x64xf32>
    %broadcast_in_dim3A_368 = vector.broadcast %jit3A_365 : f32 to vector<2048x64xf32>
    %select_n3A_369 = arith.select %gt3A_364, %broadcast_in_dim3A_367, %broadcast_in_dim3A_368 : vector<2048x64xi1>, vector<2048x64xf32>
    %reduce_max3A_370 = arith.constant dense<0xFF800000> : vector<64xf32>
    %reduce_max3A_371 = vector.multi_reduction <maximumf>, %select_n3A_369, %reduce_max3A_370 [0] : vector<2048x64xf32> to vector<64xf32>
    %broadcast_in_dim3A_372 = vector.shape_cast %reduce_max3A_371 : vector<64xf32> to vector<1x64xf32>
    %mul3A_373 = vector.broadcast %broadcast_in_dim3A_372 : vector<1x64xf32> to vector<2048x64xf32>
    %mul3A_374 = arith.mulf %convert_element_type3A_3, %mul3A_373 : vector<2048x64xf32>
    %reduce_sum3A_375 = arith.constant dense<0.000000e+00> : vector<2048xf32>
    %reduce_sum3A_376 = vector.multi_reduction <add>, %mul3A_374, %reduce_sum3A_375 [1] : vector<2048x64xf32> to vector<2048xf32>
    %broadcast_in_dim3A_377 = vector.shape_cast %reduce_sum3A_376 : vector<2048xf32> to vector<2048x1xf32>
    %sub3A_378 = arith.subf %broadcast_in_dim3A_361, %broadcast_in_dim3A_377 : vector<2048x1xf32>
    %exp3A_379 = math.exp %sub3A_378 : vector<2048x1xf32>
    %mul3A_380 = vector.broadcast %exp3A_379 : vector<2048x1xf32> to vector<2048x64xf32>
    %mul3A_381 = arith.mulf %convert_element_type3A_3, %mul3A_380 : vector<2048x64xf32>
    %reduce_sum3A_382 = arith.constant dense<0.000000e+00> : vector<64xf32>
    %reduce_sum3A_383 = vector.multi_reduction <add>, %mul3A_381, %reduce_sum3A_382 [0] : vector<2048x64xf32> to vector<64xf32>
    %broadcast_in_dim3A_384 = vector.shape_cast %reduce_sum3A_383 : vector<64xf32> to vector<1x64xf32>
    %mul3A_385 = vector.broadcast %broadcast_in_dim3A_384 : vector<1x64xf32> to vector<2048x64xf32>
    %mul3A_386 = arith.mulf %convert_element_type3A_3, %mul3A_385 : vector<2048x64xf32>
    %reduce_sum3A_387 = arith.constant dense<0.000000e+00> : vector<2048xf32>
    %reduce_sum3A_388 = vector.multi_reduction <add>, %mul3A_386, %reduce_sum3A_387 [1] : vector<2048x64xf32> to vector<2048xf32>
    %broadcast_in_dim3A_389 = vector.shape_cast %reduce_sum3A_388 : vector<2048xf32> to vector<2048x1xf32>
    %div3A_390 = arith.divf %exp3A_379, %broadcast_in_dim3A_389 : vector<2048x1xf32>
    %mul3A_391 = vector.broadcast %div3A_390 : vector<2048x1xf32> to vector<2048x128xf32>
    %mul3A_392 = arith.mulf %mul3A_391, %concatenate3A_300 : vector<2048x128xf32>
    %dot_general3A_393 = arith.constant dense<0.000000e+00> : vector<64x128xf32>
    %dot_general3A_394 = tpu.matmul %convert_element_type3A_11, %mul3A_392, %dot_general3A_393 {dimension_numbers = #tpu.dot_dimension_numbers<[1], [0], [0], [1], [0, 0, 1, 1], [], []>, transpose_lhs_hint = false} : vector<64x2048xf32>, vector<2048x128xf32>, vector<64x128xf32> -> vector<64x128xf32>
    %concatenate3A_395 = tpu.concatenate %mul3A_355, %dot_general3A_394 in 1 : vector<64x128xf32>, vector<64x128xf32> -> vector<64x256xf32>
    %get3A_396 = arith.constant 0 : index
    %get3A_397 = arith.constant 0 : index
    %get3A_398 = vector.load %arg5[%get3A_396, %get3A_397] : memref<512x256xf32, #tpu.memory_space<vmem>>, vector<512x256xf32>
    %dot_general3A_399 = arith.constant dense<0.000000e+00> : vector<64x512xf32>
    %dot_general3A_400 = tpu.matmul %concatenate3A_395, %get3A_398, %dot_general3A_399 {dimension_numbers = #tpu.dot_dimension_numbers<[1], [1], [0], [0], [0, 0, 1, 0], [], []>, transpose_lhs_hint = false} : vector<64x256xf32>, vector<512x256xf32>, vector<64x512xf32> -> vector<64x512xf32>
    %get3A_401 = arith.constant 0 : index
    %get3A_402 = arith.constant 0 : index
    %get3A_403 = vector.load %arg7[%get3A_401, %get3A_402] : memref<1x512xf32, #tpu.memory_space<vmem>>, vector<1x512xf32>
    %add3A_404 = vector.broadcast %get3A_403 : vector<1x512xf32> to vector<64x512xf32>
    %add3A_405 = arith.addf %dot_general3A_400, %add3A_404 : vector<64x512xf32>
    %get3A_406 = arith.constant 0 : index
    %get3A_407 = arith.constant 0 : index
    %get3A_408 = vector.load %arg6[%get3A_406, %get3A_407] : memref<512x128xf32, #tpu.memory_space<vmem>>, vector<512x128xf32>
    %dot_general3A_409 = arith.constant dense<0.000000e+00> : vector<64x512xf32>
    %dot_general3A_410 = tpu.matmul %mul3A_355, %get3A_408, %dot_general3A_409 {dimension_numbers = #tpu.dot_dimension_numbers<[1], [1], [0], [0], [0, 0, 1, 0], [], []>, transpose_lhs_hint = false} : vector<64x128xf32>, vector<512x128xf32>, vector<64x512xf32> -> vector<64x512xf32>
    %add3A_411 = arith.addf %add3A_405, %dot_general3A_410 : vector<64x512xf32>
    %get3A_412 = arith.constant 0 : index
    %get3A_413 = arith.constant 0 : index
    %get3A_414 = vector.load %arg8[%get3A_412, %get3A_413] : memref<1x512xf32, #tpu.memory_space<vmem>>, vector<1x512xf32>
    %add3A_415 = vector.broadcast %get3A_414 : vector<1x512xf32> to vector<64x512xf32>
    %add3A_416 = arith.addf %add3A_411, %add3A_415 : vector<64x512xf32>
    %slice3A_417 = vector.extract_strided_slice %add3A_416 {offsets = [0, 0], sizes = [64, 128], strides = [1, 1]} : vector<64x512xf32> to vector<64x128xf32>
    %slice3A_418 = vector.extract_strided_slice %add3A_416 {offsets = [0, 128], sizes = [64, 128], strides = [1, 1]} : vector<64x512xf32> to vector<64x128xf32>
    %slice3A_419 = vector.extract_strided_slice %add3A_416 {offsets = [0, 256], sizes = [64, 128], strides = [1, 1]} : vector<64x512xf32> to vector<64x128xf32>
    %slice3A_420 = vector.extract_strided_slice %add3A_416 {offsets = [0, 384], sizes = [64, 128], strides = [1, 1]} : vector<64x512xf32> to vector<64x128xf32>
    %logistic3A_421 = arith.negf %slice3A_418 : vector<64x128xf32>
    %logistic3A_422 = math.exp %logistic3A_421 : vector<64x128xf32>
    %logistic3A_423 = arith.constant 1.000000e+00 : f32
    %logistic3A_424 = vector.broadcast %logistic3A_423 : f32 to vector<64x128xf32>
    %logistic3A_425 = arith.addf %logistic3A_424, %logistic3A_422 : vector<64x128xf32>
    %logistic3A_426 = arith.divf %logistic3A_424, %logistic3A_425 : vector<64x128xf32>
    %mul3A_427 = arith.mulf %logistic3A_426, %add3A_347 : vector<64x128xf32>
    %logistic3A_428 = arith.negf %slice3A_417 : vector<64x128xf32>
    %logistic3A_429 = math.exp %logistic3A_428 : vector<64x128xf32>
    %logistic3A_430 = arith.constant 1.000000e+00 : f32
    %logistic3A_431 = vector.broadcast %logistic3A_430 : f32 to vector<64x128xf32>
    %logistic3A_432 = arith.addf %logistic3A_431, %logistic3A_429 : vector<64x128xf32>
    %logistic3A_433 = arith.divf %logistic3A_431, %logistic3A_432 : vector<64x128xf32>
    %tanh3A_434 = math.tanh %slice3A_419 : vector<64x128xf32>
    %mul3A_435 = arith.mulf %logistic3A_433, %tanh3A_434 : vector<64x128xf32>
    %add3A_436 = arith.addf %mul3A_427, %mul3A_435 : vector<64x128xf32>
    %logistic3A_437 = arith.negf %slice3A_420 : vector<64x128xf32>
    %logistic3A_438 = math.exp %logistic3A_437 : vector<64x128xf32>
    %logistic3A_439 = arith.constant 1.000000e+00 : f32
    %logistic3A_440 = vector.broadcast %logistic3A_439 : f32 to vector<64x128xf32>
    %logistic3A_441 = arith.addf %logistic3A_440, %logistic3A_438 : vector<64x128xf32>
    %logistic3A_442 = arith.divf %logistic3A_440, %logistic3A_441 : vector<64x128xf32>
    %tanh3A_443 = math.tanh %add3A_436 : vector<64x128xf32>
    %mul3A_444 = arith.mulf %logistic3A_442, %tanh3A_443 : vector<64x128xf32>
    %dot_general3A_445 = arith.constant dense<0.000000e+00> : vector<2048x128xf32>
    %dot_general3A_446 = tpu.matmul %convert_element_type3A_3, %mul3A_444, %dot_general3A_445 {dimension_numbers = #tpu.dot_dimension_numbers<[1], [0], [0], [1], [0, 0, 1, 1], [], []>, transpose_lhs_hint = false} : vector<2048x64xf32>, vector<64x128xf32>, vector<2048x128xf32> -> vector<2048x128xf32>
    %mul3A_447 = arith.mulf %concatenate3A_300, %dot_general3A_446 : vector<2048x128xf32>
    %reduce_sum3A_448 = arith.constant dense<0.000000e+00> : vector<2048xf32>
    %reduce_sum3A_449 = vector.multi_reduction <add>, %mul3A_447, %reduce_sum3A_448 [1] : vector<2048x128xf32> to vector<2048xf32>
    %broadcast_in_dim3A_450 = vector.shape_cast %reduce_sum3A_449 : vector<2048xf32> to vector<2048x1xf32>
    %gt3A_451 = arith.constant 0.000000e+00 : f32
    %gt3A_452 = vector.broadcast %gt3A_451 : f32 to vector<2048x64xf32>
    %gt3A_453 = arith.cmpf ogt, %convert_element_type3A_3, %gt3A_452 : vector<2048x64xf32>
    %jit3A_454 = arith.constant -1.000000e+30 : f32
    %broadcast_in_dim3A_455 = vector.shape_cast %broadcast_in_dim3A_450 : vector<2048x1xf32> to vector<2048x1xf32>
    %broadcast_in_dim3A_456 = vector.broadcast %broadcast_in_dim3A_455 : vector<2048x1xf32> to vector<2048x64xf32>
    %broadcast_in_dim3A_457 = vector.broadcast %jit3A_454 : f32 to vector<2048x64xf32>
    %select_n3A_458 = arith.select %gt3A_453, %broadcast_in_dim3A_456, %broadcast_in_dim3A_457 : vector<2048x64xi1>, vector<2048x64xf32>
    %reduce_max3A_459 = arith.constant dense<0xFF800000> : vector<64xf32>
    %reduce_max3A_460 = vector.multi_reduction <maximumf>, %select_n3A_458, %reduce_max3A_459 [0] : vector<2048x64xf32> to vector<64xf32>
    %broadcast_in_dim3A_461 = vector.shape_cast %reduce_max3A_460 : vector<64xf32> to vector<1x64xf32>
    %mul3A_462 = vector.broadcast %broadcast_in_dim3A_461 : vector<1x64xf32> to vector<2048x64xf32>
    %mul3A_463 = arith.mulf %convert_element_type3A_3, %mul3A_462 : vector<2048x64xf32>
    %reduce_sum3A_464 = arith.constant dense<0.000000e+00> : vector<2048xf32>
    %reduce_sum3A_465 = vector.multi_reduction <add>, %mul3A_463, %reduce_sum3A_464 [1] : vector<2048x64xf32> to vector<2048xf32>
    %broadcast_in_dim3A_466 = vector.shape_cast %reduce_sum3A_465 : vector<2048xf32> to vector<2048x1xf32>
    %sub3A_467 = arith.subf %broadcast_in_dim3A_450, %broadcast_in_dim3A_466 : vector<2048x1xf32>
    %exp3A_468 = math.exp %sub3A_467 : vector<2048x1xf32>
    %mul3A_469 = vector.broadcast %exp3A_468 : vector<2048x1xf32> to vector<2048x64xf32>
    %mul3A_470 = arith.mulf %convert_element_type3A_3, %mul3A_469 : vector<2048x64xf32>
    %reduce_sum3A_471 = arith.constant dense<0.000000e+00> : vector<64xf32>
    %reduce_sum3A_472 = vector.multi_reduction <add>, %mul3A_470, %reduce_sum3A_471 [0] : vector<2048x64xf32> to vector<64xf32>
    %broadcast_in_dim3A_473 = vector.shape_cast %reduce_sum3A_472 : vector<64xf32> to vector<1x64xf32>
    %mul3A_474 = vector.broadcast %broadcast_in_dim3A_473 : vector<1x64xf32> to vector<2048x64xf32>
    %mul3A_475 = arith.mulf %convert_element_type3A_3, %mul3A_474 : vector<2048x64xf32>
    %reduce_sum3A_476 = arith.constant dense<0.000000e+00> : vector<2048xf32>
    %reduce_sum3A_477 = vector.multi_reduction <add>, %mul3A_475, %reduce_sum3A_476 [1] : vector<2048x64xf32> to vector<2048xf32>
    %broadcast_in_dim3A_478 = vector.shape_cast %reduce_sum3A_477 : vector<2048xf32> to vector<2048x1xf32>
    %div3A_479 = arith.divf %exp3A_468, %broadcast_in_dim3A_478 : vector<2048x1xf32>
    %mul3A_480 = vector.broadcast %div3A_479 : vector<2048x1xf32> to vector<2048x128xf32>
    %mul3A_481 = arith.mulf %mul3A_480, %concatenate3A_300 : vector<2048x128xf32>
    %dot_general3A_482 = arith.constant dense<0.000000e+00> : vector<64x128xf32>
    %dot_general3A_483 = tpu.matmul %convert_element_type3A_11, %mul3A_481, %dot_general3A_482 {dimension_numbers = #tpu.dot_dimension_numbers<[1], [0], [0], [1], [0, 0, 1, 1], [], []>, transpose_lhs_hint = false} : vector<64x2048xf32>, vector<2048x128xf32>, vector<64x128xf32> -> vector<64x128xf32>
    %concatenate3A_484 = tpu.concatenate %mul3A_444, %dot_general3A_483 in 1 : vector<64x128xf32>, vector<64x128xf32> -> vector<64x256xf32>
    %get3A_485 = arith.constant 0 : index
    %get3A_486 = arith.constant 0 : index
    %get3A_487 = vector.load %arg5[%get3A_485, %get3A_486] : memref<512x256xf32, #tpu.memory_space<vmem>>, vector<512x256xf32>
    %dot_general3A_488 = arith.constant dense<0.000000e+00> : vector<64x512xf32>
    %dot_general3A_489 = tpu.matmul %concatenate3A_484, %get3A_487, %dot_general3A_488 {dimension_numbers = #tpu.dot_dimension_numbers<[1], [1], [0], [0], [0, 0, 1, 0], [], []>, transpose_lhs_hint = false} : vector<64x256xf32>, vector<512x256xf32>, vector<64x512xf32> -> vector<64x512xf32>
    %get3A_490 = arith.constant 0 : index
    %get3A_491 = arith.constant 0 : index
    %get3A_492 = vector.load %arg7[%get3A_490, %get3A_491] : memref<1x512xf32, #tpu.memory_space<vmem>>, vector<1x512xf32>
    %add3A_493 = vector.broadcast %get3A_492 : vector<1x512xf32> to vector<64x512xf32>
    %add3A_494 = arith.addf %dot_general3A_489, %add3A_493 : vector<64x512xf32>
    %get3A_495 = arith.constant 0 : index
    %get3A_496 = arith.constant 0 : index
    %get3A_497 = vector.load %arg6[%get3A_495, %get3A_496] : memref<512x128xf32, #tpu.memory_space<vmem>>, vector<512x128xf32>
    %dot_general3A_498 = arith.constant dense<0.000000e+00> : vector<64x512xf32>
    %dot_general3A_499 = tpu.matmul %mul3A_444, %get3A_497, %dot_general3A_498 {dimension_numbers = #tpu.dot_dimension_numbers<[1], [1], [0], [0], [0, 0, 1, 0], [], []>, transpose_lhs_hint = false} : vector<64x128xf32>, vector<512x128xf32>, vector<64x512xf32> -> vector<64x512xf32>
    %add3A_500 = arith.addf %add3A_494, %dot_general3A_499 : vector<64x512xf32>
    %get3A_501 = arith.constant 0 : index
    %get3A_502 = arith.constant 0 : index
    %get3A_503 = vector.load %arg8[%get3A_501, %get3A_502] : memref<1x512xf32, #tpu.memory_space<vmem>>, vector<1x512xf32>
    %add3A_504 = vector.broadcast %get3A_503 : vector<1x512xf32> to vector<64x512xf32>
    %add3A_505 = arith.addf %add3A_500, %add3A_504 : vector<64x512xf32>
    %slice3A_506 = vector.extract_strided_slice %add3A_505 {offsets = [0, 0], sizes = [64, 128], strides = [1, 1]} : vector<64x512xf32> to vector<64x128xf32>
    %slice3A_507 = vector.extract_strided_slice %add3A_505 {offsets = [0, 128], sizes = [64, 128], strides = [1, 1]} : vector<64x512xf32> to vector<64x128xf32>
    %slice3A_508 = vector.extract_strided_slice %add3A_505 {offsets = [0, 256], sizes = [64, 128], strides = [1, 1]} : vector<64x512xf32> to vector<64x128xf32>
    %slice3A_509 = vector.extract_strided_slice %add3A_505 {offsets = [0, 384], sizes = [64, 128], strides = [1, 1]} : vector<64x512xf32> to vector<64x128xf32>
    %logistic3A_510 = arith.negf %slice3A_507 : vector<64x128xf32>
    %logistic3A_511 = math.exp %logistic3A_510 : vector<64x128xf32>
    %logistic3A_512 = arith.constant 1.000000e+00 : f32
    %logistic3A_513 = vector.broadcast %logistic3A_512 : f32 to vector<64x128xf32>
    %logistic3A_514 = arith.addf %logistic3A_513, %logistic3A_511 : vector<64x128xf32>
    %logistic3A_515 = arith.divf %logistic3A_513, %logistic3A_514 : vector<64x128xf32>
    %mul3A_516 = arith.mulf %logistic3A_515, %add3A_436 : vector<64x128xf32>
    %logistic3A_517 = arith.negf %slice3A_506 : vector<64x128xf32>
    %logistic3A_518 = math.exp %logistic3A_517 : vector<64x128xf32>
    %logistic3A_519 = arith.constant 1.000000e+00 : f32
    %logistic3A_520 = vector.broadcast %logistic3A_519 : f32 to vector<64x128xf32>
    %logistic3A_521 = arith.addf %logistic3A_520, %logistic3A_518 : vector<64x128xf32>
    %logistic3A_522 = arith.divf %logistic3A_520, %logistic3A_521 : vector<64x128xf32>
    %tanh3A_523 = math.tanh %slice3A_508 : vector<64x128xf32>
    %mul3A_524 = arith.mulf %logistic3A_522, %tanh3A_523 : vector<64x128xf32>
    %add3A_525 = arith.addf %mul3A_516, %mul3A_524 : vector<64x128xf32>
    %logistic3A_526 = arith.negf %slice3A_509 : vector<64x128xf32>
    %logistic3A_527 = math.exp %logistic3A_526 : vector<64x128xf32>
    %logistic3A_528 = arith.constant 1.000000e+00 : f32
    %logistic3A_529 = vector.broadcast %logistic3A_528 : f32 to vector<64x128xf32>
    %logistic3A_530 = arith.addf %logistic3A_529, %logistic3A_527 : vector<64x128xf32>
    %logistic3A_531 = arith.divf %logistic3A_529, %logistic3A_530 : vector<64x128xf32>
    %tanh3A_532 = math.tanh %add3A_525 : vector<64x128xf32>
    %mul3A_533 = arith.mulf %logistic3A_531, %tanh3A_532 : vector<64x128xf32>
    %dot_general3A_534 = arith.constant dense<0.000000e+00> : vector<2048x128xf32>
    %dot_general3A_535 = tpu.matmul %convert_element_type3A_3, %mul3A_533, %dot_general3A_534 {dimension_numbers = #tpu.dot_dimension_numbers<[1], [0], [0], [1], [0, 0, 1, 1], [], []>, transpose_lhs_hint = false} : vector<2048x64xf32>, vector<64x128xf32>, vector<2048x128xf32> -> vector<2048x128xf32>
    %mul3A_536 = arith.mulf %concatenate3A_300, %dot_general3A_535 : vector<2048x128xf32>
    %reduce_sum3A_537 = arith.constant dense<0.000000e+00> : vector<2048xf32>
    %reduce_sum3A_538 = vector.multi_reduction <add>, %mul3A_536, %reduce_sum3A_537 [1] : vector<2048x128xf32> to vector<2048xf32>
    %broadcast_in_dim3A_539 = vector.shape_cast %reduce_sum3A_538 : vector<2048xf32> to vector<2048x1xf32>
    %gt3A_540 = arith.constant 0.000000e+00 : f32
    %gt3A_541 = vector.broadcast %gt3A_540 : f32 to vector<2048x64xf32>
    %gt3A_542 = arith.cmpf ogt, %convert_element_type3A_3, %gt3A_541 : vector<2048x64xf32>
    %jit3A_543 = arith.constant -1.000000e+30 : f32
    %broadcast_in_dim3A_544 = vector.shape_cast %broadcast_in_dim3A_539 : vector<2048x1xf32> to vector<2048x1xf32>
    %broadcast_in_dim3A_545 = vector.broadcast %broadcast_in_dim3A_544 : vector<2048x1xf32> to vector<2048x64xf32>
    %broadcast_in_dim3A_546 = vector.broadcast %jit3A_543 : f32 to vector<2048x64xf32>
    %select_n3A_547 = arith.select %gt3A_542, %broadcast_in_dim3A_545, %broadcast_in_dim3A_546 : vector<2048x64xi1>, vector<2048x64xf32>
    %reduce_max3A_548 = arith.constant dense<0xFF800000> : vector<64xf32>
    %reduce_max3A_549 = vector.multi_reduction <maximumf>, %select_n3A_547, %reduce_max3A_548 [0] : vector<2048x64xf32> to vector<64xf32>
    %broadcast_in_dim3A_550 = vector.shape_cast %reduce_max3A_549 : vector<64xf32> to vector<1x64xf32>
    %mul3A_551 = vector.broadcast %broadcast_in_dim3A_550 : vector<1x64xf32> to vector<2048x64xf32>
    %mul3A_552 = arith.mulf %convert_element_type3A_3, %mul3A_551 : vector<2048x64xf32>
    %reduce_sum3A_553 = arith.constant dense<0.000000e+00> : vector<2048xf32>
    %reduce_sum3A_554 = vector.multi_reduction <add>, %mul3A_552, %reduce_sum3A_553 [1] : vector<2048x64xf32> to vector<2048xf32>
    %broadcast_in_dim3A_555 = vector.shape_cast %reduce_sum3A_554 : vector<2048xf32> to vector<2048x1xf32>
    %sub3A_556 = arith.subf %broadcast_in_dim3A_539, %broadcast_in_dim3A_555 : vector<2048x1xf32>
    %exp3A_557 = math.exp %sub3A_556 : vector<2048x1xf32>
    %mul3A_558 = vector.broadcast %exp3A_557 : vector<2048x1xf32> to vector<2048x64xf32>
    %mul3A_559 = arith.mulf %convert_element_type3A_3, %mul3A_558 : vector<2048x64xf32>
    %reduce_sum3A_560 = arith.constant dense<0.000000e+00> : vector<64xf32>
    %reduce_sum3A_561 = vector.multi_reduction <add>, %mul3A_559, %reduce_sum3A_560 [0] : vector<2048x64xf32> to vector<64xf32>
    %broadcast_in_dim3A_562 = vector.shape_cast %reduce_sum3A_561 : vector<64xf32> to vector<1x64xf32>
    %mul3A_563 = vector.broadcast %broadcast_in_dim3A_562 : vector<1x64xf32> to vector<2048x64xf32>
    %mul3A_564 = arith.mulf %convert_element_type3A_3, %mul3A_563 : vector<2048x64xf32>
    %reduce_sum3A_565 = arith.constant dense<0.000000e+00> : vector<2048xf32>
    %reduce_sum3A_566 = vector.multi_reduction <add>, %mul3A_564, %reduce_sum3A_565 [1] : vector<2048x64xf32> to vector<2048xf32>
    %broadcast_in_dim3A_567 = vector.shape_cast %reduce_sum3A_566 : vector<2048xf32> to vector<2048x1xf32>
    %div3A_568 = arith.divf %exp3A_557, %broadcast_in_dim3A_567 : vector<2048x1xf32>
    %mul3A_569 = vector.broadcast %div3A_568 : vector<2048x1xf32> to vector<2048x128xf32>
    %mul3A_570 = arith.mulf %mul3A_569, %concatenate3A_300 : vector<2048x128xf32>
    %dot_general3A_571 = arith.constant dense<0.000000e+00> : vector<64x128xf32>
    %dot_general3A_572 = tpu.matmul %convert_element_type3A_11, %mul3A_570, %dot_general3A_571 {dimension_numbers = #tpu.dot_dimension_numbers<[1], [0], [0], [1], [0, 0, 1, 1], [], []>, transpose_lhs_hint = false} : vector<64x2048xf32>, vector<2048x128xf32>, vector<64x128xf32> -> vector<64x128xf32>
    %concatenate3A_573 = tpu.concatenate %mul3A_533, %dot_general3A_572 in 1 : vector<64x128xf32>, vector<64x128xf32> -> vector<64x256xf32>
    %get3A_574 = arith.constant 0 : index
    %get3A_575 = arith.constant 0 : index
    %get3A_576 = vector.load %arg9[%get3A_574, %get3A_575] : memref<256x1024xf32, #tpu.memory_space<vmem>>, vector<256x1024xf32>
    %dot_general3A_577 = arith.constant dense<0.000000e+00> : vector<64x1024xf32>
    %dot_general3A_578 = tpu.matmul %concatenate3A_573, %get3A_576, %dot_general3A_577 {dimension_numbers = #tpu.dot_dimension_numbers<[1], [0], [0], [1], [0, 0, 1, 1], [], []>, transpose_lhs_hint = false} : vector<64x256xf32>, vector<256x1024xf32>, vector<64x1024xf32> -> vector<64x1024xf32>
    %get3A_579 = arith.constant 0 : index
    %get3A_580 = arith.constant 0 : index
    %get3A_581 = vector.load %arg10[%get3A_579, %get3A_580] : memref<1x1024xf32, #tpu.memory_space<vmem>>, vector<1x1024xf32>
    %add3A_582 = vector.broadcast %get3A_581 : vector<1x1024xf32> to vector<64x1024xf32>
    %add3A_583 = arith.addf %dot_general3A_578, %add3A_582 : vector<64x1024xf32>
    %get3A_584 = arith.constant 0 : index
    %get3A_585 = arith.constant 0 : index
    %get3A_586 = vector.load %arg11[%get3A_584, %get3A_585] : memref<1x1xf32, #tpu.memory_space<vmem>>, vector<1x1xf32>
    %ge3A_587 = arith.constant 0.000000e+00 : f32
    %ge3A_588 = vector.broadcast %ge3A_587 : f32 to vector<64x1024xf32>
    %ge3A_589 = arith.cmpf oge, %add3A_583, %ge3A_588 : vector<64x1024xf32>
    %mul3A_590 = vector.broadcast %get3A_586 : vector<1x1xf32> to vector<64x1024xf32>
    %mul3A_591 = arith.mulf %mul3A_590, %add3A_583 : vector<64x1024xf32>
    %select_n3A_592 = arith.select %ge3A_589, %add3A_583, %mul3A_591 : vector<64x1024xi1>, vector<64x1024xf32>
    %get3A_593 = arith.constant 4096 : index
    %get3A_594 = arith.constant 0 : index
    %get3A_595 = vector.load %arg0[%get3A_593, %get3A_594] : memref<6144x128xf32, #tpu.memory_space<vmem>>, vector<2048x64xf32>
    %get3A_596 = arith.constant 4096 : index
    %get3A_597 = arith.constant 0 : index
    %get3A_598 = vector.load %arg1[%get3A_596, %get3A_597] : memref<6144x128xf32, #tpu.memory_space<vmem>>, vector<2048x64xf32>
    %concatenate3A_599 = tpu.concatenate %get3A_595, %get3A_598 in 1 : vector<2048x64xf32>, vector<2048x64xf32> -> vector<2048x128xf32>
    %broadcast_in_dim3A_600 = arith.constant 0.000000e+00 : f32
    %broadcast_in_dim3A_601 = vector.broadcast %broadcast_in_dim3A_600 : f32 to vector<64x256xf32>
    %broadcast_in_dim3A_602 = arith.constant 0.000000e+00 : f32
    %broadcast_in_dim3A_603 = vector.broadcast %broadcast_in_dim3A_602 : f32 to vector<64x128xf32>
    %broadcast_in_dim3A_604 = arith.constant 0.000000e+00 : f32
    %broadcast_in_dim3A_605 = vector.broadcast %broadcast_in_dim3A_604 : f32 to vector<64x128xf32>
    %get3A_606 = arith.constant 0 : index
    %get3A_607 = arith.constant 0 : index
    %get3A_608 = vector.load %arg5[%get3A_606, %get3A_607] : memref<512x256xf32, #tpu.memory_space<vmem>>, vector<512x256xf32>
    %dot_general3A_609 = arith.constant dense<0.000000e+00> : vector<64x512xf32>
    %dot_general3A_610 = tpu.matmul %broadcast_in_dim3A_601, %get3A_608, %dot_general3A_609 {dimension_numbers = #tpu.dot_dimension_numbers<[1], [1], [0], [0], [0, 0, 1, 0], [], []>, transpose_lhs_hint = false} : vector<64x256xf32>, vector<512x256xf32>, vector<64x512xf32> -> vector<64x512xf32>
    %get3A_611 = arith.constant 0 : index
    %get3A_612 = arith.constant 0 : index
    %get3A_613 = vector.load %arg7[%get3A_611, %get3A_612] : memref<1x512xf32, #tpu.memory_space<vmem>>, vector<1x512xf32>
    %add3A_614 = vector.broadcast %get3A_613 : vector<1x512xf32> to vector<64x512xf32>
    %add3A_615 = arith.addf %dot_general3A_610, %add3A_614 : vector<64x512xf32>
    %get3A_616 = arith.constant 0 : index
    %get3A_617 = arith.constant 0 : index
    %get3A_618 = vector.load %arg6[%get3A_616, %get3A_617] : memref<512x128xf32, #tpu.memory_space<vmem>>, vector<512x128xf32>
    %dot_general3A_619 = arith.constant dense<0.000000e+00> : vector<64x512xf32>
    %dot_general3A_620 = tpu.matmul %broadcast_in_dim3A_603, %get3A_618, %dot_general3A_619 {dimension_numbers = #tpu.dot_dimension_numbers<[1], [1], [0], [0], [0, 0, 1, 0], [], []>, transpose_lhs_hint = false} : vector<64x128xf32>, vector<512x128xf32>, vector<64x512xf32> -> vector<64x512xf32>
    %add3A_621 = arith.addf %add3A_615, %dot_general3A_620 : vector<64x512xf32>
    %get3A_622 = arith.constant 0 : index
    %get3A_623 = arith.constant 0 : index
    %get3A_624 = vector.load %arg8[%get3A_622, %get3A_623] : memref<1x512xf32, #tpu.memory_space<vmem>>, vector<1x512xf32>
    %add3A_625 = vector.broadcast %get3A_624 : vector<1x512xf32> to vector<64x512xf32>
    %add3A_626 = arith.addf %add3A_621, %add3A_625 : vector<64x512xf32>
    %slice3A_627 = vector.extract_strided_slice %add3A_626 {offsets = [0, 0], sizes = [64, 128], strides = [1, 1]} : vector<64x512xf32> to vector<64x128xf32>
    %slice3A_628 = vector.extract_strided_slice %add3A_626 {offsets = [0, 128], sizes = [64, 128], strides = [1, 1]} : vector<64x512xf32> to vector<64x128xf32>
    %slice3A_629 = vector.extract_strided_slice %add3A_626 {offsets = [0, 256], sizes = [64, 128], strides = [1, 1]} : vector<64x512xf32> to vector<64x128xf32>
    %slice3A_630 = vector.extract_strided_slice %add3A_626 {offsets = [0, 384], sizes = [64, 128], strides = [1, 1]} : vector<64x512xf32> to vector<64x128xf32>
    %logistic3A_631 = arith.negf %slice3A_628 : vector<64x128xf32>
    %logistic3A_632 = math.exp %logistic3A_631 : vector<64x128xf32>
    %logistic3A_633 = arith.constant 1.000000e+00 : f32
    %logistic3A_634 = vector.broadcast %logistic3A_633 : f32 to vector<64x128xf32>
    %logistic3A_635 = arith.addf %logistic3A_634, %logistic3A_632 : vector<64x128xf32>
    %logistic3A_636 = arith.divf %logistic3A_634, %logistic3A_635 : vector<64x128xf32>
    %mul3A_637 = arith.mulf %logistic3A_636, %broadcast_in_dim3A_605 : vector<64x128xf32>
    %logistic3A_638 = arith.negf %slice3A_627 : vector<64x128xf32>
    %logistic3A_639 = math.exp %logistic3A_638 : vector<64x128xf32>
    %logistic3A_640 = arith.constant 1.000000e+00 : f32
    %logistic3A_641 = vector.broadcast %logistic3A_640 : f32 to vector<64x128xf32>
    %logistic3A_642 = arith.addf %logistic3A_641, %logistic3A_639 : vector<64x128xf32>
    %logistic3A_643 = arith.divf %logistic3A_641, %logistic3A_642 : vector<64x128xf32>
    %tanh3A_644 = math.tanh %slice3A_629 : vector<64x128xf32>
    %mul3A_645 = arith.mulf %logistic3A_643, %tanh3A_644 : vector<64x128xf32>
    %add3A_646 = arith.addf %mul3A_637, %mul3A_645 : vector<64x128xf32>
    %logistic3A_647 = arith.negf %slice3A_630 : vector<64x128xf32>
    %logistic3A_648 = math.exp %logistic3A_647 : vector<64x128xf32>
    %logistic3A_649 = arith.constant 1.000000e+00 : f32
    %logistic3A_650 = vector.broadcast %logistic3A_649 : f32 to vector<64x128xf32>
    %logistic3A_651 = arith.addf %logistic3A_650, %logistic3A_648 : vector<64x128xf32>
    %logistic3A_652 = arith.divf %logistic3A_650, %logistic3A_651 : vector<64x128xf32>
    %tanh3A_653 = math.tanh %add3A_646 : vector<64x128xf32>
    %mul3A_654 = arith.mulf %logistic3A_652, %tanh3A_653 : vector<64x128xf32>
    %dot_general3A_655 = arith.constant dense<0.000000e+00> : vector<2048x128xf32>
    %dot_general3A_656 = tpu.matmul %convert_element_type3A_3, %mul3A_654, %dot_general3A_655 {dimension_numbers = #tpu.dot_dimension_numbers<[1], [0], [0], [1], [0, 0, 1, 1], [], []>, transpose_lhs_hint = false} : vector<2048x64xf32>, vector<64x128xf32>, vector<2048x128xf32> -> vector<2048x128xf32>
    %mul3A_657 = arith.mulf %concatenate3A_599, %dot_general3A_656 : vector<2048x128xf32>
    %reduce_sum3A_658 = arith.constant dense<0.000000e+00> : vector<2048xf32>
    %reduce_sum3A_659 = vector.multi_reduction <add>, %mul3A_657, %reduce_sum3A_658 [1] : vector<2048x128xf32> to vector<2048xf32>
    %broadcast_in_dim3A_660 = vector.shape_cast %reduce_sum3A_659 : vector<2048xf32> to vector<2048x1xf32>
    %gt3A_661 = arith.constant 0.000000e+00 : f32
    %gt3A_662 = vector.broadcast %gt3A_661 : f32 to vector<2048x64xf32>
    %gt3A_663 = arith.cmpf ogt, %convert_element_type3A_3, %gt3A_662 : vector<2048x64xf32>
    %jit3A_664 = arith.constant -1.000000e+30 : f32
    %broadcast_in_dim3A_665 = vector.shape_cast %broadcast_in_dim3A_660 : vector<2048x1xf32> to vector<2048x1xf32>
    %broadcast_in_dim3A_666 = vector.broadcast %broadcast_in_dim3A_665 : vector<2048x1xf32> to vector<2048x64xf32>
    %broadcast_in_dim3A_667 = vector.broadcast %jit3A_664 : f32 to vector<2048x64xf32>
    %select_n3A_668 = arith.select %gt3A_663, %broadcast_in_dim3A_666, %broadcast_in_dim3A_667 : vector<2048x64xi1>, vector<2048x64xf32>
    %reduce_max3A_669 = arith.constant dense<0xFF800000> : vector<64xf32>
    %reduce_max3A_670 = vector.multi_reduction <maximumf>, %select_n3A_668, %reduce_max3A_669 [0] : vector<2048x64xf32> to vector<64xf32>
    %broadcast_in_dim3A_671 = vector.shape_cast %reduce_max3A_670 : vector<64xf32> to vector<1x64xf32>
    %mul3A_672 = vector.broadcast %broadcast_in_dim3A_671 : vector<1x64xf32> to vector<2048x64xf32>
    %mul3A_673 = arith.mulf %convert_element_type3A_3, %mul3A_672 : vector<2048x64xf32>
    %reduce_sum3A_674 = arith.constant dense<0.000000e+00> : vector<2048xf32>
    %reduce_sum3A_675 = vector.multi_reduction <add>, %mul3A_673, %reduce_sum3A_674 [1] : vector<2048x64xf32> to vector<2048xf32>
    %broadcast_in_dim3A_676 = vector.shape_cast %reduce_sum3A_675 : vector<2048xf32> to vector<2048x1xf32>
    %sub3A_677 = arith.subf %broadcast_in_dim3A_660, %broadcast_in_dim3A_676 : vector<2048x1xf32>
    %exp3A_678 = math.exp %sub3A_677 : vector<2048x1xf32>
    %mul3A_679 = vector.broadcast %exp3A_678 : vector<2048x1xf32> to vector<2048x64xf32>
    %mul3A_680 = arith.mulf %convert_element_type3A_3, %mul3A_679 : vector<2048x64xf32>
    %reduce_sum3A_681 = arith.constant dense<0.000000e+00> : vector<64xf32>
    %reduce_sum3A_682 = vector.multi_reduction <add>, %mul3A_680, %reduce_sum3A_681 [0] : vector<2048x64xf32> to vector<64xf32>
    %broadcast_in_dim3A_683 = vector.shape_cast %reduce_sum3A_682 : vector<64xf32> to vector<1x64xf32>
    %mul3A_684 = vector.broadcast %broadcast_in_dim3A_683 : vector<1x64xf32> to vector<2048x64xf32>
    %mul3A_685 = arith.mulf %convert_element_type3A_3, %mul3A_684 : vector<2048x64xf32>
    %reduce_sum3A_686 = arith.constant dense<0.000000e+00> : vector<2048xf32>
    %reduce_sum3A_687 = vector.multi_reduction <add>, %mul3A_685, %reduce_sum3A_686 [1] : vector<2048x64xf32> to vector<2048xf32>
    %broadcast_in_dim3A_688 = vector.shape_cast %reduce_sum3A_687 : vector<2048xf32> to vector<2048x1xf32>
    %div3A_689 = arith.divf %exp3A_678, %broadcast_in_dim3A_688 : vector<2048x1xf32>
    %mul3A_690 = vector.broadcast %div3A_689 : vector<2048x1xf32> to vector<2048x128xf32>
    %mul3A_691 = arith.mulf %mul3A_690, %concatenate3A_599 : vector<2048x128xf32>
    %dot_general3A_692 = arith.constant dense<0.000000e+00> : vector<64x128xf32>
    %dot_general3A_693 = tpu.matmul %convert_element_type3A_11, %mul3A_691, %dot_general3A_692 {dimension_numbers = #tpu.dot_dimension_numbers<[1], [0], [0], [1], [0, 0, 1, 1], [], []>, transpose_lhs_hint = false} : vector<64x2048xf32>, vector<2048x128xf32>, vector<64x128xf32> -> vector<64x128xf32>
    %concatenate3A_694 = tpu.concatenate %mul3A_654, %dot_general3A_693 in 1 : vector<64x128xf32>, vector<64x128xf32> -> vector<64x256xf32>
    %get3A_695 = arith.constant 0 : index
    %get3A_696 = arith.constant 0 : index
    %get3A_697 = vector.load %arg5[%get3A_695, %get3A_696] : memref<512x256xf32, #tpu.memory_space<vmem>>, vector<512x256xf32>
    %dot_general3A_698 = arith.constant dense<0.000000e+00> : vector<64x512xf32>
    %dot_general3A_699 = tpu.matmul %concatenate3A_694, %get3A_697, %dot_general3A_698 {dimension_numbers = #tpu.dot_dimension_numbers<[1], [1], [0], [0], [0, 0, 1, 0], [], []>, transpose_lhs_hint = false} : vector<64x256xf32>, vector<512x256xf32>, vector<64x512xf32> -> vector<64x512xf32>
    %get3A_700 = arith.constant 0 : index
    %get3A_701 = arith.constant 0 : index
    %get3A_702 = vector.load %arg7[%get3A_700, %get3A_701] : memref<1x512xf32, #tpu.memory_space<vmem>>, vector<1x512xf32>
    %add3A_703 = vector.broadcast %get3A_702 : vector<1x512xf32> to vector<64x512xf32>
    %add3A_704 = arith.addf %dot_general3A_699, %add3A_703 : vector<64x512xf32>
    %get3A_705 = arith.constant 0 : index
    %get3A_706 = arith.constant 0 : index
    %get3A_707 = vector.load %arg6[%get3A_705, %get3A_706] : memref<512x128xf32, #tpu.memory_space<vmem>>, vector<512x128xf32>
    %dot_general3A_708 = arith.constant dense<0.000000e+00> : vector<64x512xf32>
    %dot_general3A_709 = tpu.matmul %mul3A_654, %get3A_707, %dot_general3A_708 {dimension_numbers = #tpu.dot_dimension_numbers<[1], [1], [0], [0], [0, 0, 1, 0], [], []>, transpose_lhs_hint = false} : vector<64x128xf32>, vector<512x128xf32>, vector<64x512xf32> -> vector<64x512xf32>
    %add3A_710 = arith.addf %add3A_704, %dot_general3A_709 : vector<64x512xf32>
    %get3A_711 = arith.constant 0 : index
    %get3A_712 = arith.constant 0 : index
    %get3A_713 = vector.load %arg8[%get3A_711, %get3A_712] : memref<1x512xf32, #tpu.memory_space<vmem>>, vector<1x512xf32>
    %add3A_714 = vector.broadcast %get3A_713 : vector<1x512xf32> to vector<64x512xf32>
    %add3A_715 = arith.addf %add3A_710, %add3A_714 : vector<64x512xf32>
    %slice3A_716 = vector.extract_strided_slice %add3A_715 {offsets = [0, 0], sizes = [64, 128], strides = [1, 1]} : vector<64x512xf32> to vector<64x128xf32>
    %slice3A_717 = vector.extract_strided_slice %add3A_715 {offsets = [0, 128], sizes = [64, 128], strides = [1, 1]} : vector<64x512xf32> to vector<64x128xf32>
    %slice3A_718 = vector.extract_strided_slice %add3A_715 {offsets = [0, 256], sizes = [64, 128], strides = [1, 1]} : vector<64x512xf32> to vector<64x128xf32>
    %slice3A_719 = vector.extract_strided_slice %add3A_715 {offsets = [0, 384], sizes = [64, 128], strides = [1, 1]} : vector<64x512xf32> to vector<64x128xf32>
    %logistic3A_720 = arith.negf %slice3A_717 : vector<64x128xf32>
    %logistic3A_721 = math.exp %logistic3A_720 : vector<64x128xf32>
    %logistic3A_722 = arith.constant 1.000000e+00 : f32
    %logistic3A_723 = vector.broadcast %logistic3A_722 : f32 to vector<64x128xf32>
    %logistic3A_724 = arith.addf %logistic3A_723, %logistic3A_721 : vector<64x128xf32>
    %logistic3A_725 = arith.divf %logistic3A_723, %logistic3A_724 : vector<64x128xf32>
    %mul3A_726 = arith.mulf %logistic3A_725, %add3A_646 : vector<64x128xf32>
    %logistic3A_727 = arith.negf %slice3A_716 : vector<64x128xf32>
    %logistic3A_728 = math.exp %logistic3A_727 : vector<64x128xf32>
    %logistic3A_729 = arith.constant 1.000000e+00 : f32
    %logistic3A_730 = vector.broadcast %logistic3A_729 : f32 to vector<64x128xf32>
    %logistic3A_731 = arith.addf %logistic3A_730, %logistic3A_728 : vector<64x128xf32>
    %logistic3A_732 = arith.divf %logistic3A_730, %logistic3A_731 : vector<64x128xf32>
    %tanh3A_733 = math.tanh %slice3A_718 : vector<64x128xf32>
    %mul3A_734 = arith.mulf %logistic3A_732, %tanh3A_733 : vector<64x128xf32>
    %add3A_735 = arith.addf %mul3A_726, %mul3A_734 : vector<64x128xf32>
    %logistic3A_736 = arith.negf %slice3A_719 : vector<64x128xf32>
    %logistic3A_737 = math.exp %logistic3A_736 : vector<64x128xf32>
    %logistic3A_738 = arith.constant 1.000000e+00 : f32
    %logistic3A_739 = vector.broadcast %logistic3A_738 : f32 to vector<64x128xf32>
    %logistic3A_740 = arith.addf %logistic3A_739, %logistic3A_737 : vector<64x128xf32>
    %logistic3A_741 = arith.divf %logistic3A_739, %logistic3A_740 : vector<64x128xf32>
    %tanh3A_742 = math.tanh %add3A_735 : vector<64x128xf32>
    %mul3A_743 = arith.mulf %logistic3A_741, %tanh3A_742 : vector<64x128xf32>
    %dot_general3A_744 = arith.constant dense<0.000000e+00> : vector<2048x128xf32>
    %dot_general3A_745 = tpu.matmul %convert_element_type3A_3, %mul3A_743, %dot_general3A_744 {dimension_numbers = #tpu.dot_dimension_numbers<[1], [0], [0], [1], [0, 0, 1, 1], [], []>, transpose_lhs_hint = false} : vector<2048x64xf32>, vector<64x128xf32>, vector<2048x128xf32> -> vector<2048x128xf32>
    %mul3A_746 = arith.mulf %concatenate3A_599, %dot_general3A_745 : vector<2048x128xf32>
    %reduce_sum3A_747 = arith.constant dense<0.000000e+00> : vector<2048xf32>
    %reduce_sum3A_748 = vector.multi_reduction <add>, %mul3A_746, %reduce_sum3A_747 [1] : vector<2048x128xf32> to vector<2048xf32>
    %broadcast_in_dim3A_749 = vector.shape_cast %reduce_sum3A_748 : vector<2048xf32> to vector<2048x1xf32>
    %gt3A_750 = arith.constant 0.000000e+00 : f32
    %gt3A_751 = vector.broadcast %gt3A_750 : f32 to vector<2048x64xf32>
    %gt3A_752 = arith.cmpf ogt, %convert_element_type3A_3, %gt3A_751 : vector<2048x64xf32>
    %jit3A_753 = arith.constant -1.000000e+30 : f32
    %broadcast_in_dim3A_754 = vector.shape_cast %broadcast_in_dim3A_749 : vector<2048x1xf32> to vector<2048x1xf32>
    %broadcast_in_dim3A_755 = vector.broadcast %broadcast_in_dim3A_754 : vector<2048x1xf32> to vector<2048x64xf32>
    %broadcast_in_dim3A_756 = vector.broadcast %jit3A_753 : f32 to vector<2048x64xf32>
    %select_n3A_757 = arith.select %gt3A_752, %broadcast_in_dim3A_755, %broadcast_in_dim3A_756 : vector<2048x64xi1>, vector<2048x64xf32>
    %reduce_max3A_758 = arith.constant dense<0xFF800000> : vector<64xf32>
    %reduce_max3A_759 = vector.multi_reduction <maximumf>, %select_n3A_757, %reduce_max3A_758 [0] : vector<2048x64xf32> to vector<64xf32>
    %broadcast_in_dim3A_760 = vector.shape_cast %reduce_max3A_759 : vector<64xf32> to vector<1x64xf32>
    %mul3A_761 = vector.broadcast %broadcast_in_dim3A_760 : vector<1x64xf32> to vector<2048x64xf32>
    %mul3A_762 = arith.mulf %convert_element_type3A_3, %mul3A_761 : vector<2048x64xf32>
    %reduce_sum3A_763 = arith.constant dense<0.000000e+00> : vector<2048xf32>
    %reduce_sum3A_764 = vector.multi_reduction <add>, %mul3A_762, %reduce_sum3A_763 [1] : vector<2048x64xf32> to vector<2048xf32>
    %broadcast_in_dim3A_765 = vector.shape_cast %reduce_sum3A_764 : vector<2048xf32> to vector<2048x1xf32>
    %sub3A_766 = arith.subf %broadcast_in_dim3A_749, %broadcast_in_dim3A_765 : vector<2048x1xf32>
    %exp3A_767 = math.exp %sub3A_766 : vector<2048x1xf32>
    %mul3A_768 = vector.broadcast %exp3A_767 : vector<2048x1xf32> to vector<2048x64xf32>
    %mul3A_769 = arith.mulf %convert_element_type3A_3, %mul3A_768 : vector<2048x64xf32>
    %reduce_sum3A_770 = arith.constant dense<0.000000e+00> : vector<64xf32>
    %reduce_sum3A_771 = vector.multi_reduction <add>, %mul3A_769, %reduce_sum3A_770 [0] : vector<2048x64xf32> to vector<64xf32>
    %broadcast_in_dim3A_772 = vector.shape_cast %reduce_sum3A_771 : vector<64xf32> to vector<1x64xf32>
    %mul3A_773 = vector.broadcast %broadcast_in_dim3A_772 : vector<1x64xf32> to vector<2048x64xf32>
    %mul3A_774 = arith.mulf %convert_element_type3A_3, %mul3A_773 : vector<2048x64xf32>
    %reduce_sum3A_775 = arith.constant dense<0.000000e+00> : vector<2048xf32>
    %reduce_sum3A_776 = vector.multi_reduction <add>, %mul3A_774, %reduce_sum3A_775 [1] : vector<2048x64xf32> to vector<2048xf32>
    %broadcast_in_dim3A_777 = vector.shape_cast %reduce_sum3A_776 : vector<2048xf32> to vector<2048x1xf32>
    %div3A_778 = arith.divf %exp3A_767, %broadcast_in_dim3A_777 : vector<2048x1xf32>
    %mul3A_779 = vector.broadcast %div3A_778 : vector<2048x1xf32> to vector<2048x128xf32>
    %mul3A_780 = arith.mulf %mul3A_779, %concatenate3A_599 : vector<2048x128xf32>
    %dot_general3A_781 = arith.constant dense<0.000000e+00> : vector<64x128xf32>
    %dot_general3A_782 = tpu.matmul %convert_element_type3A_11, %mul3A_780, %dot_general3A_781 {dimension_numbers = #tpu.dot_dimension_numbers<[1], [0], [0], [1], [0, 0, 1, 1], [], []>, transpose_lhs_hint = false} : vector<64x2048xf32>, vector<2048x128xf32>, vector<64x128xf32> -> vector<64x128xf32>
    %concatenate3A_783 = tpu.concatenate %mul3A_743, %dot_general3A_782 in 1 : vector<64x128xf32>, vector<64x128xf32> -> vector<64x256xf32>
    %get3A_784 = arith.constant 0 : index
    %get3A_785 = arith.constant 0 : index
    %get3A_786 = vector.load %arg5[%get3A_784, %get3A_785] : memref<512x256xf32, #tpu.memory_space<vmem>>, vector<512x256xf32>
    %dot_general3A_787 = arith.constant dense<0.000000e+00> : vector<64x512xf32>
    %dot_general3A_788 = tpu.matmul %concatenate3A_783, %get3A_786, %dot_general3A_787 {dimension_numbers = #tpu.dot_dimension_numbers<[1], [1], [0], [0], [0, 0, 1, 0], [], []>, transpose_lhs_hint = false} : vector<64x256xf32>, vector<512x256xf32>, vector<64x512xf32> -> vector<64x512xf32>
    %get3A_789 = arith.constant 0 : index
    %get3A_790 = arith.constant 0 : index
    %get3A_791 = vector.load %arg7[%get3A_789, %get3A_790] : memref<1x512xf32, #tpu.memory_space<vmem>>, vector<1x512xf32>
    %add3A_792 = vector.broadcast %get3A_791 : vector<1x512xf32> to vector<64x512xf32>
    %add3A_793 = arith.addf %dot_general3A_788, %add3A_792 : vector<64x512xf32>
    %get3A_794 = arith.constant 0 : index
    %get3A_795 = arith.constant 0 : index
    %get3A_796 = vector.load %arg6[%get3A_794, %get3A_795] : memref<512x128xf32, #tpu.memory_space<vmem>>, vector<512x128xf32>
    %dot_general3A_797 = arith.constant dense<0.000000e+00> : vector<64x512xf32>
    %dot_general3A_798 = tpu.matmul %mul3A_743, %get3A_796, %dot_general3A_797 {dimension_numbers = #tpu.dot_dimension_numbers<[1], [1], [0], [0], [0, 0, 1, 0], [], []>, transpose_lhs_hint = false} : vector<64x128xf32>, vector<512x128xf32>, vector<64x512xf32> -> vector<64x512xf32>
    %add3A_799 = arith.addf %add3A_793, %dot_general3A_798 : vector<64x512xf32>
    %get3A_800 = arith.constant 0 : index
    %get3A_801 = arith.constant 0 : index
    %get3A_802 = vector.load %arg8[%get3A_800, %get3A_801] : memref<1x512xf32, #tpu.memory_space<vmem>>, vector<1x512xf32>
    %add3A_803 = vector.broadcast %get3A_802 : vector<1x512xf32> to vector<64x512xf32>
    %add3A_804 = arith.addf %add3A_799, %add3A_803 : vector<64x512xf32>
    %slice3A_805 = vector.extract_strided_slice %add3A_804 {offsets = [0, 0], sizes = [64, 128], strides = [1, 1]} : vector<64x512xf32> to vector<64x128xf32>
    %slice3A_806 = vector.extract_strided_slice %add3A_804 {offsets = [0, 128], sizes = [64, 128], strides = [1, 1]} : vector<64x512xf32> to vector<64x128xf32>
    %slice3A_807 = vector.extract_strided_slice %add3A_804 {offsets = [0, 256], sizes = [64, 128], strides = [1, 1]} : vector<64x512xf32> to vector<64x128xf32>
    %slice3A_808 = vector.extract_strided_slice %add3A_804 {offsets = [0, 384], sizes = [64, 128], strides = [1, 1]} : vector<64x512xf32> to vector<64x128xf32>
    %logistic3A_809 = arith.negf %slice3A_806 : vector<64x128xf32>
    %logistic3A_810 = math.exp %logistic3A_809 : vector<64x128xf32>
    %logistic3A_811 = arith.constant 1.000000e+00 : f32
    %logistic3A_812 = vector.broadcast %logistic3A_811 : f32 to vector<64x128xf32>
    %logistic3A_813 = arith.addf %logistic3A_812, %logistic3A_810 : vector<64x128xf32>
    %logistic3A_814 = arith.divf %logistic3A_812, %logistic3A_813 : vector<64x128xf32>
    %mul3A_815 = arith.mulf %logistic3A_814, %add3A_735 : vector<64x128xf32>
    %logistic3A_816 = arith.negf %slice3A_805 : vector<64x128xf32>
    %logistic3A_817 = math.exp %logistic3A_816 : vector<64x128xf32>
    %logistic3A_818 = arith.constant 1.000000e+00 : f32
    %logistic3A_819 = vector.broadcast %logistic3A_818 : f32 to vector<64x128xf32>
    %logistic3A_820 = arith.addf %logistic3A_819, %logistic3A_817 : vector<64x128xf32>
    %logistic3A_821 = arith.divf %logistic3A_819, %logistic3A_820 : vector<64x128xf32>
    %tanh3A_822 = math.tanh %slice3A_807 : vector<64x128xf32>
    %mul3A_823 = arith.mulf %logistic3A_821, %tanh3A_822 : vector<64x128xf32>
    %add3A_824 = arith.addf %mul3A_815, %mul3A_823 : vector<64x128xf32>
    %logistic3A_825 = arith.negf %slice3A_808 : vector<64x128xf32>
    %logistic3A_826 = math.exp %logistic3A_825 : vector<64x128xf32>
    %logistic3A_827 = arith.constant 1.000000e+00 : f32
    %logistic3A_828 = vector.broadcast %logistic3A_827 : f32 to vector<64x128xf32>
    %logistic3A_829 = arith.addf %logistic3A_828, %logistic3A_826 : vector<64x128xf32>
    %logistic3A_830 = arith.divf %logistic3A_828, %logistic3A_829 : vector<64x128xf32>
    %tanh3A_831 = math.tanh %add3A_824 : vector<64x128xf32>
    %mul3A_832 = arith.mulf %logistic3A_830, %tanh3A_831 : vector<64x128xf32>
    %dot_general3A_833 = arith.constant dense<0.000000e+00> : vector<2048x128xf32>
    %dot_general3A_834 = tpu.matmul %convert_element_type3A_3, %mul3A_832, %dot_general3A_833 {dimension_numbers = #tpu.dot_dimension_numbers<[1], [0], [0], [1], [0, 0, 1, 1], [], []>, transpose_lhs_hint = false} : vector<2048x64xf32>, vector<64x128xf32>, vector<2048x128xf32> -> vector<2048x128xf32>
    %mul3A_835 = arith.mulf %concatenate3A_599, %dot_general3A_834 : vector<2048x128xf32>
    %reduce_sum3A_836 = arith.constant dense<0.000000e+00> : vector<2048xf32>
    %reduce_sum3A_837 = vector.multi_reduction <add>, %mul3A_835, %reduce_sum3A_836 [1] : vector<2048x128xf32> to vector<2048xf32>
    %broadcast_in_dim3A_838 = vector.shape_cast %reduce_sum3A_837 : vector<2048xf32> to vector<2048x1xf32>
    %gt3A_839 = arith.constant 0.000000e+00 : f32
    %gt3A_840 = vector.broadcast %gt3A_839 : f32 to vector<2048x64xf32>
    %gt3A_841 = arith.cmpf ogt, %convert_element_type3A_3, %gt3A_840 : vector<2048x64xf32>
    %jit3A_842 = arith.constant -1.000000e+30 : f32
    %broadcast_in_dim3A_843 = vector.shape_cast %broadcast_in_dim3A_838 : vector<2048x1xf32> to vector<2048x1xf32>
    %broadcast_in_dim3A_844 = vector.broadcast %broadcast_in_dim3A_843 : vector<2048x1xf32> to vector<2048x64xf32>
    %broadcast_in_dim3A_845 = vector.broadcast %jit3A_842 : f32 to vector<2048x64xf32>
    %select_n3A_846 = arith.select %gt3A_841, %broadcast_in_dim3A_844, %broadcast_in_dim3A_845 : vector<2048x64xi1>, vector<2048x64xf32>
    %reduce_max3A_847 = arith.constant dense<0xFF800000> : vector<64xf32>
    %reduce_max3A_848 = vector.multi_reduction <maximumf>, %select_n3A_846, %reduce_max3A_847 [0] : vector<2048x64xf32> to vector<64xf32>
    %broadcast_in_dim3A_849 = vector.shape_cast %reduce_max3A_848 : vector<64xf32> to vector<1x64xf32>
    %mul3A_850 = vector.broadcast %broadcast_in_dim3A_849 : vector<1x64xf32> to vector<2048x64xf32>
    %mul3A_851 = arith.mulf %convert_element_type3A_3, %mul3A_850 : vector<2048x64xf32>
    %reduce_sum3A_852 = arith.constant dense<0.000000e+00> : vector<2048xf32>
    %reduce_sum3A_853 = vector.multi_reduction <add>, %mul3A_851, %reduce_sum3A_852 [1] : vector<2048x64xf32> to vector<2048xf32>
    %broadcast_in_dim3A_854 = vector.shape_cast %reduce_sum3A_853 : vector<2048xf32> to vector<2048x1xf32>
    %sub3A_855 = arith.subf %broadcast_in_dim3A_838, %broadcast_in_dim3A_854 : vector<2048x1xf32>
    %exp3A_856 = math.exp %sub3A_855 : vector<2048x1xf32>
    %mul3A_857 = vector.broadcast %exp3A_856 : vector<2048x1xf32> to vector<2048x64xf32>
    %mul3A_858 = arith.mulf %convert_element_type3A_3, %mul3A_857 : vector<2048x64xf32>
    %reduce_sum3A_859 = arith.constant dense<0.000000e+00> : vector<64xf32>
    %reduce_sum3A_860 = vector.multi_reduction <add>, %mul3A_858, %reduce_sum3A_859 [0] : vector<2048x64xf32> to vector<64xf32>
    %broadcast_in_dim3A_861 = vector.shape_cast %reduce_sum3A_860 : vector<64xf32> to vector<1x64xf32>
    %mul3A_862 = vector.broadcast %broadcast_in_dim3A_861 : vector<1x64xf32> to vector<2048x64xf32>
    %mul3A_863 = arith.mulf %convert_element_type3A_3, %mul3A_862 : vector<2048x64xf32>
    %reduce_sum3A_864 = arith.constant dense<0.000000e+00> : vector<2048xf32>
    %reduce_sum3A_865 = vector.multi_reduction <add>, %mul3A_863, %reduce_sum3A_864 [1] : vector<2048x64xf32> to vector<2048xf32>
    %broadcast_in_dim3A_866 = vector.shape_cast %reduce_sum3A_865 : vector<2048xf32> to vector<2048x1xf32>
    %div3A_867 = arith.divf %exp3A_856, %broadcast_in_dim3A_866 : vector<2048x1xf32>
    %mul3A_868 = vector.broadcast %div3A_867 : vector<2048x1xf32> to vector<2048x128xf32>
    %mul3A_869 = arith.mulf %mul3A_868, %concatenate3A_599 : vector<2048x128xf32>
    %dot_general3A_870 = arith.constant dense<0.000000e+00> : vector<64x128xf32>
    %dot_general3A_871 = tpu.matmul %convert_element_type3A_11, %mul3A_869, %dot_general3A_870 {dimension_numbers = #tpu.dot_dimension_numbers<[1], [0], [0], [1], [0, 0, 1, 1], [], []>, transpose_lhs_hint = false} : vector<64x2048xf32>, vector<2048x128xf32>, vector<64x128xf32> -> vector<64x128xf32>
    %concatenate3A_872 = tpu.concatenate %mul3A_832, %dot_general3A_871 in 1 : vector<64x128xf32>, vector<64x128xf32> -> vector<64x256xf32>
    %get3A_873 = arith.constant 0 : index
    %get3A_874 = arith.constant 0 : index
    %get3A_875 = vector.load %arg9[%get3A_873, %get3A_874] : memref<256x1024xf32, #tpu.memory_space<vmem>>, vector<256x1024xf32>
    %dot_general3A_876 = arith.constant dense<0.000000e+00> : vector<64x1024xf32>
    %dot_general3A_877 = tpu.matmul %concatenate3A_872, %get3A_875, %dot_general3A_876 {dimension_numbers = #tpu.dot_dimension_numbers<[1], [0], [0], [1], [0, 0, 1, 1], [], []>, transpose_lhs_hint = false} : vector<64x256xf32>, vector<256x1024xf32>, vector<64x1024xf32> -> vector<64x1024xf32>
    %get3A_878 = arith.constant 0 : index
    %get3A_879 = arith.constant 0 : index
    %get3A_880 = vector.load %arg10[%get3A_878, %get3A_879] : memref<1x1024xf32, #tpu.memory_space<vmem>>, vector<1x1024xf32>
    %add3A_881 = vector.broadcast %get3A_880 : vector<1x1024xf32> to vector<64x1024xf32>
    %add3A_882 = arith.addf %dot_general3A_877, %add3A_881 : vector<64x1024xf32>
    %get3A_883 = arith.constant 0 : index
    %get3A_884 = arith.constant 0 : index
    %get3A_885 = vector.load %arg11[%get3A_883, %get3A_884] : memref<1x1xf32, #tpu.memory_space<vmem>>, vector<1x1xf32>
    %ge3A_886 = arith.constant 0.000000e+00 : f32
    %ge3A_887 = vector.broadcast %ge3A_886 : f32 to vector<64x1024xf32>
    %ge3A_888 = arith.cmpf oge, %add3A_882, %ge3A_887 : vector<64x1024xf32>
    %mul3A_889 = vector.broadcast %get3A_885 : vector<1x1xf32> to vector<64x1024xf32>
    %mul3A_890 = arith.mulf %mul3A_889, %add3A_882 : vector<64x1024xf32>
    %select_n3A_891 = arith.select %ge3A_888, %add3A_882, %mul3A_890 : vector<64x1024xi1>, vector<64x1024xf32>
    %add3A_892 = arith.addf %select_n3A_293, %select_n3A_592 : vector<64x1024xf32>
    %mul3A_893 = arith.constant 5.000000e-01 : f32
    %mul3A_894 = vector.broadcast %mul3A_893 : f32 to vector<64x1024xf32>
    %mul3A_895 = arith.mulf %mul3A_894, %add3A_892 : vector<64x1024xf32>
    %concatenate3A_896 = tpu.concatenate %mul3A_895, %select_n3A_891 in 1 : vector<64x1024xf32>, vector<64x1024xf32> -> vector<64x2048xf32>
    %get3A_897 = arith.constant 0 : index
    %get3A_898 = arith.constant 0 : index
    %get3A_899 = vector.load %arg12[%get3A_897, %get3A_898] : memref<2048x1024xf32, #tpu.memory_space<vmem>>, vector<2048x1024xf32>
    %dot_general3A_900 = arith.constant dense<0.000000e+00> : vector<64x1024xf32>
    %dot_general3A_901 = tpu.matmul %concatenate3A_896, %get3A_899, %dot_general3A_900 {dimension_numbers = #tpu.dot_dimension_numbers<[1], [0], [0], [1], [0, 0, 1, 1], [], []>, transpose_lhs_hint = false} : vector<64x2048xf32>, vector<2048x1024xf32>, vector<64x1024xf32> -> vector<64x1024xf32>
    %get3A_902 = arith.constant 0 : index
    %get3A_903 = arith.constant 0 : index
    %get3A_904 = vector.load %arg13[%get3A_902, %get3A_903] : memref<1x1024xf32, #tpu.memory_space<vmem>>, vector<1x1024xf32>
    %add3A_905 = vector.broadcast %get3A_904 : vector<1x1024xf32> to vector<64x1024xf32>
    %add3A_906 = arith.addf %dot_general3A_901, %add3A_905 : vector<64x1024xf32>
    %get3A_907 = arith.constant 0 : index
    %get3A_908 = arith.constant 0 : index
    %get3A_909 = vector.load %arg14[%get3A_907, %get3A_908] : memref<1x1xf32, #tpu.memory_space<vmem>>, vector<1x1xf32>
    %ge3A_910 = arith.constant 0.000000e+00 : f32
    %ge3A_911 = vector.broadcast %ge3A_910 : f32 to vector<64x1024xf32>
    %ge3A_912 = arith.cmpf oge, %add3A_906, %ge3A_911 : vector<64x1024xf32>
    %mul3A_913 = vector.broadcast %get3A_909 : vector<1x1xf32> to vector<64x1024xf32>
    %mul3A_914 = arith.mulf %mul3A_913, %add3A_906 : vector<64x1024xf32>
    %select_n3A_915 = arith.select %ge3A_912, %add3A_906, %mul3A_914 : vector<64x1024xi1>, vector<64x1024xf32>
    %get3A_916 = arith.constant 0 : index
    %get3A_917 = arith.constant 0 : index
    %get3A_918 = vector.load %arg4[%get3A_916, %get3A_917] : memref<2x8xf32, #tpu.memory_space<vmem>>, vector<1x8xf32>
    %broadcast_in_dim3A_919 = vector.shape_cast %get3A_918 : vector<1x8xf32> to vector<1x8xf32>
    %broadcast_in_dim3A_920 = vector.broadcast %broadcast_in_dim3A_919 : vector<1x8xf32> to vector<64x8xf32>
    %sub3A_921 = arith.subf %select_n3A_293, %select_n3A_915 : vector<64x1024xf32>
    %concatenate3A_922 = tpu.concatenate %sub3A_921, %broadcast_in_dim3A_920 in 1 : vector<64x1024xf32>, vector<64x8xf32> -> vector<64x1032xf32>
    %get3A_923 = arith.constant 0 : index
    %get3A_924 = arith.constant 0 : index
    %get3A_925 = vector.load %arg15[%get3A_923, %get3A_924] : memref<1032x512xf32, #tpu.memory_space<vmem>>, vector<1032x512xf32>
    %dot_general3A_926 = arith.constant dense<0.000000e+00> : vector<64x512xf32>
    %dot_general3A_927 = tpu.matmul %concatenate3A_922, %get3A_925, %dot_general3A_926 {dimension_numbers = #tpu.dot_dimension_numbers<[1], [0], [0], [1], [0, 0, 1, 1], [], []>, transpose_lhs_hint = false} : vector<64x1032xf32>, vector<1032x512xf32>, vector<64x512xf32> -> vector<64x512xf32>
    %get3A_928 = arith.constant 0 : index
    %get3A_929 = arith.constant 0 : index
    %get3A_930 = vector.load %arg16[%get3A_928, %get3A_929] : memref<1x512xf32, #tpu.memory_space<vmem>>, vector<1x512xf32>
    %add3A_931 = vector.broadcast %get3A_930 : vector<1x512xf32> to vector<64x512xf32>
    %add3A_932 = arith.addf %dot_general3A_927, %add3A_931 : vector<64x512xf32>
    %get3A_933 = arith.constant 0 : index
    %get3A_934 = arith.constant 0 : index
    %get3A_935 = vector.load %arg17[%get3A_933, %get3A_934] : memref<1x1xf32, #tpu.memory_space<vmem>>, vector<1x1xf32>
    %ge3A_936 = arith.constant 0.000000e+00 : f32
    %ge3A_937 = vector.broadcast %ge3A_936 : f32 to vector<64x512xf32>
    %ge3A_938 = arith.cmpf oge, %add3A_932, %ge3A_937 : vector<64x512xf32>
    %mul3A_939 = vector.broadcast %get3A_935 : vector<1x1xf32> to vector<64x512xf32>
    %mul3A_940 = arith.mulf %mul3A_939, %add3A_932 : vector<64x512xf32>
    %select_n3A_941 = arith.select %ge3A_938, %add3A_932, %mul3A_940 : vector<64x512xi1>, vector<64x512xf32>
    %get3A_942 = arith.constant 0 : index
    %get3A_943 = arith.constant 0 : index
    %get3A_944 = vector.load %arg18[%get3A_942, %get3A_943] : memref<512x512xf32, #tpu.memory_space<vmem>>, vector<512x512xf32>
    %dot_general3A_945 = arith.constant dense<0.000000e+00> : vector<64x512xf32>
    %dot_general3A_946 = tpu.matmul %select_n3A_941, %get3A_944, %dot_general3A_945 {dimension_numbers = #tpu.dot_dimension_numbers<[1], [0], [0], [1], [0, 0, 1, 1], [], []>, transpose_lhs_hint = false} : vector<64x512xf32>, vector<512x512xf32>, vector<64x512xf32> -> vector<64x512xf32>
    %get3A_947 = arith.constant 0 : index
    %get3A_948 = arith.constant 0 : index
    %get3A_949 = vector.load %arg19[%get3A_947, %get3A_948] : memref<1x512xf32, #tpu.memory_space<vmem>>, vector<1x512xf32>
    %add3A_950 = vector.broadcast %get3A_949 : vector<1x512xf32> to vector<64x512xf32>
    %add3A_951 = arith.addf %dot_general3A_946, %add3A_950 : vector<64x512xf32>
    %get3A_952 = arith.constant 0 : index
    %get3A_953 = arith.constant 0 : index
    %get3A_954 = vector.load %arg20[%get3A_952, %get3A_953] : memref<1x1xf32, #tpu.memory_space<vmem>>, vector<1x1xf32>
    %ge3A_955 = arith.constant 0.000000e+00 : f32
    %ge3A_956 = vector.broadcast %ge3A_955 : f32 to vector<64x512xf32>
    %ge3A_957 = arith.cmpf oge, %add3A_951, %ge3A_956 : vector<64x512xf32>
    %mul3A_958 = vector.broadcast %get3A_954 : vector<1x1xf32> to vector<64x512xf32>
    %mul3A_959 = arith.mulf %mul3A_958, %add3A_951 : vector<64x512xf32>
    %select_n3A_960 = arith.select %ge3A_957, %add3A_951, %mul3A_959 : vector<64x512xi1>, vector<64x512xf32>
    %get3A_961 = arith.constant 0 : index
    %get3A_962 = arith.constant 0 : index
    %get3A_963 = vector.load %arg21[%get3A_961, %get3A_962] : memref<512x128xf32, #tpu.memory_space<vmem>>, vector<512x128xf32>
    %dot_general3A_964 = arith.constant dense<0.000000e+00> : vector<64x128xf32>
    %dot_general3A_965 = tpu.matmul %select_n3A_960, %get3A_963, %dot_general3A_964 {dimension_numbers = #tpu.dot_dimension_numbers<[1], [0], [0], [1], [0, 0, 1, 1], [], []>, transpose_lhs_hint = false} : vector<64x512xf32>, vector<512x128xf32>, vector<64x128xf32> -> vector<64x128xf32>
    %get3A_966 = arith.constant 0 : index
    %get3A_967 = arith.constant 0 : index
    %get3A_968 = vector.load %arg22[%get3A_966, %get3A_967] : memref<1x128xf32, #tpu.memory_space<vmem>>, vector<1x128xf32>
    %add3A_969 = vector.broadcast %get3A_968 : vector<1x128xf32> to vector<64x128xf32>
    %add3A_970 = arith.addf %dot_general3A_965, %add3A_969 : vector<64x128xf32>
    %swap3A = arith.constant 0 : index
    %swap3A_971 = arith.constant 0 : index
    %swap3A_972 = arith.constant 0 : index
    %swap3A_973 = vector.load %arg23[%swap3A, %swap3A_971, %swap3A_972] : memref<2x64x128xf32, #tpu.memory_space<vmem>>, vector<1x64x128xf32>
    %swap3A_974 = vector.shape_cast %swap3A_973 : vector<1x64x128xf32> to vector<64x128xf32>
    %swap3A_975 = vector.shape_cast %add3A_970 : vector<64x128xf32> to vector<1x64x128xf32>
    tpu.vector_store %arg23[%swap3A, %swap3A_971, %swap3A_972], %swap3A_975 {strides = array<i32>} : memref<2x64x128xf32, #tpu.memory_space<vmem>>, vector<1x64x128xf32>,
    %get3A_976 = arith.constant 1 : index
    %get3A_977 = arith.constant 0 : index
    %get3A_978 = vector.load %arg4[%get3A_976, %get3A_977] : memref<2x8xf32, #tpu.memory_space<vmem>>, vector<1x8xf32>
    %broadcast_in_dim3A_979 = vector.shape_cast %get3A_978 : vector<1x8xf32> to vector<1x8xf32>
    %broadcast_in_dim3A_980 = vector.broadcast %broadcast_in_dim3A_979 : vector<1x8xf32> to vector<64x8xf32>
    %sub3A_981 = arith.subf %select_n3A_592, %select_n3A_915 : vector<64x1024xf32>
    %concatenate3A_982 = tpu.concatenate %sub3A_981, %broadcast_in_dim3A_980 in 1 : vector<64x1024xf32>, vector<64x8xf32> -> vector<64x1032xf32>
    %get3A_983 = arith.constant 0 : index
    %get3A_984 = arith.constant 0 : index
    %get3A_985 = vector.load %arg15[%get3A_983, %get3A_984] : memref<1032x512xf32, #tpu.memory_space<vmem>>, vector<1032x512xf32>
    %dot_general3A_986 = arith.constant dense<0.000000e+00> : vector<64x512xf32>
    %dot_general3A_987 = tpu.matmul %concatenate3A_982, %get3A_985, %dot_general3A_986 {dimension_numbers = #tpu.dot_dimension_numbers<[1], [0], [0], [1], [0, 0, 1, 1], [], []>, transpose_lhs_hint = false} : vector<64x1032xf32>, vector<1032x512xf32>, vector<64x512xf32> -> vector<64x512xf32>
    %get3A_988 = arith.constant 0 : index
    %get3A_989 = arith.constant 0 : index
    %get3A_990 = vector.load %arg16[%get3A_988, %get3A_989] : memref<1x512xf32, #tpu.memory_space<vmem>>, vector<1x512xf32>
    %add3A_991 = vector.broadcast %get3A_990 : vector<1x512xf32> to vector<64x512xf32>
    %add3A_992 = arith.addf %dot_general3A_987, %add3A_991 : vector<64x512xf32>
    %get3A_993 = arith.constant 0 : index
    %get3A_994 = arith.constant 0 : index
    %get3A_995 = vector.load %arg17[%get3A_993, %get3A_994] : memref<1x1xf32, #tpu.memory_space<vmem>>, vector<1x1xf32>
    %ge3A_996 = arith.constant 0.000000e+00 : f32
    %ge3A_997 = vector.broadcast %ge3A_996 : f32 to vector<64x512xf32>
    %ge3A_998 = arith.cmpf oge, %add3A_992, %ge3A_997 : vector<64x512xf32>
    %mul3A_999 = vector.broadcast %get3A_995 : vector<1x1xf32> to vector<64x512xf32>
    %mul3A_1000 = arith.mulf %mul3A_999, %add3A_992 : vector<64x512xf32>
    %select_n3A_1001 = arith.select %ge3A_998, %add3A_992, %mul3A_1000 : vector<64x512xi1>, vector<64x512xf32>
    %get3A_1002 = arith.constant 0 : index
    %get3A_1003 = arith.constant 0 : index
    %get3A_1004 = vector.load %arg18[%get3A_1002, %get3A_1003] : memref<512x512xf32, #tpu.memory_space<vmem>>, vector<512x512xf32>
    %dot_general3A_1005 = arith.constant dense<0.000000e+00> : vector<64x512xf32>
    %dot_general3A_1006 = tpu.matmul %select_n3A_1001, %get3A_1004, %dot_general3A_1005 {dimension_numbers = #tpu.dot_dimension_numbers<[1], [0], [0], [1], [0, 0, 1, 1], [], []>, transpose_lhs_hint = false} : vector<64x512xf32>, vector<512x512xf32>, vector<64x512xf32> -> vector<64x512xf32>
    %get3A_1007 = arith.constant 0 : index
    %get3A_1008 = arith.constant 0 : index
    %get3A_1009 = vector.load %arg19[%get3A_1007, %get3A_1008] : memref<1x512xf32, #tpu.memory_space<vmem>>, vector<1x512xf32>
    %add3A_1010 = vector.broadcast %get3A_1009 : vector<1x512xf32> to vector<64x512xf32>
    %add3A_1011 = arith.addf %dot_general3A_1006, %add3A_1010 : vector<64x512xf32>
    %get3A_1012 = arith.constant 0 : index
    %get3A_1013 = arith.constant 0 : index
    %get3A_1014 = vector.load %arg20[%get3A_1012, %get3A_1013] : memref<1x1xf32, #tpu.memory_space<vmem>>, vector<1x1xf32>
    %ge3A_1015 = arith.constant 0.000000e+00 : f32
    %ge3A_1016 = vector.broadcast %ge3A_1015 : f32 to vector<64x512xf32>
    %ge3A_1017 = arith.cmpf oge, %add3A_1011, %ge3A_1016 : vector<64x512xf32>
    %mul3A_1018 = vector.broadcast %get3A_1014 : vector<1x1xf32> to vector<64x512xf32>
    %mul3A_1019 = arith.mulf %mul3A_1018, %add3A_1011 : vector<64x512xf32>
    %select_n3A_1020 = arith.select %ge3A_1017, %add3A_1011, %mul3A_1019 : vector<64x512xi1>, vector<64x512xf32>
    %get3A_1021 = arith.constant 0 : index
    %get3A_1022 = arith.constant 0 : index
    %get3A_1023 = vector.load %arg21[%get3A_1021, %get3A_1022] : memref<512x128xf32, #tpu.memory_space<vmem>>, vector<512x128xf32>
    %dot_general3A_1024 = arith.constant dense<0.000000e+00> : vector<64x128xf32>
    %dot_general3A_1025 = tpu.matmul %select_n3A_1020, %get3A_1023, %dot_general3A_1024 {dimension_numbers = #tpu.dot_dimension_numbers<[1], [0], [0], [1], [0, 0, 1, 1], [], []>, transpose_lhs_hint = false} : vector<64x512xf32>, vector<512x128xf32>, vector<64x128xf32> -> vector<64x128xf32>
    %get3A_1026 = arith.constant 0 : index
    %get3A_1027 = arith.constant 0 : index
    %get3A_1028 = vector.load %arg22[%get3A_1026, %get3A_1027] : memref<1x128xf32, #tpu.memory_space<vmem>>, vector<1x128xf32>
    %add3A_1029 = vector.broadcast %get3A_1028 : vector<1x128xf32> to vector<64x128xf32>
    %add3A_1030 = arith.addf %dot_general3A_1025, %add3A_1029 : vector<64x128xf32>
    %swap3A_1031 = arith.constant 1 : index
    %swap3A_1032 = arith.constant 0 : index
    %swap3A_1033 = arith.constant 0 : index
    %swap3A_1034 = vector.load %arg23[%swap3A_1031, %swap3A_1032, %swap3A_1033] : memref<2x64x128xf32, #tpu.memory_space<vmem>>, vector<1x64x128xf32>
    %swap3A_1035 = vector.shape_cast %swap3A_1034 : vector<1x64x128xf32> to vector<64x128xf32>
    %swap3A_1036 = vector.shape_cast %add3A_1030 : vector<64x128xf32> to vector<1x64x128xf32>
    tpu.vector_store %arg23[%swap3A_1031, %swap3A_1032, %swap3A_1033], %swap3A_1036 {strides = array<i32>} : memref<2x64x128xf32, #tpu.memory_space<vmem>>, vector<1x64x128xf32>,
    return
  }
}

</mosaic_0001>

<sc_bundles>
// kernel: closed_call.19.cloned.1.call-start
scs
__scs_entry_jumppad:
0x0: {  	(pc) =	sbr.rel $0x88, $3  }
0x1: {  	(tag) =	ssettag $0x0;
	lr =	simm.s32 $0x1  }
0x2: {  	[smem:$0x3F7E] =	sst lr;
	_ =	strace $0xD0000000  }
0x3: {  	_ = 	snop  }
0x4: {  	_ = 	snop  }
0x5: {  	_ = 	snop  }
0x6: {  	_ = 	snop  }
0x7: {  	_ = 	snop  }
__scs_overlays_trampoline_lowered:
0x8: {  	[smem:$0x3F8D] =	sst s0  }
0x9: {  	[smem:$0x3F8E] =	sst s1  }
0xa: {  	[smem:$0x3F8F] =	sst s2  }
0xb: {  	[smem:$0x3F90] =	sst s3  }
0xc: {  	[smem:$0x3F91] =	sst s4  }
0xd: {  	[smem:$0x3F92] =	sst s5  }
0xe: {  	[smem:$0x3F93] =	sst s6  }
0xf: {  	[smem:$0x3F94] =	sst s7  }
0x10: {  	[smem:$0x3F95] =	sst s8  }
0x11: {  	[smem:$0x3F96] =	sst s9;
	s0 =	simm.s32 @!p0 $0x0  }
0x12: {  	s1 =	sld [smem:$0x3F7C];
	s0 =	simm.s32 @p0 $0x1  }
0x13: {  	[smem:$0x3F97] =	sst s0;
	s0 =	simm.s32 @!p1 $0x0  }
0x14: {  	s2 =	sld [smem:$0x3F7B];
	s0 =	simm.s32 @p1 $0x1  }
0x15: {  	[smem:$0x3F98] =	sst s0;
	s0 =	simm.s32 @!p2 $0x0  }
0x16: {  	s3 =	sld [smem:$0x3FDB];
	s0 =	simm.s32 @p2 $0x1  }
0x17: {  	s4 =	simm.s32 $0x1BF5;
	[smem:$0x3F9A] =	sst s0  }
0x18: {  	s0 =	sld [smem:$0x3F7D];
	_ =	swait.ge [sflag:s4], $0x0  }
0x19: {  	s7 =	sld [smem:$0x3F7E]  }
0x1a: {  	s8 =	sadd.s32 $0xFFFFE003, lr  }
0x1b: {  	s9 =	sadd.s32 $0xFFFFFEF7, lr;
	s5 =	simm.s32 $0xFFFFFFFF;
	p2 =	slt.u32 s8, $0xFFFFF086  }
0x1c: {  	p1 =	slt.u32 s9, $0xF7A;
	s5 =	simm.s32 @!p2 $0x0  }
0x1d: {  	s5 =	simm.s32 @p1 $0x1;
	p0 =	seq.s32 s7, s2  }
0x1e: {  	s7 =	smul.u32 @!p0 $0xF7A, s2;
	p2 =	seq.s32 @!p0 s5, $0x0  }
0x1f: {  	s9 =	smul.u32 $0xF7A, s1;
	s8 =	simm.s32 @!p0 $0x1BF5;
	p2 =	por !p2, p0  }
0x20: {  	[sflag:s8] =	ssyncset.s32 @!p0 $0xFFFFF086;
	s6 =	sadd.s32 @!p0 s3, s7;
	s7 =	simm.s32 @!p0 $0x108  }
0x21: {  	s3 =	sadd.s32 s3, s9;
	s6 =	sadd.s32 @!p0 $0x88, s6;
	s7 =	simm.s32 @p2 $0x1082  }
0x22: {  	[simem:s7], [sflag:s8] =	dma.local @!p0 [hbm:s6], $0xF7A  }
0x23: {  	s9 =	sor.u32 $0xD0000000, s2;
	s6 =	simm.s32 $0x108;
	_ =	swait.ge @!p0 [sflag:s8], $0x0  }
0x24: {  	s3 =	sadd.s32 $0x88, s3;
	s6 =	simm.s32 @!p1 $0x1082;
	[sflag:s4] =	ssyncset.s32 $0xFFFFF086  }
0x25: {  	[simem:s6], [sflag:s4] =	dma.local [hbm:s3], $0xF7A  }
0x26: {  	[smem:$0x3F7E] =	sst s1;
	(tag) =	ssettag s2;
	_ =	strace s9  }
0x27: {  	s1 =	sld [smem:$0x3F8E]  }
0x28: {  	s2 =	sld [smem:$0x3F8F]  }
0x29: {  	s4 =	sld [smem:$0x3F91]  }
0x2a: {  	p0 =	seq.s32 s5, $0x0;
	s5 =	sld [smem:$0x3F92]  }
0x2b: {  	s6 =	sld [smem:$0x3F93]  }
0x2c: {  	s7 =	sld [smem:$0x3F94]  }
0x2d: {  	s3 =	simm.s32 $0x108;
	s8 =	sld [smem:$0x3F95]  }
0x2e: {  	s3 =	simm.s32 @!p0 $0x1082;
	s9 =	sld [smem:$0x3F96]  }
0x2f: {  	lr =	sadd.s32 s0, s3;
	s0 =	sld [smem:$0x3F8D]  }
0x30: {  	s3 =	sld [smem:$0x3F90]  }
0x31: {  	[smem:$0x3F99] =	sst s10  }
0x32: {  	s10 =	sld [smem:$0x3F97];
	_ =	sdelay $0x3  }
0x33: {  	p0 =	seq.s32 s10, $0x1;
	s10 =	sld [smem:$0x3F99];
	_ =	sdelay $0x3  }
0x34: {  	[smem:$0x3F99] =	sst s10  }
0x35: {  	s10 =	sld [smem:$0x3F98];
	_ =	sdelay $0x3  }
0x36: {  	p1 =	seq.s32 s10, $0x1;
	s10 =	sld [smem:$0x3F99];
	_ =	sdelay $0x3  }
0x37: {  	[smem:$0x3F99] =	sst s10  }
0x38: {  	s10 =	sld [smem:$0x3F9A]  }
0x39: {  	_ = 	snop;
	(pc) =	sbr.ind lr, $3  }
0x3a: {  	_ = 	snop  }
0x3b: {  	_ = 	snop  }
0x3c: {  	p2 =	seq.s32 s10, $0x1;
	s10 =	sld [smem:$0x3F99]  }
0x3d: {  	_ =	shalt  }
0x3e: {  	_ =	shalt  }
0x3f: {  	_ =	shalt  }
0x40: {  	_ =	shalt  }
0x41: {  	_ =	shalt  }
0x42: {  	_ =	shalt  }
0x43: {  	_ =	shalt  }
0x44: {  	_ =	shalt  }
0x45: {  	_ =	shalt  }
0x46: {  	_ =	shalt  }
0x47: {  	_ =	shalt  }
0x48: {  	_ =	shalt  }
0x49: {  	_ =	shalt  }
0x4a: {  	_ =	shalt  }
0x4b: {  	_ =	shalt  }
0x4c: {  	_ =	shalt  }
0x4d: {  	_ =	shalt  }
0x4e: {  	_ =	shalt  }
0x4f: {  	_ =	shalt  }
0x50: {  	_ =	shalt  }
0x51: {  	_ =	shalt  }
0x52: {  	_ =	shalt  }
0x53: {  	_ =	shalt  }
0x54: {  	_ =	shalt  }
0x55: {  	_ =	shalt  }
0x56: {  	_ =	shalt  }
0x57: {  	_ =	shalt  }
0x58: {  	_ =	shalt  }
0x59: {  	_ =	shalt  }
0x5a: {  	_ =	shalt  }
0x5b: {  	_ =	shalt  }
0x5c: {  	_ =	shalt  }
0x5d: {  	_ =	shalt  }
0x5e: {  	_ =	shalt  }
0x5f: {  	_ =	shalt  }
0x60: {  	_ =	shalt  }
0x61: {  	_ =	shalt  }
0x62: {  	_ =	shalt  }
0x63: {  	_ =	shalt  }
0x64: {  	_ =	shalt  }
0x65: {  	_ =	shalt  }
0x66: {  	_ =	shalt  }
0x67: {  	_ =	shalt  }
0x68: {  	_ =	shalt  }
0x69: {  	_ =	shalt  }
0x6a: {  	_ =	shalt  }
0x6b: {  	_ =	shalt  }
0x6c: {  	_ =	shalt  }
0x6d: {  	_ =	shalt  }
0x6e: {  	_ =	shalt  }
0x6f: {  	_ =	shalt  }
0x70: {  	_ =	shalt  }
0x71: {  	_ =	shalt  }
0x72: {  	_ =	shalt  }
0x73: {  	_ =	shalt  }
0x74: {  	_ =	shalt  }
0x75: {  	_ =	shalt  }
0x76: {  	_ =	shalt  }
0x77: {  	_ =	shalt  }
0x78: {  	_ =	shalt  }
0x79: {  	_ =	shalt  }
0x7a: {  	_ =	shalt  }
0x7b: {  	_ =	shalt  }
0x7c: {  	_ =	shalt  }
0x7d: {  	_ =	shalt  }
0x7e: {  	_ =	shalt  }
0x7f: {  	_ =	shalt  }
0x80: {  	_ =	shalt  }
0x81: {  	_ =	shalt  }
0x82: {  	_ =	shalt  }
0x83: {  	_ =	shalt  }
0x84: {  	_ =	shalt  }
0x85: {  	_ =	shalt  }
0x86: {  	_ =	shalt  }
0x87: {  	_ =	shalt  }
.Lfunc_end0:
.L_simem_size_0:
called_computation_lowered:
.L_overlay_start_0:
0x88: {  	s2 =	sld [smem:$0x3FD9]  }
0x89: {  	s3 =	sld [smem:$0x3FFE];
	_ =	sdelay $0x1  }
0x8a: {  	s1 =	srdreg.scid  }
0x8b: {  	s0 =	sand.u32 $0x1, s1  }
0x8c: {  	s16 =	sshll.u32 s0, $0xA;
	s2 =	sadd.s32 s3, s2  }
0x8d: {  	s2 =	sadd.s32 s2, s16  }
0x8e: {  	[smem:$0x3FA5] =	sst s2  }
0x8f: {  	_ = 	snop  }
0x90: {  	(tm) =	ssettm $0x1  }
0x91: {  	s17 =	sld [smem:$0x3FFB];
	_ =	sdelay $0x3  }
0x92: {  	_ =	strace s17  }
0x93: {  	s2 =	sld [smem:$0x3FFC];
	_ =	sdelay $0x3  }
0x94: {  	_ =	strace s2  }
0x95: {  	s2 =	sld [smem:$0x3FFD];
	_ =	sdelay $0x3  }
0x96: {  	_ =	strace s2  }
0x97: {  	_ =	strace $0x8FFFFFFF  }
0x98: {  	s18 =	sld [smem:$0x3FDB];
	_ =	sdelay $0x1  }
0x99: {  	s19 =	simm.s32 $_scs_section_size  }
0x9a: {  	s4 =	simm.s32 $_size__tile_overlayer_lowered;
	s5 =	simm.s32 $_tile_overlayer_lowered  }
0x9b: {  	s22 =	simm.s32 $0x1BFF;
	s21 =	sshll.u32 s5, $0x1;
	s2 =	sadd.s32 s19, s18  }
0x9c: {  	s6 =	simm.s32 $0x0;
	s20 =	sshll.u32 s4, $0x1;
	s4 =	sadd.s32 s21, s2  }
0x9d: {  	[timem:s6], [sflag:s22] =	dma.local [hbm:s4], s20  }
0x9e: {  	_ =	swait.ge [sflag:s22], s20  }
0x9f: {  	s3 =	ssub.s32 $0x0, s20;
	[sflag:s22] =	ssyncset.done $0x0  }
0xa0: {  	[sflag:s22] =	ssyncadd.s32 s3;
	_ =	sdelay $0x1  }
0xa1: {  	s23 =	simm.s32 $0x1B8B  }
0xa2: {  	_ =	swait.ge [sflag:s23], $0x1  }
0xa3: {  	[sflag:s23] =	ssyncset.done $0x0  }
0xa4: {  	s25 =	simm.s32 $0x1B8E;
	s24 =	sld [smem:$0x3FFE];
	[sflag:s23] =	ssyncadd.s32 $0xFFFFFFFF  }
0xa5: {  	s26 =	simm.s32 $execute0_lowered;
	[smem:$0x3FD2] =	sst s25  }
0xa6: {  	s4 =	sshll.u32 s26, $0x1;
	_ =	strace $0x80000046;
	[dreg:$0x1] =	wrdreg $0xFFFFFFFF  }
0xa7: {  	s28 =	simm.s32 $_size_execute0_lowered;
	s2 =	sadd.s32 s2, s4;
	[dreg:$0x0] =	wrdreg $0x0  }
0xa8: {  	s4 =	sshll.u32 s28, $0x1;
	[dreg:$0x2] =	wrdreg s2  }
0xa9: {  	[dreg:$0x3] =	wrdreg s4  }
0xaa: {  	[dreg:$0x4] =	wrdreg $0xC0  }
0xab: {  	_ =	task [dreg:s6], $0x5FFFF  }
0xac: {  	[dreg:$0x1] =	wrdreg $0xFFFFFFFF  }
0xad: {  	[dreg:$0x0] =	wrdreg $0x60  }
0xae: {  	[dreg:$0x2] =	wrdreg s24  }
0xaf: {  	[dreg:$0x3] =	wrdreg $0x9  }
0xb0: {  	_ =	task.clear_ibuf [dreg:s6], $0x4FFFF;
	_ =	strace $0x90000046  }
0xb1: {  	s29 =	simm.s32 $0x9;
	_ =	strace $0x80000048  }
0xb2: {  	_ =	swait.ge [sflag:s29], $0x1  }
0xb3: {  	[sflag:s29] =	ssyncadd.s32 $0xFFFFFFFF  }
0xb4: {  	_ =	strace $0x90000048  }
0xb5: {  	_ =	sfence  }
0xb6: {  	s30 =	sld [smem:$0x0];
	_ =	sdelay $0x2  }
0xb7: {  	s31 =	sshll.u32 s1, $0xD;
	s1 =	sshrl.u32 s1, $0x2  }
0xb8: {  	s3 =	sand.u32 $0x4000, s31;
	s1 =	sadd.s32 s1, s30  }
0xb9: {  	s0 =	sor.u32 s3, s0;
	s1 =	sshll.u32 s1, $0x11  }
0xba: {  	s0 =	sor.u32 s1, s0  }
0xbb: {  	s0 =	sadd.s32 $0x8F2B, s0  }
0xbc: {  	[sflag:s0] =	ssyncadd.remote.s32 $0x1  }
0xbd: {  	_ =	sfence.sel $0xFFFF  }
0xbe: {  	[dreg:$0x0] =	wrdreg $0xFFFFFFFF;
	(pc) =	sbr.abs _section_cstart, $3  }
0xbf: {  	[dreg:$0x1] =	wrdreg $0xFFFFFFFF  }
0xc0: {  	_ =	task.clear_ibuf [dreg:s6], $0x2FFFF;
	_ =	strace $0x9FFFFFFF  }
0xc1: {  	(tm) =	ssettm $0x7FFFFFFF  }
tec
execute0_lowered:
.L_overlay_start_1:
0x0: {  	(tag) =	ssettag $0x1  }
0x1: {  	s1 =	srdreg.scid;
	s0 =	stileid.u32  }
0x2: {  	s25 =	sand.u32 $0x1, s1;
	s31 =	sshll.u32 s0, $0x1  }
0x3: {  	s20 =	sor.u32 s25, s31  }
0x4: {  	s3 =	smul.u32 $0x60, s20  }
0x5: {  	s18 =	rddreg [dreg:$0x0];
	s2 =	simm.s32 $0x0  }
0x6: {  	s4 =	simm.s32 $0x3;
	[smem:$0x7FF] =	sst s2;
	s3 =	sadd.s32 s3, s18  }
0x7: {  	s1 =	rddreg [dreg:$0x1];
	_ =	strace $0x80000047;
	s3 =	sadd.s32 $0x37C00, s3  }
0x8: {  	[tilespmem:s2], [sflag:$0x3] =	stream.linear.gather [hbm4b:s3+s2], $0x300, $0x38;
	[tilespmem:$0x18300] =	vst v63  }
0x9: {  	_ =	swait.ge [sflag:s4], $0x300  }
0xa: {  	s6 =	simm.s32 $0x80;
	[sflag:s4] =	ssyncset.done $0x0  }
0xb: {  	s7 =	simm.s32 $0x300;
	s5 =	sadd.s32 $0x38800, s18;
	[sflag:s4] =	ssyncadd.s32 $0xFFFFFD00  }
0xc: {  	[tilespmem:s7], [sflag:$0x1] =	stream.indirect.gather [hbm4b:s5+s6], $0x80, s2, s6, $0xb8;
	[tilespmem:$0x18300] =	vst v63  }
0xd: {  	s8 =	simm.s32 $0x4300  }
0xe: {  	[tilespmem:s8], [sflag:$0x1] =	stream.indirect.gather [hbm4b:s5+s6], $0x80, s6, s6, $0xb8;
	[tilespmem:$0x18300] =	vst v63  }
0xf: {  	s9 =	simm.s32 $0x100;
	s10 =	simm.s32 $0x8300  }
0x10: {  	[tilespmem:s10], [sflag:$0x1] =	stream.indirect.gather [hbm4b:s5+s6], $0x80, s9, s6, $0xb8;
	[tilespmem:$0x18300] =	vst v63  }
0x11: {  	s11 =	simm.s32 $0x180;
	s12 =	simm.s32 $0xC300  }
0x12: {  	[tilespmem:s12], [sflag:$0x1] =	stream.indirect.gather [hbm4b:s5+s6], $0x80, s11, s6, $0xb8;
	[tilespmem:$0x18300] =	vst v63  }
0x13: {  	s13 =	simm.s32 $0x200;
	s14 =	simm.s32 $0x10300  }
0x14: {  	[tilespmem:s14], [sflag:$0x1] =	stream.indirect.gather [hbm4b:s5+s6], $0x80, s13, s6, $0xb8;
	[tilespmem:$0x18300] =	vst v63  }
0x15: {  	s15 =	simm.s32 $0x280;
	s16 =	simm.s32 $0x14300;
	s17 =	simm.s32 $0x1  }
0x16: {  	[tilespmem:s16], [sflag:$0x1] =	stream.indirect.gather [hbm4b:s5+s6], $0x80, s15, s6, $0xb8;
	[tilespmem:$0x18300] =	vst v63  }
0x17: {  	s19 =	smul.u32 $0x3000, s20;
	_ =	swait.ge [sflag:s17], $0x4000  }
0x18: {  	s21 =	sadd.s32 $0x50800, s18;
	[sflag:s17] =	ssyncset.done $0x0  }
0x19: {  	s18 =	sadd.s32 s21, s19;
	[sflag:s17] =	ssyncadd.s32 $0xFFFFC000  }
0x1a: {  	[hbm4b:s18+s2] =	stream.linear.scatter [tilespmem:s7], [sflag:$0x2], $0x4000, $0x38;
	[tilespmem:$0x18300] =	vst v63  }
0x1b: {  	_ =	swait.ge [sflag:s17], $0x4000  }
0x1c: {  	[sflag:s17] =	ssyncset.done $0x0  }
0x1d: {  	s20 =	smul.u32 $0x18000, s20;
	s19 =	sadd.s32 $0x800, s18;
	[sflag:s17] =	ssyncadd.s32 $0xFFFFC000  }
0x1e: {  	[hbm4b:s19+s2] =	stream.linear.scatter [tilespmem:s8], [sflag:$0x2], $0x4000, $0x38;
	[tilespmem:$0x18300] =	vst v63  }
0x1f: {  	s20 =	sshrl.u32 s20, $0x3;
	_ =	swait.ge [sflag:s17], $0x4000  }
0x20: {  	s23 =	sadd.s32 s21, s20;
	[sflag:s17] =	ssyncset.done $0x0  }
0x21: {  	s20 =	sadd.s32 $0x1000, s23;
	[sflag:s17] =	ssyncadd.s32 $0xFFFFC000  }
0x22: {  	[hbm4b:s20+s2] =	stream.linear.scatter [tilespmem:s10], [sflag:$0x2], $0x4000, $0x38;
	[tilespmem:$0x18300] =	vst v63  }
0x23: {  	_ =	swait.ge [sflag:s17], $0x4000  }
0x24: {  	[sflag:s17] =	ssyncset.done $0x0  }
0x25: {  	s21 =	sadd.s32 $0x1800, s23;
	[sflag:s17] =	ssyncadd.s32 $0xFFFFC000  }
0x26: {  	[hbm4b:s21+s2] =	stream.linear.scatter [tilespmem:s12], [sflag:$0x2], $0x4000, $0x38;
	[tilespmem:$0x18300] =	vst v63  }
0x27: {  	_ =	swait.ge [sflag:s17], $0x4000  }
0x28: {  	[sflag:s17] =	ssyncset.done $0x0  }
0x29: {  	s22 =	sadd.s32 $0x2000, s23;
	[sflag:s17] =	ssyncadd.s32 $0xFFFFC000  }
0x2a: {  	[hbm4b:s22+s2] =	stream.linear.scatter [tilespmem:s14], [sflag:$0x2], $0x4000, $0x38;
	[tilespmem:$0x18300] =	vst v63  }
0x2b: {  	_ =	swait.ge [sflag:s17], $0x4000  }
0x2c: {  	[sflag:s17] =	ssyncset.done $0x0  }
0x2d: {  	s24 =	sadd.s32 $0x2800, s23;
	s23 =	simm.s32 $0x2;
	[sflag:s17] =	ssyncadd.s32 $0xFFFFC000  }
0x2e: {  	[hbm4b:s24+s2] =	stream.linear.scatter [tilespmem:s16], [sflag:$0x2], $0x4000, $0x38;
	[tilespmem:$0x18300] =	vst v63  }
0x2f: {  	_ =	swait.ge [sflag:s23], $0x4000  }
0x30: {  	[sflag:s23] =	ssyncset.done $0x0  }
0x31: {  	[sflag:s23] =	ssyncadd.s32 $0xFFFFC000  }
0x32: {  	_ =	swait.ge [sflag:s23], $0x4000  }
0x33: {  	[sflag:s23] =	ssyncset.done $0x0  }
0x34: {  	[sflag:s23] =	ssyncadd.s32 $0xFFFFC000  }
0x35: {  	_ =	swait.ge [sflag:s23], $0x4000  }
0x36: {  	s25 =	ssub.s32 $0x2, s25;
	[sflag:s23] =	ssyncset.done $0x0  }
0x37: {  	s26 =	sshrl.u32 s25, $0x1;
	[sflag:s23] =	ssyncadd.s32 $0xFFFFC000  }
0x38: {  	s25 =	ssub.s32 s25, s26;
	_ =	swait.ge [sflag:s23], $0x4000  }
0x39: {  	s25 =	smax.u32 s25, $0x1;
	[sflag:s23] =	ssyncset.done $0x0  }
0x3a: {  	p0 =	sne.s32 s25, $0x1;
	[sflag:s23] =	ssyncadd.s32 $0xFFFFC000  }
.Ltmp0:
0x3b: {  	_ =	swait.ge [sflag:s23], $0x4000;
	(pc) =	sbr.rel @!p0 .LBB2_2-.Ltmp0, $4  }
0x3c: {  	[sflag:s23] =	ssyncset.done $0x0  }
0x3d: {  	[sflag:s23] =	ssyncadd.s32 $0xFFFFC000  }
0x3e: {  	_ =	swait.ge [sflag:s23], $0x4000  }
0x3f: {  	s25 =	sadd.s32 $0xFFFFFFFF, s25;
	[sflag:s23] =	ssyncset.done $0x0  }
.LBB2_1:
0x40: {  	p0 =	sne.s32 s25, $0x1;
	s25 =	sadd.s32 $0xFFFFFFFF, s25;
	[sflag:s23] =	ssyncadd.s32 $0xFFFFC000  }
0x41: {  	[tilespmem:s2], [sflag:$0x3] =	stream.linear.gather [hbm4b:s3+s2], $0x300, $0x38;
	[tilespmem:$0x18300] =	vst v63  }
0x42: {  	_ =	swait.ge [sflag:s4], $0x300  }
0x43: {  	[sflag:s4] =	ssyncset.done $0x0  }
0x44: {  	[sflag:s4] =	ssyncadd.s32 $0xFFFFFD00  }
0x45: {  	[tilespmem:s7], [sflag:$0x1] =	stream.indirect.gather [hbm4b:s5+s6], $0x80, s2, s6, $0xb8;
	[tilespmem:$0x18300] =	vst v63  }
0x46: {  	_ = 	snop  }
0x47: {  	[tilespmem:s8], [sflag:$0x1] =	stream.indirect.gather [hbm4b:s5+s6], $0x80, s6, s6, $0xb8;
	[tilespmem:$0x18300] =	vst v63  }
0x48: {  	_ = 	snop  }
0x49: {  	[tilespmem:s10], [sflag:$0x1] =	stream.indirect.gather [hbm4b:s5+s6], $0x80, s9, s6, $0xb8;
	[tilespmem:$0x18300] =	vst v63  }
0x4a: {  	_ = 	snop  }
0x4b: {  	[tilespmem:s12], [sflag:$0x1] =	stream.indirect.gather [hbm4b:s5+s6], $0x80, s11, s6, $0xb8;
	[tilespmem:$0x18300] =	vst v63  }
0x4c: {  	_ = 	snop  }
0x4d: {  	[tilespmem:s14], [sflag:$0x1] =	stream.indirect.gather [hbm4b:s5+s6], $0x80, s13, s6, $0xb8;
	[tilespmem:$0x18300] =	vst v63  }
0x4e: {  	_ = 	snop  }
0x4f: {  	[tilespmem:s16], [sflag:$0x1] =	stream.indirect.gather [hbm4b:s5+s6], $0x80, s15, s6, $0xb8;
	[tilespmem:$0x18300] =	vst v63  }
0x50: {  	_ =	swait.ge [sflag:s17], $0x4000  }
0x51: {  	[sflag:s17] =	ssyncset.done $0x0  }
0x52: {  	[sflag:s17] =	ssyncadd.s32 $0xFFFFC000  }
0x53: {  	[hbm4b:s18+s2] =	stream.linear.scatter [tilespmem:s7], [sflag:$0x2], $0x4000, $0x38;
	[tilespmem:$0x18300] =	vst v63  }
0x54: {  	_ =	swait.ge [sflag:s17], $0x4000  }
0x55: {  	[sflag:s17] =	ssyncset.done $0x0  }
0x56: {  	[sflag:s17] =	ssyncadd.s32 $0xFFFFC000  }
0x57: {  	[hbm4b:s19+s2] =	stream.linear.scatter [tilespmem:s8], [sflag:$0x2], $0x4000, $0x38;
	[tilespmem:$0x18300] =	vst v63  }
0x58: {  	_ =	swait.ge [sflag:s17], $0x4000  }
0x59: {  	[sflag:s17] =	ssyncset.done $0x0  }
0x5a: {  	[sflag:s17] =	ssyncadd.s32 $0xFFFFC000  }
0x5b: {  	[hbm4b:s20+s2] =	stream.linear.scatter [tilespmem:s10], [sflag:$0x2], $0x4000, $0x38;
	[tilespmem:$0x18300] =	vst v63  }
0x5c: {  	_ =	swait.ge [sflag:s17], $0x4000  }
0x5d: {  	[sflag:s17] =	ssyncset.done $0x0  }
0x5e: {  	[sflag:s17] =	ssyncadd.s32 $0xFFFFC000  }
0x5f: {  	[hbm4b:s21+s2] =	stream.linear.scatter [tilespmem:s12], [sflag:$0x2], $0x4000, $0x38;
	[tilespmem:$0x18300] =	vst v63  }
0x60: {  	_ =	swait.ge [sflag:s17], $0x4000  }
0x61: {  	[sflag:s17] =	ssyncset.done $0x0  }
0x62: {  	[sflag:s17] =	ssyncadd.s32 $0xFFFFC000  }
0x63: {  	[hbm4b:s22+s2] =	stream.linear.scatter [tilespmem:s14], [sflag:$0x2], $0x4000, $0x38;
	[tilespmem:$0x18300] =	vst v63  }
0x64: {  	_ =	swait.ge [sflag:s17], $0x4000  }
0x65: {  	[sflag:s17] =	ssyncset.done $0x0  }
0x66: {  	[sflag:s17] =	ssyncadd.s32 $0xFFFFC000  }
0x67: {  	[hbm4b:s24+s2] =	stream.linear.scatter [tilespmem:s16], [sflag:$0x2], $0x4000, $0x38;
	[tilespmem:$0x18300] =	vst v63  }
0x68: {  	_ =	swait.ge [sflag:s23], $0x4000  }
0x69: {  	[sflag:s23] =	ssyncset.done $0x0  }
0x6a: {  	[sflag:s23] =	ssyncadd.s32 $0xFFFFC000  }
0x6b: {  	_ =	swait.ge [sflag:s23], $0x4000  }
0x6c: {  	[sflag:s23] =	ssyncset.done $0x0  }
0x6d: {  	[sflag:s23] =	ssyncadd.s32 $0xFFFFC000  }
0x6e: {  	_ =	swait.ge [sflag:s23], $0x4000  }
0x6f: {  	[sflag:s23] =	ssyncset.done $0x0  }
0x70: {  	[sflag:s23] =	ssyncadd.s32 $0xFFFFC000  }
0x71: {  	_ =	swait.ge [sflag:s23], $0x4000  }
0x72: {  	[sflag:s23] =	ssyncset.done $0x0  }
0x73: {  	[sflag:s23] =	ssyncadd.s32 $0xFFFFC000  }
.Ltmp1:
0x74: {  	_ =	swait.ge [sflag:s23], $0x4000;
	(pc) =	sbr.rel @p0 .LBB2_1-.Ltmp1, $4  }
0x75: {  	[sflag:s23] =	ssyncset.done $0x0  }
0x76: {  	[sflag:s23] =	ssyncadd.s32 $0xFFFFC000  }
0x77: {  	_ =	swait.ge [sflag:s23], $0x4000  }
0x78: {  	[sflag:s23] =	ssyncset.done $0x0  }
.LBB2_2:
0x79: {  	[sflag:s23] =	ssyncadd.s32 $0xFFFFC000  }
0x7a: {  	_ =	sfence.sel $0x180000  }
0x7b: {  	[bflag:$0x0] =	sbarrier.arrive $0xFFFF  }
0x7c: {  	p0 =	sne.s32 s0, $0x0;
	_ =	strace $0x90000047  }
0x7d: {  	s0 =	sadd.s32 @!p0 $0x100000, s1;
	[bflag:$0x2] =	sbarrier.arrive $0xFFFF  }
0x7e: {  	[sflag:s0] =	ssyncadd.tile.s32 @!p0 $0x1;
	_ =	shalt  }
.Lfunc_end2:
_tile_overlayer_lowered:
.L_overlay_start_2:
0x7f: {  	(tag) =	ssettag $0x2  }
0x80: {  	s0 =	rddreg [dreg:$0x0];
	s2 =	stileid.u32  }
0x81: {  	s1 =	rddreg [dreg:$0x1];
	p0 =	sne.s32 s2, $0x0  }
0x82: {  	s3 =	rddreg [dreg:$0x2];
	[bflag:$0x3] =	sbarrier.arrive $0xFFFF;
	s2 =	simm.s32 @!p0 $0x1C03  }
0x83: {  	[timem:s3], [sflag:s2] =	dma.local @!p0 [hbm:s0], s1  }
0x84: {  	s0 =	simm.s32 @!p0 $0x3  }
0x85: {  	_ =	swait.ge @!p0 [sflag:s0], s1  }
0x86: {  	s1 =	ssub.s32 @!p0 $0x0, s1;
	[sflag:s0] =	ssyncset.done @!p0 $0x0  }
0x87: {  	[sflag:s0] =	ssyncadd.s32 @!p0 s1  }
0x88: {  	[bflag:$0x3] =	sbarrier.arrive $0xFFFF  }
0x89: {  	_ =	shalt  }

// kernel: closed_call.22.cloned.1.call-start
scs
__scs_entry_jumppad:
0x0: {  	(pc) =	sbr.rel $0x88, $3  }
0x1: {  	(tag) =	ssettag $0x0;
	lr =	simm.s32 $0x1  }
0x2: {  	[smem:$0x3F7E] =	sst lr;
	_ =	strace $0xD0000000  }
0x3: {  	_ = 	snop  }
0x4: {  	_ = 	snop  }
0x5: {  	_ = 	snop  }
0x6: {  	_ = 	snop  }
0x7: {  	_ = 	snop  }
__scs_overlays_trampoline_lowered:
0x8: {  	[smem:$0x3F8D] =	sst s0  }
0x9: {  	[smem:$0x3F8E] =	sst s1  }
0xa: {  	[smem:$0x3F8F] =	sst s2  }
0xb: {  	[smem:$0x3F90] =	sst s3  }
0xc: {  	[smem:$0x3F91] =	sst s4  }
0xd: {  	[smem:$0x3F92] =	sst s5  }
0xe: {  	[smem:$0x3F93] =	sst s6  }
0xf: {  	[smem:$0x3F94] =	sst s7  }
0x10: {  	[smem:$0x3F95] =	sst s8  }
0x11: {  	[smem:$0x3F96] =	sst s9;
	s0 =	simm.s32 @!p0 $0x0  }
0x12: {  	s1 =	sld [smem:$0x3F7C];
	s0 =	simm.s32 @p0 $0x1  }
0x13: {  	[smem:$0x3F97] =	sst s0;
	s0 =	simm.s32 @!p1 $0x0  }
0x14: {  	s2 =	sld [smem:$0x3F7B];
	s0 =	simm.s32 @p1 $0x1  }
0x15: {  	[smem:$0x3F98] =	sst s0;
	s0 =	simm.s32 @!p2 $0x0  }
0x16: {  	s3 =	sld [smem:$0x3FDB];
	s0 =	simm.s32 @p2 $0x1  }
0x17: {  	s4 =	simm.s32 $0x1BF5;
	[smem:$0x3F9A] =	sst s0  }
0x18: {  	s0 =	sld [smem:$0x3F7D];
	_ =	swait.ge [sflag:s4], $0x0  }
0x19: {  	s7 =	sld [smem:$0x3F7E]  }
0x1a: {  	s8 =	sadd.s32 $0xFFFFE003, lr  }
0x1b: {  	s9 =	sadd.s32 $0xFFFFFEF7, lr;
	s5 =	simm.s32 $0xFFFFFFFF;
	p2 =	slt.u32 s8, $0xFFFFF086  }
0x1c: {  	p1 =	slt.u32 s9, $0xF7A;
	s5 =	simm.s32 @!p2 $0x0  }
0x1d: {  	s5 =	simm.s32 @p1 $0x1;
	p0 =	seq.s32 s7, s2  }
0x1e: {  	s7 =	smul.u32 @!p0 $0xF7A, s2;
	p2 =	seq.s32 @!p0 s5, $0x0  }
0x1f: {  	s9 =	smul.u32 $0xF7A, s1;
	s8 =	simm.s32 @!p0 $0x1BF5;
	p2 =	por !p2, p0  }
0x20: {  	[sflag:s8] =	ssyncset.s32 @!p0 $0xFFFFF086;
	s6 =	sadd.s32 @!p0 s3, s7;
	s7 =	simm.s32 @!p0 $0x108  }
0x21: {  	s3 =	sadd.s32 s3, s9;
	s6 =	sadd.s32 @!p0 $0x88, s6;
	s7 =	simm.s32 @p2 $0x1082  }
0x22: {  	[simem:s7], [sflag:s8] =	dma.local @!p0 [hbm:s6], $0xF7A  }
0x23: {  	s9 =	sor.u32 $0xD0000000, s2;
	s6 =	simm.s32 $0x108;
	_ =	swait.ge @!p0 [sflag:s8], $0x0  }
0x24: {  	s3 =	sadd.s32 $0x88, s3;
	s6 =	simm.s32 @!p1 $0x1082;
	[sflag:s4] =	ssyncset.s32 $0xFFFFF086  }
0x25: {  	[simem:s6], [sflag:s4] =	dma.local [hbm:s3], $0xF7A  }
0x26: {  	[smem:$0x3F7E] =	sst s1;
	(tag) =	ssettag s2;
	_ =	strace s9  }
0x27: {  	s1 =	sld [smem:$0x3F8E]  }
0x28: {  	s2 =	sld [smem:$0x3F8F]  }
0x29: {  	s4 =	sld [smem:$0x3F91]  }
0x2a: {  	p0 =	seq.s32 s5, $0x0;
	s5 =	sld [smem:$0x3F92]  }
0x2b: {  	s6 =	sld [smem:$0x3F93]  }
0x2c: {  	s7 =	sld [smem:$0x3F94]  }
0x2d: {  	s3 =	simm.s32 $0x108;
	s8 =	sld [smem:$0x3F95]  }
0x2e: {  	s3 =	simm.s32 @!p0 $0x1082;
	s9 =	sld [smem:$0x3F96]  }
0x2f: {  	lr =	sadd.s32 s0, s3;
	s0 =	sld [smem:$0x3F8D]  }
0x30: {  	s3 =	sld [smem:$0x3F90]  }
0x31: {  	[smem:$0x3F99] =	sst s10  }
0x32: {  	s10 =	sld [smem:$0x3F97];
	_ =	sdelay $0x3  }
0x33: {  	p0 =	seq.s32 s10, $0x1;
	s10 =	sld [smem:$0x3F99];
	_ =	sdelay $0x3  }
0x34: {  	[smem:$0x3F99] =	sst s10  }
0x35: {  	s10 =	sld [smem:$0x3F98];
	_ =	sdelay $0x3  }
0x36: {  	p1 =	seq.s32 s10, $0x1;
	s10 =	sld [smem:$0x3F99];
	_ =	sdelay $0x3  }
0x37: {  	[smem:$0x3F99] =	sst s10  }
0x38: {  	s10 =	sld [smem:$0x3F9A]  }
0x39: {  	_ = 	snop;
	(pc) =	sbr.ind lr, $3  }
0x3a: {  	_ = 	snop  }
0x3b: {  	_ = 	snop  }
0x3c: {  	p2 =	seq.s32 s10, $0x1;
	s10 =	sld [smem:$0x3F99]  }
0x3d: {  	_ =	shalt  }
0x3e: {  	_ =	shalt  }
0x3f: {  	_ =	shalt  }
0x40: {  	_ =	shalt  }
0x41: {  	_ =	shalt  }
0x42: {  	_ =	shalt  }
0x43: {  	_ =	shalt  }
0x44: {  	_ =	shalt  }
0x45: {  	_ =	shalt  }
0x46: {  	_ =	shalt  }
0x47: {  	_ =	shalt  }
0x48: {  	_ =	shalt  }
0x49: {  	_ =	shalt  }
0x4a: {  	_ =	shalt  }
0x4b: {  	_ =	shalt  }
0x4c: {  	_ =	shalt  }
0x4d: {  	_ =	shalt  }
0x4e: {  	_ =	shalt  }
0x4f: {  	_ =	shalt  }
0x50: {  	_ =	shalt  }
0x51: {  	_ =	shalt  }
0x52: {  	_ =	shalt  }
0x53: {  	_ =	shalt  }
0x54: {  	_ =	shalt  }
0x55: {  	_ =	shalt  }
0x56: {  	_ =	shalt  }
0x57: {  	_ =	shalt  }
0x58: {  	_ =	shalt  }
0x59: {  	_ =	shalt  }
0x5a: {  	_ =	shalt  }
0x5b: {  	_ =	shalt  }
0x5c: {  	_ =	shalt  }
0x5d: {  	_ =	shalt  }
0x5e: {  	_ =	shalt  }
0x5f: {  	_ =	shalt  }
0x60: {  	_ =	shalt  }
0x61: {  	_ =	shalt  }
0x62: {  	_ =	shalt  }
0x63: {  	_ =	shalt  }
0x64: {  	_ =	shalt  }
0x65: {  	_ =	shalt  }
0x66: {  	_ =	shalt  }
0x67: {  	_ =	shalt  }
0x68: {  	_ =	shalt  }
0x69: {  	_ =	shalt  }
0x6a: {  	_ =	shalt  }
0x6b: {  	_ =	shalt  }
0x6c: {  	_ =	shalt  }
0x6d: {  	_ =	shalt  }
0x6e: {  	_ =	shalt  }
0x6f: {  	_ =	shalt  }
0x70: {  	_ =	shalt  }
0x71: {  	_ =	shalt  }
0x72: {  	_ =	shalt  }
0x73: {  	_ =	shalt  }
0x74: {  	_ =	shalt  }
0x75: {  	_ =	shalt  }
0x76: {  	_ =	shalt  }
0x77: {  	_ =	shalt  }
0x78: {  	_ =	shalt  }
0x79: {  	_ =	shalt  }
0x7a: {  	_ =	shalt  }
0x7b: {  	_ =	shalt  }
0x7c: {  	_ =	shalt  }
0x7d: {  	_ =	shalt  }
0x7e: {  	_ =	shalt  }
0x7f: {  	_ =	shalt  }
0x80: {  	_ =	shalt  }
0x81: {  	_ =	shalt  }
0x82: {  	_ =	shalt  }
0x83: {  	_ =	shalt  }
0x84: {  	_ =	shalt  }
0x85: {  	_ =	shalt  }
0x86: {  	_ =	shalt  }
0x87: {  	_ =	shalt  }
.Lfunc_end0:
.L_simem_size_0:
called_computation.1_lowered:
.L_overlay_start_0:
0x88: {  	s2 =	sld [smem:$0x3FD9]  }
0x89: {  	s3 =	sld [smem:$0x3FFE];
	_ =	sdelay $0x1  }
0x8a: {  	s1 =	srdreg.scid  }
0x8b: {  	s0 =	sand.u32 $0x1, s1  }
0x8c: {  	s16 =	sshll.u32 s0, $0xA;
	s2 =	sadd.s32 s3, s2  }
0x8d: {  	s2 =	sadd.s32 s2, s16  }
0x8e: {  	[smem:$0x3FA5] =	sst s2  }
0x8f: {  	_ = 	snop  }
0x90: {  	(tm) =	ssettm $0x1  }
0x91: {  	s17 =	sld [smem:$0x3FFB];
	_ =	sdelay $0x3  }
0x92: {  	_ =	strace s17  }
0x93: {  	s2 =	sld [smem:$0x3FFC];
	_ =	sdelay $0x3  }
0x94: {  	_ =	strace s2  }
0x95: {  	s2 =	sld [smem:$0x3FFD];
	_ =	sdelay $0x3  }
0x96: {  	_ =	strace s2  }
0x97: {  	_ =	strace $0x8FFFFFFF  }
0x98: {  	s18 =	sld [smem:$0x3FDB];
	_ =	sdelay $0x1  }
0x99: {  	s19 =	simm.s32 $_scs_section_size  }
0x9a: {  	s4 =	simm.s32 $_size__tile_overlayer_lowered;
	s5 =	simm.s32 $_tile_overlayer_lowered  }
0x9b: {  	s22 =	simm.s32 $0x1BFF;
	s21 =	sshll.u32 s5, $0x1;
	s2 =	sadd.s32 s19, s18  }
0x9c: {  	s6 =	simm.s32 $0x0;
	s20 =	sshll.u32 s4, $0x1;
	s4 =	sadd.s32 s21, s2  }
0x9d: {  	[timem:s6], [sflag:s22] =	dma.local [hbm:s4], s20  }
0x9e: {  	_ =	swait.ge [sflag:s22], s20  }
0x9f: {  	s3 =	ssub.s32 $0x0, s20;
	[sflag:s22] =	ssyncset.done $0x0  }
0xa0: {  	[sflag:s22] =	ssyncadd.s32 s3;
	_ =	sdelay $0x1  }
0xa1: {  	s23 =	simm.s32 $0x1B8B  }
0xa2: {  	_ =	swait.ge [sflag:s23], $0x1  }
0xa3: {  	[sflag:s23] =	ssyncset.done $0x0  }
0xa4: {  	s25 =	simm.s32 $0x1B8E;
	s24 =	sld [smem:$0x3FFE];
	[sflag:s23] =	ssyncadd.s32 $0xFFFFFFFF  }
0xa5: {  	s26 =	simm.s32 $execute0_lowered;
	[smem:$0x3FD2] =	sst s25  }
0xa6: {  	s4 =	sshll.u32 s26, $0x1;
	_ =	strace $0x80000049;
	[dreg:$0x1] =	wrdreg $0xFFFFFFFF  }
0xa7: {  	s28 =	simm.s32 $_size_execute0_lowered;
	s2 =	sadd.s32 s2, s4;
	[dreg:$0x0] =	wrdreg $0x0  }
0xa8: {  	s4 =	sshll.u32 s28, $0x1;
	[dreg:$0x2] =	wrdreg s2  }
0xa9: {  	[dreg:$0x3] =	wrdreg s4  }
0xaa: {  	[dreg:$0x4] =	wrdreg $0xC0  }
0xab: {  	_ =	task [dreg:s6], $0x5FFFF  }
0xac: {  	[dreg:$0x1] =	wrdreg $0xFFFFFFFF  }
0xad: {  	[dreg:$0x0] =	wrdreg $0x60  }
0xae: {  	[dreg:$0x2] =	wrdreg s24  }
0xaf: {  	[dreg:$0x3] =	wrdreg $0x188000  }
0xb0: {  	[dreg:$0x4] =	wrdreg $0x9  }
0xb1: {  	_ =	task.clear_ibuf [dreg:s6], $0x5FFFF;
	_ =	strace $0x90000049  }
0xb2: {  	s29 =	simm.s32 $0x9;
	_ =	strace $0x8000004B  }
0xb3: {  	_ =	swait.ge [sflag:s29], $0x1  }
0xb4: {  	[sflag:s29] =	ssyncadd.s32 $0xFFFFFFFF  }
0xb5: {  	_ =	strace $0x9000004B  }
0xb6: {  	_ =	sfence  }
0xb7: {  	s30 =	sld [smem:$0x0];
	_ =	sdelay $0x2  }
0xb8: {  	s31 =	sshll.u32 s1, $0xD;
	s1 =	sshrl.u32 s1, $0x2  }
0xb9: {  	s3 =	sand.u32 $0x4000, s31;
	s1 =	sadd.s32 s1, s30  }
0xba: {  	s0 =	sor.u32 s3, s0;
	s1 =	sshll.u32 s1, $0x11  }
0xbb: {  	s0 =	sor.u32 s1, s0  }
0xbc: {  	s0 =	sadd.s32 $0x8F2B, s0  }
0xbd: {  	[sflag:s0] =	ssyncadd.remote.s32 $0x1  }
0xbe: {  	_ =	sfence.sel $0xFFFF  }
0xbf: {  	[dreg:$0x0] =	wrdreg $0xFFFFFFFF;
	(pc) =	sbr.abs _section_cstart, $3  }
0xc0: {  	[dreg:$0x1] =	wrdreg $0xFFFFFFFF  }
0xc1: {  	_ =	task.clear_ibuf [dreg:s6], $0x2FFFF;
	_ =	strace $0x9FFFFFFF  }
0xc2: {  	(tm) =	ssettm $0x7FFFFFFF  }
0xc3: {  	_ =	shalt  }
tec
execute0_lowered:
.L_overlay_start_1:
0x0: {  	(tag) =	ssettag $0x1  }
0x1: {  	s1 =	rddreg [dreg:$0x0]  }
0x2: {  	s2 =	rddreg [dreg:$0x1];
	s3 =	simm.s32 $0x0;
	s0 =	stileid.u32  }
0x3: {  	s5 =	srdreg.scid;
	[smem:$0x7FF] =	sst s3;
	s4 =	sshll.u32 s0, $0x8  }
0x4: {  	s31 =	sand.u32 $0x1, s5;
	s26 =	sadd.s32 $0xB0800, s1;
	s7 =	smul.u32 $0x6000, s0  }
0x5: {  	s8 =	sadd.s32 $0x50800, s1;
	s4 =	sadd.s32 s4, s1;
	s6 =	sshll.u32 s31, $0xC  }
0x6: {  	s10 =	smul.u32 $0x30000, s0;
	_ =	strace $0x8000004A;
	s4 =	sadd.s32 s6, s4  }
0x7: {  	[dreg:$0x3] =	wrdreg s26;
	s9 =	sadd.s32 $0x35C00, s4;
	s4 =	sadd.s32 s8, s7  }
0x8: {  	[dreg:$0x4] =	wrdreg s9;
	s11 =	sadd.s32 $0x800, s4  }
0x9: {  	s6 =	sshrl.u32 s10, $0x3;
	s12 =	sadd.s32 $0x1000, s4;
	[dreg:$0x5] =	wrdreg s11  }
0xa: {  	s23 =	sadd.s32 s8, s6;
	s13 =	sadd.s32 $0x1800, s4;
	[dreg:$0x6] =	wrdreg s12  }
0xb: {  	s14 =	sadd.s32 $0x2000, s23;
	[dreg:$0x7] =	wrdreg s13  }
0xc: {  	s15 =	sadd.s32 $0x2800, s23;
	[dreg:$0x8] =	wrdreg s14  }
0xd: {  	s16 =	sadd.s32 $0x3000, s23;
	[dreg:$0x9] =	wrdreg s15  }
0xe: {  	s17 =	sadd.s32 $0x3800, s23;
	[dreg:$0xa] =	wrdreg s16  }
0xf: {  	[dreg:$0xb] =	wrdreg s17  }
0x10: {  	s18 =	sadd.s32 $0x4000, s23;
	s19 =	rddreg [dreg:$0x4]  }
0x11: {  	s20 =	sadd.s32 $0x4800, s23;
	[dreg:$0xc] =	wrdreg s18  }
0x12: {  	s21 =	smul.u32 $0x18000, s0;
	s5 =	simm.s32 $0x3;
	[dreg:$0xd] =	wrdreg s20  }
0x13: {  	[tilespmem:s3], [sflag:$0x3] =	stream.linear.gather [hbm4b:s19+s3], $0x800, $0x38;
	[tilespmem:$0x1E840] =	vst v63  }
0x14: {  	s24 =	sshll.u32 s0, $0x6;
	s22 =	sshrl.u32 s21, $0x2;
	_ =	swait.ge [sflag:s5], $0x800  }
0x15: {  	s6 =	sadd.s32 s22, s2;
	s7 =	sor.u32 $0x1C03, s24;
	[sflag:s5] =	ssyncset.done $0x0  }
0x16: {  	s8 =	sshrl.u32 s6, $0x3;
	s9 =	rddreg [dreg:$0x3];
	[sflag:s5] =	ssyncadd.s32 $0xFFFFF800  }
0x17: {  	[spmem:s8], [sflag:s7] =	dma.local [hbm:s9], $0xC00  }
0x18: {  	_ =	swait.ge [sflag:s5], $0xC00  }
0x19: {  	[sflag:s5] =	ssyncset.done $0x0  }
0x1a: {  	[sflag:s5] =	ssyncadd.s32 $0xFFFFF400  }
0x1b: {  	s9 =	simm.s32 $0x800;
	[bflag:$0x0] =	sbarrier.arrive $0xFFFF  }
0x1c: {  	[tilespmem:s9], [sflag:$0x1] =	stream.linear.gather [hbm4b:s4+s3], $0x4000, $0x38;
	[tilespmem:$0x1E840] =	vst v63  }
0x1d: {  	s10 =	simm.s32 $0x4800;
	s11 =	rddreg [dreg:$0x5]  }
0x1e: {  	[tilespmem:s10], [sflag:$0x1] =	stream.linear.gather [hbm4b:s11+s3], $0x4000, $0x38;
	[tilespmem:$0x1E840] =	vst v63  }
0x1f: {  	s12 =	rddreg [dreg:$0x6];
	s11 =	simm.s32 $0x8800  }
0x20: {  	[tilespmem:s11], [sflag:$0x1] =	stream.linear.gather [hbm4b:s12+s3], $0x4000, $0x38;
	[tilespmem:$0x1E840] =	vst v63  }
0x21: {  	s13 =	rddreg [dreg:$0x7];
	s12 =	simm.s32 $0xC800  }
0x22: {  	[tilespmem:s12], [sflag:$0x1] =	stream.linear.gather [hbm4b:s13+s3], $0x4000, $0x38;
	[tilespmem:$0x1E840] =	vst v63  }
0x23: {  	s14 =	rddreg [dreg:$0x8];
	s13 =	simm.s32 $0x10800  }
0x24: {  	[tilespmem:s13], [sflag:$0x1] =	stream.linear.gather [hbm4b:s14+s3], $0x4000, $0x38;
	[tilespmem:$0x1E840] =	vst v63  }
0x25: {  	s15 =	simm.s32 $0x1;
	s16 =	rddreg [dreg:$0x9];
	s14 =	simm.s32 $0x14800  }
0x26: {  	[tilespmem:s14], [sflag:$0x1] =	stream.linear.gather [hbm4b:s16+s3], $0x4000, $0x38;
	[tilespmem:$0x1E840] =	vst v63  }
0x27: {  	_ =	swait.ge [sflag:s15], $0x4000  }
0x28: {  	[sflag:s15] =	ssyncset.done $0x0  }
0x29: {  	s17 =	simm.s32 $0x2;
	s16 =	simm.s32 $0x80;
	[sflag:s15] =	ssyncadd.s32 $0xFFFFC000  }
0x2a: {  	[spmem:s2] =	stream.indirect.scatter.add.f32 [tilespmem:s9], [sflag:$0x2], $0x80, s3, s16, $0xb8;
	[tilespmem:$0x1E840] =	vst v63  }
0x2b: {  	_ =	swait.ge [sflag:s17], $0x4000  }
0x2c: {  	[sflag:s17] =	ssyncset.done $0x0  }
0x2d: {  	s18 =	rddreg [dreg:$0xa];
	[sflag:s17] =	ssyncadd.s32 $0xFFFFC000  }
0x2e: {  	[tilespmem:s9], [sflag:$0x1] =	stream.linear.gather [hbm4b:s18+s3], $0x4000, $0x38;
	[tilespmem:$0x1E840] =	vst v63  }
0x2f: {  	_ =	swait.ge [sflag:s15], $0x4000  }
0x30: {  	[sflag:s15] =	ssyncset.done $0x0  }
0x31: {  	[sflag:s15] =	ssyncadd.s32 $0xFFFFC000  }
0x32: {  	[spmem:s2] =	stream.indirect.scatter.add.f32 [tilespmem:s10], [sflag:$0x2], $0x80, s16, s16, $0xb8;
	[tilespmem:$0x1E840] =	vst v63  }
0x33: {  	_ =	swait.ge [sflag:s17], $0x4000  }
0x34: {  	[sflag:s17] =	ssyncset.done $0x0  }
0x35: {  	s25 =	rddreg [dreg:$0xb];
	[sflag:s17] =	ssyncadd.s32 $0xFFFFC000  }
0x36: {  	[tilespmem:s10], [sflag:$0x1] =	stream.linear.gather [hbm4b:s25+s3], $0x4000, $0x38;
	[tilespmem:$0x1E840] =	vst v63  }
0x37: {  	_ =	swait.ge [sflag:s15], $0x4000  }
0x38: {  	[sflag:s15] =	ssyncset.done $0x0  }
0x39: {  	s26 =	simm.s32 $0x100;
	[sflag:s15] =	ssyncadd.s32 $0xFFFFC000  }
0x3a: {  	[spmem:s2] =	stream.indirect.scatter.add.f32 [tilespmem:s11], [sflag:$0x2], $0x80, s26, s16, $0xb8;
	[tilespmem:$0x1E840] =	vst v63  }
0x3b: {  	_ =	swait.ge [sflag:s17], $0x4000  }
0x3c: {  	[sflag:s17] =	ssyncset.done $0x0  }
0x3d: {  	s19 =	rddreg [dreg:$0xc];
	[sflag:s17] =	ssyncadd.s32 $0xFFFFC000  }
0x3e: {  	[tilespmem:s11], [sflag:$0x1] =	stream.linear.gather [hbm4b:s19+s3], $0x4000, $0x38;
	[tilespmem:$0x1E840] =	vst v63  }
0x3f: {  	_ =	swait.ge [sflag:s15], $0x4000  }
0x40: {  	[sflag:s15] =	ssyncset.done $0x0  }
0x41: {  	s19 =	simm.s32 $0x180;
	[sflag:s15] =	ssyncadd.s32 $0xFFFFC000  }
0x42: {  	[spmem:s2] =	stream.indirect.scatter.add.f32 [tilespmem:s12], [sflag:$0x2], $0x80, s19, s16, $0xb8;
	[tilespmem:$0x1E840] =	vst v63  }
0x43: {  	_ =	swait.ge [sflag:s17], $0x4000  }
0x44: {  	[sflag:s17] =	ssyncset.done $0x0  }
0x45: {  	s20 =	rddreg [dreg:$0xd];
	[sflag:s17] =	ssyncadd.s32 $0xFFFFC000  }
0x46: {  	[tilespmem:s12], [sflag:$0x1] =	stream.linear.gather [hbm4b:s20+s3], $0x4000, $0x38;
	[tilespmem:$0x1E840] =	vst v63  }
0x47: {  	_ =	swait.ge [sflag:s15], $0x4000  }
0x48: {  	[sflag:s15] =	ssyncset.done $0x0  }
0x49: {  	s20 =	simm.s32 $0x200;
	[sflag:s15] =	ssyncadd.s32 $0xFFFFC000  }
0x4a: {  	[spmem:s2] =	stream.indirect.scatter.add.f32 [tilespmem:s13], [sflag:$0x2], $0x80, s20, s16, $0xb8;
	[tilespmem:$0x1E840] =	vst v63  }
0x4b: {  	_ =	swait.ge [sflag:s17], $0x4000  }
0x4c: {  	[sflag:s17] =	ssyncset.done $0x0  }
0x4d: {  	s21 =	sadd.s32 $0x5000, s23;
	[sflag:s17] =	ssyncadd.s32 $0xFFFFC000  }
0x4e: {  	[tilespmem:s13], [sflag:$0x1] =	stream.linear.gather [hbm4b:s21+s3], $0x4000, $0x38;
	[tilespmem:$0x1E840] =	vst v63  }
0x4f: {  	_ =	swait.ge [sflag:s15], $0x4000  }
0x50: {  	[sflag:s15] =	ssyncset.done $0x0  }
0x51: {  	s22 =	simm.s32 $0x280;
	[sflag:s15] =	ssyncadd.s32 $0xFFFFC000  }
0x52: {  	[spmem:s2] =	stream.indirect.scatter.add.f32 [tilespmem:s14], [sflag:$0x2], $0x80, s22, s16, $0xb8;
	[tilespmem:$0x1E840] =	vst v63  }
0x53: {  	_ =	swait.ge [sflag:s17], $0x4000  }
0x54: {  	[sflag:s17] =	ssyncset.done $0x0  }
0x55: {  	s23 =	sadd.s32 $0x5800, s23;
	[sflag:s17] =	ssyncadd.s32 $0xFFFFC000  }
0x56: {  	[tilespmem:s14], [sflag:$0x1] =	stream.linear.gather [hbm4b:s23+s3], $0x4000, $0x38;
	[tilespmem:$0x1E840] =	vst v63  }
0x57: {  	_ =	swait.ge [sflag:s15], $0x4000  }
0x58: {  	[sflag:s15] =	ssyncset.done $0x0  }
0x59: {  	s24 =	simm.s32 $0x300;
	[sflag:s15] =	ssyncadd.s32 $0xFFFFC000  }
0x5a: {  	[spmem:s2] =	stream.indirect.scatter.add.f32 [tilespmem:s9], [sflag:$0x2], $0x80, s24, s16, $0xb8;
	[tilespmem:$0x1E840] =	vst v63  }
0x5b: {  	_ =	swait.ge [sflag:s15], $0x4000  }
0x5c: {  	[sflag:s15] =	ssyncset.done $0x0  }
0x5d: {  	s25 =	simm.s32 $0x380;
	[sflag:s15] =	ssyncadd.s32 $0xFFFFC000  }
0x5e: {  	[spmem:s2] =	stream.indirect.scatter.add.f32 [tilespmem:s10], [sflag:$0x2], $0x80, s25, s16, $0xb8;
	[tilespmem:$0x1E840] =	vst v63  }
0x5f: {  	_ =	swait.ge [sflag:s15], $0x4000  }
0x60: {  	[sflag:s15] =	ssyncset.done $0x0  }
0x61: {  	s26 =	simm.s32 $0x400;
	[sflag:s15] =	ssyncadd.s32 $0xFFFFC000  }
0x62: {  	[spmem:s2] =	stream.indirect.scatter.add.f32 [tilespmem:s11], [sflag:$0x2], $0x80, s26, s16, $0xb8;
	[tilespmem:$0x1E840] =	vst v63  }
0x63: {  	_ =	swait.ge [sflag:s15], $0x4000  }
0x64: {  	[sflag:s15] =	ssyncset.done $0x0  }
0x65: {  	s28 =	simm.s32 $0x480;
	[sflag:s15] =	ssyncadd.s32 $0xFFFFC000  }
0x66: {  	[spmem:s2] =	stream.indirect.scatter.add.f32 [tilespmem:s12], [sflag:$0x2], $0x80, s28, s16, $0xb8;
	[tilespmem:$0x1E840] =	vst v63  }
0x67: {  	_ =	swait.ge [sflag:s15], $0x4000  }
0x68: {  	[sflag:s15] =	ssyncset.done $0x0  }
0x69: {  	s29 =	simm.s32 $0x500;
	[sflag:s15] =	ssyncadd.s32 $0xFFFFC000  }
0x6a: {  	[spmem:s2] =	stream.indirect.scatter.add.f32 [tilespmem:s13], [sflag:$0x2], $0x80, s29, s16, $0xb8;
	[tilespmem:$0x1E840] =	vst v63  }
0x6b: {  	_ =	swait.ge [sflag:s15], $0x4000  }
0x6c: {  	[sflag:s15] =	ssyncset.done $0x0  }
0x6d: {  	s30 =	simm.s32 $0x580;
	[sflag:s15] =	ssyncadd.s32 $0xFFFFC000  }
0x6e: {  	[spmem:s2] =	stream.indirect.scatter.add.f32 [tilespmem:s14], [sflag:$0x2], $0x80, s30, s16, $0xb8;
	[tilespmem:$0x1E840] =	vst v63  }
0x6f: {  	_ =	swait.ge [sflag:s17], $0x4000  }
0x70: {  	[sflag:s17] =	ssyncset.done $0x0  }
0x71: {  	[sflag:s17] =	ssyncadd.s32 $0xFFFFC000  }
0x72: {  	_ =	swait.ge [sflag:s17], $0x4000  }
0x73: {  	[sflag:s17] =	ssyncset.done $0x0  }
0x74: {  	[sflag:s17] =	ssyncadd.s32 $0xFFFFC000  }
0x75: {  	_ =	swait.ge [sflag:s17], $0x4000  }
0x76: {  	[sflag:s17] =	ssyncset.done $0x0  }
0x77: {  	[sflag:s17] =	ssyncadd.s32 $0xFFFFC000  }
0x78: {  	_ =	swait.ge [sflag:s17], $0x4000  }
0x79: {  	[sflag:s17] =	ssyncset.done $0x0  }
0x7a: {  	[sflag:s17] =	ssyncadd.s32 $0xFFFFC000  }
0x7b: {  	_ =	swait.ge [sflag:s17], $0x4000  }
0x7c: {  	[sflag:s17] =	ssyncset.done $0x0  }
0x7d: {  	[sflag:s17] =	ssyncadd.s32 $0xFFFFC000  }
0x7e: {  	_ =	swait.ge [sflag:s17], $0x4000  }
0x7f: {  	[sflag:s17] =	ssyncset.done $0x0  }
0x80: {  	s0 =	smul.u32 $0xC00, s0;
	[sflag:s17] =	ssyncadd.s32 $0xFFFFC000  }
0x81: {  	s18 =	smul.u32 $0xC000, s31;
	s31 =	ssub.s32 $0x2, s31;
	[bflag:$0x0] =	sbarrier.arrive $0xFFFF  }
0x82: {  	[tilespmem:s9], [sflag:$0x3] =	stream.linear.gather [spmem:s6], $0x6000, $0x38;
	[tilespmem:$0x1E840] =	vst v63  }
0x83: {  	s1 =	sshrl.u32 s31, $0x1;
	_ =	swait.ge [sflag:s5], $0x6000  }
0x84: {  	s0 =	sadd.s32 s0, s18;
	s1 =	ssub.s32 s31, s1;
	s18 =	rddreg [dreg:$0x0]  }
0x85: {  	s0 =	sadd.s32 s0, s18;
	s18 =	smax.u32 s1, $0x1  }
0x86: {  	p0 =	sne.s32 s18, $0x1  }
.Ltmp0:
0x87: {  	_ = 	snop;
	(pc) =	sbr.rel @!p0 .LBB2_2-.Ltmp0, $4  }
0x88: {  	[sflag:s5] =	ssyncset.done $0x0  }
0x89: {  	[sflag:s5] =	ssyncadd.s32 $0xFFFFA000;
	s31 =	sadd.s32 $0xB1400, s0  }
0x8a: {  	[hbm4b:s31+s3] =	stream.linear.scatter [tilespmem:s9], [sflag:$0x3], $0x6000, $0x38;
	[tilespmem:$0x1E840] =	vst v63  }
0x8b: {  	s0 =	sadd.s32 $0xFFFFFFFF, s18;
	_ =	swait.ge [sflag:s5], $0x6000  }
.LBB2_1:
0x8c: {  	[sflag:s5] =	ssyncset.done $0x0  }
0x8d: {  	s1 =	rddreg [dreg:$0x4];
	[sflag:s5] =	ssyncadd.s32 $0xFFFFA000  }
0x8e: {  	[tilespmem:s3], [sflag:$0x3] =	stream.linear.gather [hbm4b:s1+s3], $0x800, $0x38;
	[tilespmem:$0x1E840] =	vst v63  }
0x8f: {  	_ =	swait.ge [sflag:s5], $0x800  }
0x90: {  	[sflag:s5] =	ssyncset.done $0x0  }
0x91: {  	s18 =	rddreg [dreg:$0x3];
	[sflag:s5] =	ssyncadd.s32 $0xFFFFF800  }
0x92: {  	[spmem:s8], [sflag:s7] =	dma.local [hbm:s18], $0xC00  }
0x93: {  	_ =	swait.ge [sflag:s5], $0xC00  }
0x94: {  	[sflag:s5] =	ssyncset.done $0x0  }
0x95: {  	[sflag:s5] =	ssyncadd.s32 $0xFFFFF400  }
0x96: {  	[bflag:$0x0] =	sbarrier.arrive $0xFFFF  }
0x97: {  	[tilespmem:s9], [sflag:$0x1] =	stream.linear.gather [hbm4b:s4+s3], $0x4000, $0x38;
	[tilespmem:$0x1E840] =	vst v63  }
0x98: {  	s1 =	rddreg [dreg:$0x5]  }
0x99: {  	[tilespmem:s10], [sflag:$0x1] =	stream.linear.gather [hbm4b:s1+s3], $0x4000, $0x38;
	[tilespmem:$0x1E840] =	vst v63  }
0x9a: {  	s18 =	rddreg [dreg:$0x6]  }
0x9b: {  	[tilespmem:s11], [sflag:$0x1] =	stream.linear.gather [hbm4b:s18+s3], $0x4000, $0x38;
	[tilespmem:$0x1E840] =	vst v63  }
0x9c: {  	s1 =	rddreg [dreg:$0x7]  }
0x9d: {  	[tilespmem:s12], [sflag:$0x1] =	stream.linear.gather [hbm4b:s1+s3], $0x4000, $0x38;
	[tilespmem:$0x1E840] =	vst v63  }
0x9e: {  	s18 =	rddreg [dreg:$0x8]  }
0x9f: {  	[tilespmem:s13], [sflag:$0x1] =	stream.linear.gather [hbm4b:s18+s3], $0x4000, $0x38;
	[tilespmem:$0x1E840] =	vst v63  }
0xa0: {  	s1 =	rddreg [dreg:$0x9]  }
0xa1: {  	[tilespmem:s14], [sflag:$0x1] =	stream.linear.gather [hbm4b:s1+s3], $0x4000, $0x38;
	[tilespmem:$0x1E840] =	vst v63  }
0xa2: {  	_ =	swait.ge [sflag:s15], $0x4000  }
0xa3: {  	[sflag:s15] =	ssyncset.done $0x0  }
0xa4: {  	[sflag:s15] =	ssyncadd.s32 $0xFFFFC000  }
0xa5: {  	[spmem:s2] =	stream.indirect.scatter.add.f32 [tilespmem:s9], [sflag:$0x2], $0x80, s3, s16, $0xb8;
	[tilespmem:$0x1E840] =	vst v63  }
0xa6: {  	_ =	swait.ge [sflag:s17], $0x4000  }
0xa7: {  	[sflag:s17] =	ssyncset.done $0x0  }
0xa8: {  	s18 =	rddreg [dreg:$0xa];
	[sflag:s17] =	ssyncadd.s32 $0xFFFFC000  }
0xa9: {  	[tilespmem:s9], [sflag:$0x1] =	stream.linear.gather [hbm4b:s18+s3], $0x4000, $0x38;
	[tilespmem:$0x1E840] =	vst v63  }
0xaa: {  	_ =	swait.ge [sflag:s15], $0x4000  }
0xab: {  	[sflag:s15] =	ssyncset.done $0x0  }
0xac: {  	[sflag:s15] =	ssyncadd.s32 $0xFFFFC000  }
0xad: {  	[spmem:s2] =	stream.indirect.scatter.add.f32 [tilespmem:s10], [sflag:$0x2], $0x80, s16, s16, $0xb8;
	[tilespmem:$0x1E840] =	vst v63  }
0xae: {  	_ =	swait.ge [sflag:s17], $0x4000  }
0xaf: {  	[sflag:s17] =	ssyncset.done $0x0  }
0xb0: {  	s18 =	rddreg [dreg:$0xb];
	[sflag:s17] =	ssyncadd.s32 $0xFFFFC000  }
0xb1: {  	[tilespmem:s10], [sflag:$0x1] =	stream.linear.gather [hbm4b:s18+s3], $0x4000, $0x38;
	[tilespmem:$0x1E840] =	vst v63  }
0xb2: {  	_ =	swait.ge [sflag:s15], $0x4000  }
0xb3: {  	[sflag:s15] =	ssyncset.done $0x0  }
0xb4: {  	s18 =	simm.s32 $0x100;
	[sflag:s15] =	ssyncadd.s32 $0xFFFFC000  }
0xb5: {  	[spmem:s2] =	stream.indirect.scatter.add.f32 [tilespmem:s11], [sflag:$0x2], $0x80, s18, s16, $0xb8;
	[tilespmem:$0x1E840] =	vst v63  }
0xb6: {  	_ =	swait.ge [sflag:s17], $0x4000  }
0xb7: {  	[sflag:s17] =	ssyncset.done $0x0  }
0xb8: {  	s18 =	rddreg [dreg:$0xc];
	[sflag:s17] =	ssyncadd.s32 $0xFFFFC000  }
0xb9: {  	[tilespmem:s11], [sflag:$0x1] =	stream.linear.gather [hbm4b:s18+s3], $0x4000, $0x38;
	[tilespmem:$0x1E840] =	vst v63  }
0xba: {  	_ =	swait.ge [sflag:s15], $0x4000  }
0xbb: {  	[sflag:s15] =	ssyncset.done $0x0  }
0xbc: {  	[sflag:s15] =	ssyncadd.s32 $0xFFFFC000  }
0xbd: {  	[spmem:s2] =	stream.indirect.scatter.add.f32 [tilespmem:s12], [sflag:$0x2], $0x80, s19, s16, $0xb8;
	[tilespmem:$0x1E840] =	vst v63  }
0xbe: {  	_ =	swait.ge [sflag:s17], $0x4000  }
0xbf: {  	[sflag:s17] =	ssyncset.done $0x0  }
0xc0: {  	s18 =	rddreg [dreg:$0xd];
	[sflag:s17] =	ssyncadd.s32 $0xFFFFC000  }
0xc1: {  	[tilespmem:s12], [sflag:$0x1] =	stream.linear.gather [hbm4b:s18+s3], $0x4000, $0x38;
	[tilespmem:$0x1E840] =	vst v63  }
0xc2: {  	_ =	swait.ge [sflag:s15], $0x4000  }
0xc3: {  	[sflag:s15] =	ssyncset.done $0x0  }
0xc4: {  	[sflag:s15] =	ssyncadd.s32 $0xFFFFC000  }
0xc5: {  	[spmem:s2] =	stream.indirect.scatter.add.f32 [tilespmem:s13], [sflag:$0x2], $0x80, s20, s16, $0xb8;
	[tilespmem:$0x1E840] =	vst v63  }
0xc6: {  	_ =	swait.ge [sflag:s17], $0x4000  }
0xc7: {  	[sflag:s17] =	ssyncset.done $0x0  }
0xc8: {  	[sflag:s17] =	ssyncadd.s32 $0xFFFFC000  }
0xc9: {  	[tilespmem:s13], [sflag:$0x1] =	stream.linear.gather [hbm4b:s21+s3], $0x4000, $0x38;
	[tilespmem:$0x1E840] =	vst v63  }
0xca: {  	_ =	swait.ge [sflag:s15], $0x4000  }
0xcb: {  	[sflag:s15] =	ssyncset.done $0x0  }
0xcc: {  	[sflag:s15] =	ssyncadd.s32 $0xFFFFC000  }
0xcd: {  	[spmem:s2] =	stream.indirect.scatter.add.f32 [tilespmem:s14], [sflag:$0x2], $0x80, s22, s16, $0xb8;
	[tilespmem:$0x1E840] =	vst v63  }
0xce: {  	_ =	swait.ge [sflag:s17], $0x4000  }
0xcf: {  	[sflag:s17] =	ssyncset.done $0x0  }
0xd0: {  	[sflag:s17] =	ssyncadd.s32 $0xFFFFC000  }
0xd1: {  	[tilespmem:s14], [sflag:$0x1] =	stream.linear.gather [hbm4b:s23+s3], $0x4000, $0x38;
	[tilespmem:$0x1E840] =	vst v63  }
0xd2: {  	_ =	swait.ge [sflag:s15], $0x4000  }
0xd3: {  	[sflag:s15] =	ssyncset.done $0x0  }
0xd4: {  	[sflag:s15] =	ssyncadd.s32 $0xFFFFC000  }
0xd5: {  	[spmem:s2] =	stream.indirect.scatter.add.f32 [tilespmem:s9], [sflag:$0x2], $0x80, s24, s16, $0xb8;
	[tilespmem:$0x1E840] =	vst v63  }
0xd6: {  	_ =	swait.ge [sflag:s15], $0x4000  }
0xd7: {  	[sflag:s15] =	ssyncset.done $0x0  }
0xd8: {  	[sflag:s15] =	ssyncadd.s32 $0xFFFFC000  }
0xd9: {  	[spmem:s2] =	stream.indirect.scatter.add.f32 [tilespmem:s10], [sflag:$0x2], $0x80, s25, s16, $0xb8;
	[tilespmem:$0x1E840] =	vst v63  }
0xda: {  	_ =	swait.ge [sflag:s15], $0x4000  }
0xdb: {  	[sflag:s15] =	ssyncset.done $0x0  }
0xdc: {  	[sflag:s15] =	ssyncadd.s32 $0xFFFFC000  }
0xdd: {  	[spmem:s2] =	stream.indirect.scatter.add.f32 [tilespmem:s11], [sflag:$0x2], $0x80, s26, s16, $0xb8;
	[tilespmem:$0x1E840] =	vst v63  }
0xde: {  	_ =	swait.ge [sflag:s15], $0x4000  }
0xdf: {  	[sflag:s15] =	ssyncset.done $0x0  }
0xe0: {  	[sflag:s15] =	ssyncadd.s32 $0xFFFFC000  }
0xe1: {  	[spmem:s2] =	stream.indirect.scatter.add.f32 [tilespmem:s12], [sflag:$0x2], $0x80, s28, s16, $0xb8;
	[tilespmem:$0x1E840] =	vst v63  }
0xe2: {  	_ =	swait.ge [sflag:s15], $0x4000  }
0xe3: {  	[sflag:s15] =	ssyncset.done $0x0  }
0xe4: {  	[sflag:s15] =	ssyncadd.s32 $0xFFFFC000  }
0xe5: {  	[spmem:s2] =	stream.indirect.scatter.add.f32 [tilespmem:s13], [sflag:$0x2], $0x80, s29, s16, $0xb8;
	[tilespmem:$0x1E840] =	vst v63  }
0xe6: {  	_ =	swait.ge [sflag:s15], $0x4000  }
0xe7: {  	[sflag:s15] =	ssyncset.done $0x0  }
0xe8: {  	[sflag:s15] =	ssyncadd.s32 $0xFFFFC000  }
0xe9: {  	[spmem:s2] =	stream.indirect.scatter.add.f32 [tilespmem:s14], [sflag:$0x2], $0x80, s30, s16, $0xb8;
	[tilespmem:$0x1E840] =	vst v63  }
0xea: {  	_ =	swait.ge [sflag:s17], $0x4000  }
0xeb: {  	[sflag:s17] =	ssyncset.done $0x0  }
0xec: {  	[sflag:s17] =	ssyncadd.s32 $0xFFFFC000  }
0xed: {  	_ =	swait.ge [sflag:s17], $0x4000  }
0xee: {  	[sflag:s17] =	ssyncset.done $0x0  }
0xef: {  	[sflag:s17] =	ssyncadd.s32 $0xFFFFC000  }
0xf0: {  	_ =	swait.ge [sflag:s17], $0x4000  }
0xf1: {  	[sflag:s17] =	ssyncset.done $0x0  }
0xf2: {  	[sflag:s17] =	ssyncadd.s32 $0xFFFFC000  }
0xf3: {  	_ =	swait.ge [sflag:s17], $0x4000  }
0xf4: {  	[sflag:s17] =	ssyncset.done $0x0  }
0xf5: {  	[sflag:s17] =	ssyncadd.s32 $0xFFFFC000  }
0xf6: {  	_ =	swait.ge [sflag:s17], $0x4000  }
0xf7: {  	[sflag:s17] =	ssyncset.done $0x0  }
0xf8: {  	[sflag:s17] =	ssyncadd.s32 $0xFFFFC000  }
0xf9: {  	_ =	swait.ge [sflag:s17], $0x4000  }
0xfa: {  	[sflag:s17] =	ssyncset.done $0x0  }
0xfb: {  	[sflag:s17] =	ssyncadd.s32 $0xFFFFC000  }
0xfc: {  	p0 =	sne.s32 s0, $0x1;
	[bflag:$0x0] =	sbarrier.arrive $0xFFFF  }
0xfd: {  	[tilespmem:s9], [sflag:$0x3] =	stream.linear.gather [spmem:s6], $0x6000, $0x38;
	[tilespmem:$0x1E840] =	vst v63  }
.Ltmp1:
0xfe: {  	_ =	swait.ge [sflag:s5], $0x6000;
	(pc) =	sbr.rel @p0 .LBB2_1-.Ltmp1, $4  }
0xff: {  	[sflag:s5] =	ssyncset.done $0x0  }
0x100: {  	[sflag:s5] =	ssyncadd.s32 $0xFFFFA000  }
0x101: {  	[hbm4b:s31+s3] =	stream.linear.scatter [tilespmem:s9], [sflag:$0x3], $0x6000, $0x38;
	[tilespmem:$0x1E840] =	vst v63  }
0x102: {  	s0 =	sadd.s32 $0xFFFFFFFF, s0;
	_ =	swait.ge [sflag:s5], $0x6000  }
.LBB2_2:
0x103: {  	[sflag:s5] =	ssyncset.done $0x0  }
0x104: {  	[sflag:s5] =	ssyncadd.s32 $0xFFFFA000  }
0x105: {  	_ =	sfence.sel $0x180000  }
0x106: {  	[bflag:$0x0] =	sbarrier.arrive $0xFFFF  }
0x107: {  	_ =	strace $0x9000004A  }
0x108: {  	s0 =	stileid.u32;
	[bflag:$0x2] =	sbarrier.arrive $0xFFFF  }
0x109: {  	p0 =	sne.s32 s0, $0x0;
	s0 =	rddreg [dreg:$0x2]  }
0x10a: {  	s0 =	sadd.s32 @!p0 $0x100000, s0  }
0x10b: {  	[sflag:s0] =	ssyncadd.tile.s32 @!p0 $0x1;
	_ =	shalt  }
.Lfunc_end2:
_tile_overlayer_lowered:
.L_overlay_start_2:
0x10c: {  	(tag) =	ssettag $0x2  }
0x10d: {  	s0 =	rddreg [dreg:$0x0];
	s2 =	stileid.u32  }
0x10e: {  	s1 =	rddreg [dreg:$0x1];
	p0 =	sne.s32 s2, $0x0  }
0x10f: {  	s3 =	rddreg [dreg:$0x2];
	[bflag:$0x3] =	sbarrier.arrive $0xFFFF;
	s2 =	simm.s32 @!p0 $0x1C03  }
0x110: {  	[timem:s3], [sflag:s2] =	dma.local @!p0 [hbm:s0], s1  }
0x111: {  	s0 =	simm.s32 @!p0 $0x3  }
0x112: {  	_ =	swait.ge @!p0 [sflag:s0], s1  }
0x113: {  	s1 =	ssub.s32 @!p0 $0x0, s1;
	[sflag:s0] =	ssyncset.done @!p0 $0x0  }
0x114: {  	[sflag:s0] =	ssyncadd.s32 @!p0 s1  }
0x115: {  	[bflag:$0x3] =	sbarrier.arrive $0xFFFF  }
0x116: {  	_ =	shalt  }

</sc_bundles>
